<compile_context>
chip_gen: v7x
topology: tpu7x:2x2x1
jax: 0.10.2.dev20260603
libtpu: 0.0.44.dev20260713+nightly
codegen_flags: <defaults>
</compile_context>

<pallas_src>
import jax
import jax.numpy as jnp
from jax import lax
from jax.experimental import pallas as pl
from jax.experimental.pallas import tpu as pltpu
from jax.experimental.pallas import tpu_sc as plsc

N = 10000
D = 128
HD = D // 2
E = 320000
NC = 2
NS = 16
NW = NC * NS
CH = 64
NCHUNK = 158
NCH2 = 2 * NCHUNK
EPAD = NW * NCHUNK * CH
NPAD = 10112
ROWS_PER_TILE = NPAD // NS
DUMMY = N
MB = 632
GRID = NPAD // MB


def _sc_mesh():
    return plsc.VectorSubcoreMesh(core_axis_name="c", subcore_axis_name="s",
                                  num_cores=NC, num_subcores=NS)


_SC_PARAMS = pltpu.CompilerParams(use_tc_tiling_on_sc=False)


def _pre_body(row_hbm, col_hbm, zeros16_hbm, ceff_hbm, deg2_hbm,
              rowv, colv, ceffv, reffv, onesv, degsh):
    c = lax.axis_index("c")
    s = lax.axis_index("s")
    tid = c * NS + s
    arow = tid // 2
    aoff = (tid % 2) * NCHUNK
    pltpu.sync_copy(row_hbm.at[arow, pl.ds(aoff, NCHUNK)], rowv)
    pltpu.sync_copy(col_hbm.at[arow, pl.ds(aoff, NCHUNK)], colv)
    pltpu.sync_copy(zeros16_hbm.at[pl.ds(s * ROWS_PER_TILE, ROWS_PER_TILE)],
                    degsh.at[pl.ds(s * ROWS_PER_TILE, ROWS_PER_TILE)])
    lanes = lax.iota(jnp.int32, 16)

    sub = CH // 16

    def cb(i, carry):
        j = i // sub
        k = (i % sub) * 16
        r = rowv[j, pl.ds(k, 16)]
        cc = colv[j, pl.ds(k, 16)]
        m = r != cc
        dv = DUMMY + lax.rem(i * 16 + lanes, NPAD - N)
        ceffv[j, pl.ds(k, 16)] = jnp.where(m, cc, dv)
        reffv[j, pl.ds(k, 16)] = jnp.where(m, r, dv)
        return carry

    lax.fori_loop(0, NCHUNK * sub, cb, 0)

    def ob(i, carry):
        onesv[i] = jnp.where(lanes == 0, 1.0, 0.0).astype(jnp.float32)
        return carry

    lax.fori_loop(0, CH, ob, 0)
    plsc.subcore_barrier()

    def sb(j, carry):
        pltpu.sync_copy(onesv, degsh.at[reffv.at[j]], add=True)
        return carry

    lax.fori_loop(0, NCHUNK, sb, 0)
    plsc.subcore_barrier()
    base = c * NPAD + s * ROWS_PER_TILE
    pltpu.sync_copy(degsh.at[pl.ds(s * ROWS_PER_TILE, ROWS_PER_TILE)],
                    deg2_hbm.at[pl.ds(base, ROWS_PER_TILE)])
    pltpu.sync_copy(ceffv, ceff_hbm.at[arow, pl.ds(aoff, NCHUNK)])


def _preprocess(row_p, col_p, zeros16):
    return pl.kernel(
        _pre_body,
        out_type=(
            jax.ShapeDtypeStruct((NS, NCH2, CH), jnp.int32),
            jax.ShapeDtypeStruct((NC * NPAD, 16), jnp.float32),
        ),
        mesh=_sc_mesh(),
        scratch_types=[
            pltpu.VMEM((NCHUNK, CH), jnp.int32),
            pltpu.VMEM((NCHUNK, CH), jnp.int32),
            pltpu.VMEM((NCHUNK, CH), jnp.int32),
            pltpu.VMEM((NCHUNK, CH), jnp.int32),
            pltpu.VMEM((CH, 16), jnp.float32),
            pltpu.VMEM_SHARED((NPAD, 16), jnp.float32),
        ],
        compiler_params=_SC_PARAMS,
    )(row_p, col_p, zeros16)


def _agg_body(s2_hbm, row_hbm, ceff_hbm, zerosd_hbm, out_hbm,
              rowv, ceffv, buf0, buf1,
              table, acc, sem0, sem1):
    c = lax.axis_index("c")
    s = lax.axis_index("s")
    pltpu.sync_copy(row_hbm.at[s], rowv)
    pltpu.sync_copy(ceff_hbm.at[s], ceffv)
    pltpu.sync_copy(s2_hbm.at[pl.ds(s * ROWS_PER_TILE, ROWS_PER_TILE),
                              pl.ds(c * HD, HD)],
                    table.at[pl.ds(s * ROWS_PER_TILE, ROWS_PER_TILE)])
    pltpu.sync_copy(zerosd_hbm.at[pl.ds(s * ROWS_PER_TILE, ROWS_PER_TILE)],
                    acc.at[pl.ds(s * ROWS_PER_TILE, ROWS_PER_TILE)])
    plsc.subcore_barrier()

    def issue(j, buf, sem):
        pltpu.async_copy(table.at[rowv.at[j]], buf, sem)

    def wait(buf, sem):
        pltpu.make_async_copy(table.at[pl.ds(0, CH)], buf, sem).wait()

    def scat(j, buf):
        pltpu.sync_copy(buf, acc.at[ceffv.at[j]], add=True)

    issue(0, buf0, sem0)
    issue(1, buf1, sem1)

    def pair(i, carry):
        wait(buf0, sem0)
        scat(2 * i, buf0)
        issue(2 * i + 2, buf0, sem0)
        wait(buf1, sem1)
        scat(2 * i + 1, buf1)
        issue(2 * i + 3, buf1, sem1)
        return carry

    lax.fori_loop(0, NCH2 // 2 - 1, pair, 0)
    wait(buf0, sem0)
    scat(NCH2 - 2, buf0)
    wait(buf1, sem1)
    scat(NCH2 - 1, buf1)
    plsc.subcore_barrier()
    pltpu.sync_copy(acc.at[pl.ds(s * ROWS_PER_TILE, ROWS_PER_TILE)],
                    out_hbm.at[pl.ds(s * ROWS_PER_TILE, ROWS_PER_TILE),
                               pl.ds(c * HD, HD)])


def _aggregate(s2, row_a, ceff_a, zerosd):
    return pl.kernel(
        _agg_body,
        out_type=jax.ShapeDtypeStruct((NPAD, D), jnp.float32),
        mesh=_sc_mesh(),
        scratch_types=[
            pltpu.VMEM((NCH2, CH), jnp.int32),
            pltpu.VMEM((NCH2, CH), jnp.int32),
            pltpu.VMEM((CH, HD), jnp.float32),
            pltpu.VMEM((CH, HD), jnp.float32),
            pltpu.VMEM_SHARED((NPAD, HD), jnp.float32),
            pltpu.VMEM_SHARED((NPAD, HD), jnp.float32),
            pltpu.SemaphoreType.DMA,
            pltpu.SemaphoreType.DMA,
        ],
        compiler_params=_SC_PARAMS,
    )(s2, row_a, ceff_a, zerosd)


def _fin_body(deg2_ref, dis_ref):
    full = deg2_ref[...]
    d = full[0:NPAD, 0:8] + full[NPAD:2 * NPAD, 0:8]
    r = lax.rsqrt(d)
    row = lax.broadcasted_iota(jnp.int32, (NPAD, 8), 0)
    dis_ref[...] = jnp.where(row < N, r, 0.0)


def _finalize_deg(deg2):
    return pl.pallas_call(
        _fin_body,
        out_shape=jax.ShapeDtypeStruct((NPAD, 8), jnp.float32),
    )(deg2)


def _dot(h, w):
    return lax.dot_general(h, w, (((1,), (1,)), ((), ())),
                           precision=lax.Precision.HIGHEST,
                           preferred_element_type=jnp.float32)


def _lin_body(dis_ref, h_ref, w_ref, b_ref, s_ref):
    dis = dis_ref[...][:, 0:1]
    s_ref[...] = dis * (_dot(h_ref[...], w_ref[...]) + b_ref[...])


def _linear(dis, h, w, b):
    return pl.pallas_call(
        _lin_body,
        grid=(GRID,),
        in_specs=[
            pl.BlockSpec((MB, 8), lambda i: (i, 0)),
            pl.BlockSpec((MB, D), lambda i: (i, 0)),
            pl.BlockSpec((D, D), lambda i: (0, 0)),
            pl.BlockSpec((1, D), lambda i: (0, 0)),
        ],
        out_specs=pl.BlockSpec((MB, D), lambda i: (i, 0)),
        out_shape=jax.ShapeDtypeStruct((NPAD, D), jnp.float32),
    )(dis, h, w, b)


def _resid_lin_body(h_ref, a_ref, dis_ref, w_ref, b_ref, hn_ref, s_ref):
    dis = dis_ref[...][:, 0:1]
    hn = h_ref[...] + jnp.maximum(dis * a_ref[...], 0.0)
    hn_ref[...] = hn
    s_ref[...] = dis * (_dot(hn, w_ref[...]) + b_ref[...])


def _resid_linear(h, acc, dis, w, b):
    return pl.pallas_call(
        _resid_lin_body,
        grid=(GRID,),
        in_specs=[
            pl.BlockSpec((MB, D), lambda i: (i, 0)),
            pl.BlockSpec((MB, D), lambda i: (i, 0)),
            pl.BlockSpec((MB, 8), lambda i: (i, 0)),
            pl.BlockSpec((D, D), lambda i: (0, 0)),
            pl.BlockSpec((1, D), lambda i: (0, 0)),
        ],
        out_specs=[
            pl.BlockSpec((MB, D), lambda i: (i, 0)),
            pl.BlockSpec((MB, D), lambda i: (i, 0)),
        ],
        out_shape=[
            jax.ShapeDtypeStruct((NPAD, D), jnp.float32),
            jax.ShapeDtypeStruct((NPAD, D), jnp.float32),
        ],
    )(h, acc, dis, w, b)


def _resid_body(h_ref, a_ref, dis_ref, hn_ref):
    dis = dis_ref[...][:, 0:1]
    hn_ref[...] = h_ref[...] + jnp.maximum(dis * a_ref[...], 0.0)


def _resid(h, acc, dis):
    return pl.pallas_call(
        _resid_body,
        grid=(GRID,),
        in_specs=[
            pl.BlockSpec((MB, D), lambda i: (i, 0)),
            pl.BlockSpec((MB, D), lambda i: (i, 0)),
            pl.BlockSpec((MB, 8), lambda i: (i, 0)),
        ],
        out_specs=pl.BlockSpec((MB, D), lambda i: (i, 0)),
        out_shape=jax.ShapeDtypeStruct((NPAD, D), jnp.float32),
    )(h, acc, dis)


def kernel(x, edge_index, W0, b0, W1, b1, W2, b2):
    x_p = jnp.pad(x, ((0, NPAD - N), (0, 0)))
    pad = jnp.zeros((EPAD - E,), jnp.int32)
    row_p = jnp.concatenate([edge_index[0], pad]).reshape(NS, NCH2, CH)
    col_p = jnp.concatenate([edge_index[1], pad]).reshape(NS, NCH2, CH)
    zeros16 = jnp.zeros((NPAD, 16), jnp.float32)
    zerosd = jnp.zeros((NPAD, HD), jnp.float32)

    ceff, deg2 = _preprocess(row_p, col_p, zeros16)
    dis = _finalize_deg(deg2)
    row_a = row_p
    ceff_a = ceff

    b0r = b0.reshape(1, D)
    b1r = b1.reshape(1, D)
    b2r = b2.reshape(1, D)

    s = _linear(dis, x_p, W0, b0r)
    acc = _aggregate(s, row_a, ceff_a, zerosd)
    h1, s = _resid_linear(x_p, acc, dis, W1, b1r)
    acc = _aggregate(s, row_a, ceff_a, zerosd)
    h2, s = _resid_linear(h1, acc, dis, W2, b2r)
    acc = _aggregate(s, row_a, ceff_a, zerosd)
    h3 = _resid(h2, acc, dis)
    return h3[:N]

# --- scband reference (transcript-rebuilt; emitter-appended) ---
"""Pipeline reference for scband-gcn-33243046871768 (READ-ONLY COPY).

The authoritative reference and input builder live on the scoring server;
editing this copy changes nothing except your own understanding.
"""

import jax, jax.numpy as jnp
import numpy as np

N = 10000
D = 128
E = 320000
NUM_LAYERS = 3


def setup_inputs(seed: int = 0) -> dict:
    key = jax.random.key(seed)
    ks = jax.random.split(key, 2 + 2 * NUM_LAYERS)
    x = jax.random.normal(ks[0], (N, D), dtype=jnp.float32)
    edge_index = jax.random.randint(ks[1], (2, E), 0, N, dtype=jnp.int32)
    inp = {"x": x, "edge_index": edge_index}
    s = 1.0 / np.sqrt(D)
    for i in range(NUM_LAYERS):
        inp[f"W{i}"] = jax.random.uniform(ks[2 + 2 * i], (D, D), minval=-s, maxval=s, dtype=jnp.float32)
        inp[f"b{i}"] = jax.random.uniform(ks[3 + 2 * i], (D,), minval=-s, maxval=s, dtype=jnp.float32)
    return inp


def _base_gcn_layer(h, row, col, mask, W, b):
    n = h.shape[0]
    # x = self.lin(x)
    hh = h @ W.T + b
    # degree of source nodes (row), size[0] = N; masked edges contribute 0
    mask_f = mask.astype(hh.dtype)
    deg = jnp.zeros((n,), dtype=hh.dtype).at[row].add(mask_f)
    deg_inv_sqrt = deg ** (-0.5)
    norm = deg_inv_sqrt[row] * deg_inv_sqrt[col]
    norm = jnp.where(mask, norm, jnp.zeros((), dtype=hh.dtype))
    # message: norm * x_j where x_j = x[row]; aggregate: scatter-add at col
    msg = norm[:, None] * hh[row]
    out = jnp.zeros_like(hh).at[col].add(msg)
    return out


def reference(x, edge_index, W0, b0, W1, b1, W2, b2):
    # remove_self_loops (same edges removed in every layer)
    row_all = edge_index[0]
    col_all = edge_index[1]
    mask = row_all != col_all
    h = x
    for W, b in ((W0, b0), (W1, b1), (W2, b2)):
        h_new = _base_gcn_layer(h, row_all, col_all, mask, W, b)
        h_new = jax.nn.relu(h_new)
        h = h + h_new
    return h

if __name__ == "__main__":
    import jax
    _d = setup_inputs()
    print(jax.jit(kernel)(*tuple(_d.values())))

</pallas_src>

<mosaic_0001>
#map = affine_map<(d0, d1) -> (0, 0)>
#map1 = affine_map<(d0, d1) -> (0, 0, 0)>
module attributes {stable_mosaic.version = 14 : i64} {
  func.func @_agg_body(%arg0: i32, %arg1: i32, %arg2: memref<10112x128xf32, #tpu.memory_space<hbm>>, %arg3: memref<16x316x64xi32, #tpu.memory_space<hbm>>, %arg4: memref<16x316x64xi32, #tpu.memory_space<hbm>>, %arg5: memref<10112x64xf32, #tpu.memory_space<hbm>>, %arg6: memref<10112x128xf32, #tpu.memory_space<hbm>>, %arg7: memref<316x64xi32, #tpu.memory_space<vmem>>, %arg8: memref<316x64xi32, #tpu.memory_space<vmem>>, %arg9: memref<64x64xf32, #tpu.memory_space<vmem>>, %arg10: memref<64x64xf32, #tpu.memory_space<vmem>>, %arg11: memref<10112x64xf32, #tpu.memory_space<vmem_shared>>, %arg12: memref<10112x64xf32, #tpu.memory_space<vmem_shared>>, %arg13: memref<!tpu.dma_semaphore, #tpu.memory_space<semaphore_mem>>, %arg14: memref<!tpu.dma_semaphore, #tpu.memory_space<semaphore_mem>>) attributes {dimension_semantics = [#tpu.dimension_semantics<core_parallel>, #tpu.dimension_semantics<subcore_parallel>], iteration_bounds = array<i64: 2, 16>, scalar_prefetch = 0 : i64, scratch_operands = 8 : i64, tpu.core_type = #tpu.core_type<sc_vector_subcore>, window_params = [{transform_indices = #map}, {transform_indices = #map1}, {transform_indices = #map1}, {transform_indices = #map}, {transform_indices = #map}]} {
    "tpu.region"() ({
      %run_scoped3A_46 = tpu.sem_alloc : memref<!tpu.dma_semaphore, #tpu.memory_space<semaphore_mem>>
      %dma_start3A_47 = arith.constant 0 : i32
      %dma_start3A_48 = arith.constant 0 : i32
      %dma_start3A_49 = tpu.memref_slice %arg3[%arg1, %dma_start3A_47, %dma_start3A_48] : memref<16x316x64xi32, #tpu.memory_space<hbm>> -> memref<1x316x64xi32, #tpu.memory_space<hbm>>
      %dma_start3A_50 = tpu.memref_squeeze %dma_start3A_49 : memref<1x316x64xi32, #tpu.memory_space<hbm>> -> memref<316x64xi32, #tpu.memory_space<hbm>>
      %dma_start3A_51 = arith.constant 0 : i32
      %dma_start3A_52 = arith.constant 0 : i32
      %dma_start3A_53 = tpu.memref_slice %arg3[%arg1, %dma_start3A_51, %dma_start3A_52] : memref<16x316x64xi32, #tpu.memory_space<hbm>> -> memref<1x316x64xi32, #tpu.memory_space<hbm>>
      %dma_start3A_54 = tpu.memref_squeeze %dma_start3A_53 : memref<1x316x64xi32, #tpu.memory_space<hbm>> -> memref<316x64xi32, #tpu.memory_space<hbm>>
      tpu.enqueue_dma source(%dma_start3A_54 : memref<316x64xi32, #tpu.memory_space<hbm>>) target(%arg7 : memref<316x64xi32, #tpu.memory_space<vmem>>) target_semaphore(%run_scoped3A_46 : memref<!tpu.dma_semaphore, #tpu.memory_space<semaphore_mem>>)
      %dma_wait3A_55 = arith.constant 0 : i32
      %dma_wait3A_56 = arith.constant 0 : i32
      %dma_wait3A_57 = tpu.memref_slice %arg3[%arg1, %dma_wait3A_55, %dma_wait3A_56] : memref<16x316x64xi32, #tpu.memory_space<hbm>> -> memref<1x316x64xi32, #tpu.memory_space<hbm>>
      %dma_wait3A_58 = tpu.memref_squeeze %dma_wait3A_57 : memref<1x316x64xi32, #tpu.memory_space<hbm>> -> memref<316x64xi32, #tpu.memory_space<hbm>>
      %dma_wait3A_59 = arith.constant 0 : i32
      %dma_wait3A_60 = arith.constant 0 : i32
      %dma_wait3A_61 = tpu.memref_slice %arg3[%arg1, %dma_wait3A_59, %dma_wait3A_60] : memref<16x316x64xi32, #tpu.memory_space<hbm>> -> memref<1x316x64xi32, #tpu.memory_space<hbm>>
      %dma_wait3A_62 = tpu.memref_squeeze %dma_wait3A_61 : memref<1x316x64xi32, #tpu.memory_space<hbm>> -> memref<316x64xi32, #tpu.memory_space<hbm>>
      tpu.wait_dma2 semaphore(%run_scoped3A_46 : memref<!tpu.dma_semaphore, #tpu.memory_space<semaphore_mem>>) src(%dma_wait3A_62 : memref<316x64xi32, #tpu.memory_space<hbm>>) dst(%arg7 : memref<316x64xi32, #tpu.memory_space<vmem>>)
      tpu.yield
    }) : () -> ()
    "tpu.region"() ({
      %run_scoped3A_46 = tpu.sem_alloc : memref<!tpu.dma_semaphore, #tpu.memory_space<semaphore_mem>>
      %dma_start3A_47 = arith.constant 0 : i32
      %dma_start3A_48 = arith.constant 0 : i32
      %dma_start3A_49 = tpu.memref_slice %arg4[%arg1, %dma_start3A_47, %dma_start3A_48] : memref<16x316x64xi32, #tpu.memory_space<hbm>> -> memref<1x316x64xi32, #tpu.memory_space<hbm>>
      %dma_start3A_50 = tpu.memref_squeeze %dma_start3A_49 : memref<1x316x64xi32, #tpu.memory_space<hbm>> -> memref<316x64xi32, #tpu.memory_space<hbm>>
      %dma_start3A_51 = arith.constant 0 : i32
      %dma_start3A_52 = arith.constant 0 : i32
      %dma_start3A_53 = tpu.memref_slice %arg4[%arg1, %dma_start3A_51, %dma_start3A_52] : memref<16x316x64xi32, #tpu.memory_space<hbm>> -> memref<1x316x64xi32, #tpu.memory_space<hbm>>
      %dma_start3A_54 = tpu.memref_squeeze %dma_start3A_53 : memref<1x316x64xi32, #tpu.memory_space<hbm>> -> memref<316x64xi32, #tpu.memory_space<hbm>>
      tpu.enqueue_dma source(%dma_start3A_54 : memref<316x64xi32, #tpu.memory_space<hbm>>) target(%arg8 : memref<316x64xi32, #tpu.memory_space<vmem>>) target_semaphore(%run_scoped3A_46 : memref<!tpu.dma_semaphore, #tpu.memory_space<semaphore_mem>>)
      %dma_wait3A_55 = arith.constant 0 : i32
      %dma_wait3A_56 = arith.constant 0 : i32
      %dma_wait3A_57 = tpu.memref_slice %arg4[%arg1, %dma_wait3A_55, %dma_wait3A_56] : memref<16x316x64xi32, #tpu.memory_space<hbm>> -> memref<1x316x64xi32, #tpu.memory_space<hbm>>
      %dma_wait3A_58 = tpu.memref_squeeze %dma_wait3A_57 : memref<1x316x64xi32, #tpu.memory_space<hbm>> -> memref<316x64xi32, #tpu.memory_space<hbm>>
      %dma_wait3A_59 = arith.constant 0 : i32
      %dma_wait3A_60 = arith.constant 0 : i32
      %dma_wait3A_61 = tpu.memref_slice %arg4[%arg1, %dma_wait3A_59, %dma_wait3A_60] : memref<16x316x64xi32, #tpu.memory_space<hbm>> -> memref<1x316x64xi32, #tpu.memory_space<hbm>>
      %dma_wait3A_62 = tpu.memref_squeeze %dma_wait3A_61 : memref<1x316x64xi32, #tpu.memory_space<hbm>> -> memref<316x64xi32, #tpu.memory_space<hbm>>
      tpu.wait_dma2 semaphore(%run_scoped3A_46 : memref<!tpu.dma_semaphore, #tpu.memory_space<semaphore_mem>>) src(%dma_wait3A_62 : memref<316x64xi32, #tpu.memory_space<hbm>>) dst(%arg8 : memref<316x64xi32, #tpu.memory_space<vmem>>)
      tpu.yield
    }) : () -> ()
    %mul3A = arith.constant 632 : i32
    %mul3A_0 = arith.muli %arg1, %mul3A : i32
    %mul3A_1 = arith.constant 64 : i32
    %mul3A_2 = arith.muli %arg0, %mul3A_1 : i32
    %mul3A_3 = arith.constant 632 : i32
    %mul3A_4 = arith.muli %arg1, %mul3A_3 : i32
    "tpu.region"() ({
      %run_scoped3A_46 = tpu.sem_alloc : memref<!tpu.dma_semaphore, #tpu.memory_space<semaphore_mem>>
      %dma_start3A_47 = arith.constant 0 : i32
      %dma_start3A_48 = tpu.memref_slice %arg11[%mul3A_4, %dma_start3A_47] : memref<10112x64xf32, #tpu.memory_space<vmem_shared>> -> memref<632x64xf32, #tpu.memory_space<vmem_shared>>
      %dma_start3A_49 = tpu.memref_slice %arg2[%mul3A_0, %mul3A_2] : memref<10112x128xf32, #tpu.memory_space<hbm>> -> memref<632x64xf32, #tpu.memory_space<hbm>>
      tpu.enqueue_dma source(%dma_start3A_49 : memref<632x64xf32, #tpu.memory_space<hbm>>) target(%dma_start3A_48 : memref<632x64xf32, #tpu.memory_space<vmem_shared>>) target_semaphore(%run_scoped3A_46 : memref<!tpu.dma_semaphore, #tpu.memory_space<semaphore_mem>>)
      %dma_wait3A_50 = arith.constant 0 : i32
      %dma_wait3A_51 = tpu.memref_slice %arg11[%mul3A_4, %dma_wait3A_50] : memref<10112x64xf32, #tpu.memory_space<vmem_shared>> -> memref<632x64xf32, #tpu.memory_space<vmem_shared>>
      %dma_wait3A_52 = tpu.memref_slice %arg2[%mul3A_0, %mul3A_2] : memref<10112x128xf32, #tpu.memory_space<hbm>> -> memref<632x64xf32, #tpu.memory_space<hbm>>
      tpu.wait_dma2 semaphore(%run_scoped3A_46 : memref<!tpu.dma_semaphore, #tpu.memory_space<semaphore_mem>>) src(%dma_wait3A_52 : memref<632x64xf32, #tpu.memory_space<hbm>>) dst(%dma_wait3A_51 : memref<632x64xf32, #tpu.memory_space<vmem_shared>>)
      tpu.yield
    }) : () -> ()
    %mul3A_5 = arith.constant 632 : i32
    %mul3A_6 = arith.muli %arg1, %mul3A_5 : i32
    %mul3A_7 = arith.constant 632 : i32
    %mul3A_8 = arith.muli %arg1, %mul3A_7 : i32
    "tpu.region"() ({
      %run_scoped3A_46 = tpu.sem_alloc : memref<!tpu.dma_semaphore, #tpu.memory_space<semaphore_mem>>
      %dma_start3A_47 = arith.constant 0 : i32
      %dma_start3A_48 = tpu.memref_slice %arg12[%mul3A_8, %dma_start3A_47] : memref<10112x64xf32, #tpu.memory_space<vmem_shared>> -> memref<632x64xf32, #tpu.memory_space<vmem_shared>>
      %dma_start3A_49 = arith.constant 0 : i32
      %dma_start3A_50 = tpu.memref_slice %arg5[%mul3A_6, %dma_start3A_49] : memref<10112x64xf32, #tpu.memory_space<hbm>> -> memref<632x64xf32, #tpu.memory_space<hbm>>
      tpu.enqueue_dma source(%dma_start3A_50 : memref<632x64xf32, #tpu.memory_space<hbm>>) target(%dma_start3A_48 : memref<632x64xf32, #tpu.memory_space<vmem_shared>>) target_semaphore(%run_scoped3A_46 : memref<!tpu.dma_semaphore, #tpu.memory_space<semaphore_mem>>)
      %dma_wait3A_51 = arith.constant 0 : i32
      %dma_wait3A_52 = tpu.memref_slice %arg12[%mul3A_8, %dma_wait3A_51] : memref<10112x64xf32, #tpu.memory_space<vmem_shared>> -> memref<632x64xf32, #tpu.memory_space<vmem_shared>>
      %dma_wait3A_53 = arith.constant 0 : i32
      %dma_wait3A_54 = tpu.memref_slice %arg5[%mul3A_6, %dma_wait3A_53] : memref<10112x64xf32, #tpu.memory_space<hbm>> -> memref<632x64xf32, #tpu.memory_space<hbm>>
      tpu.wait_dma2 semaphore(%run_scoped3A_46 : memref<!tpu.dma_semaphore, #tpu.memory_space<semaphore_mem>>) src(%dma_wait3A_54 : memref<632x64xf32, #tpu.memory_space<hbm>>) dst(%dma_wait3A_52 : memref<632x64xf32, #tpu.memory_space<vmem_shared>>)
      tpu.yield
    }) : () -> ()
    %barrier3A = arith.constant 0 : index
    tpu.barrier barrier_id(%barrier3A)
    %dma_start3A = arith.constant 0 : i32
    %dma_start3A_9 = arith.constant 0 : i32
    %dma_start3A_10 = tpu.memref_slice %arg7[%dma_start3A, %dma_start3A_9] : memref<316x64xi32, #tpu.memory_space<vmem>> -> memref<1x64xi32, #tpu.memory_space<vmem>>
    %dma_start3A_11 = tpu.memref_squeeze %dma_start3A_10 : memref<1x64xi32, #tpu.memory_space<vmem>> -> memref<64xi32, #tpu.memory_space<vmem>>
    %dma_start3A_12 = arith.constant 0 : i32
    %dma_start3A_13 = arith.constant 0 : i32
    %dma_start3A_14 = tpu.memref_slice %arg11[%dma_start3A_12, %dma_start3A_13] : memref<10112x64xf32, #tpu.memory_space<vmem_shared>> -> memref<10112x64xf32, #tpu.memory_space<vmem_shared>>
    tpu.enqueue_indirect_dma source(%dma_start3A_14 : memref<10112x64xf32, #tpu.memory_space<vmem_shared>>) target(%arg9 : memref<64x64xf32, #tpu.memory_space<vmem>>) offsets(%dma_start3A_11 : memref<64xi32, #tpu.memory_space<vmem>>) semaphore(%arg13 : memref<!tpu.dma_semaphore, #tpu.memory_space<semaphore_mem>>)
    %dma_start3A_15 = arith.constant 1 : i32
    %dma_start3A_16 = arith.constant 0 : i32
    %dma_start3A_17 = tpu.memref_slice %arg7[%dma_start3A_15, %dma_start3A_16] : memref<316x64xi32, #tpu.memory_space<vmem>> -> memref<1x64xi32, #tpu.memory_space<vmem>>
    %dma_start3A_18 = tpu.memref_squeeze %dma_start3A_17 : memref<1x64xi32, #tpu.memory_space<vmem>> -> memref<64xi32, #tpu.memory_space<vmem>>
    %dma_start3A_19 = arith.constant 0 : i32
    %dma_start3A_20 = arith.constant 0 : i32
    %dma_start3A_21 = tpu.memref_slice %arg11[%dma_start3A_19, %dma_start3A_20] : memref<10112x64xf32, #tpu.memory_space<vmem_shared>> -> memref<10112x64xf32, #tpu.memory_space<vmem_shared>>
    tpu.enqueue_indirect_dma source(%dma_start3A_21 : memref<10112x64xf32, #tpu.memory_space<vmem_shared>>) target(%arg10 : memref<64x64xf32, #tpu.memory_space<vmem>>) offsets(%dma_start3A_18 : memref<64xi32, #tpu.memory_space<vmem>>) semaphore(%arg14 : memref<!tpu.dma_semaphore, #tpu.memory_space<semaphore_mem>>)
    %scan3A = arith.constant 0 : i32
    %scan3A_22 = arith.constant 0 : i32
    %scan3A_23 = arith.constant 157 : i32
    %scan3A_24 = arith.addi %scan3A_22, %scan3A_23 : i32
    %scan3A_25 = arith.constant 1 : i32
    scf.for %scan3A_46 = %scan3A_22 to %scan3A_24 step %scan3A_25  : i32 {
      %dma_wait3A_47 = arith.constant 0 : i32
      %dma_wait3A_48 = arith.constant 0 : i32
      %dma_wait3A_49 = tpu.memref_slice %arg11[%dma_wait3A_47, %dma_wait3A_48] : memref<10112x64xf32, #tpu.memory_space<vmem_shared>> -> memref<64x64xf32, #tpu.memory_space<vmem_shared>>
      %dma_wait3A_50 = arith.constant 0 : i32
      %dma_wait3A_51 = arith.constant 0 : i32
      %dma_wait3A_52 = tpu.memref_slice %arg11[%dma_wait3A_50, %dma_wait3A_51] : memref<10112x64xf32, #tpu.memory_space<vmem_shared>> -> memref<64x64xf32, #tpu.memory_space<vmem_shared>>
      tpu.wait_dma2 semaphore(%arg13 : memref<!tpu.dma_semaphore, #tpu.memory_space<semaphore_mem>>) src(%dma_wait3A_52 : memref<64x64xf32, #tpu.memory_space<vmem_shared>>) dst(%arg9 : memref<64x64xf32, #tpu.memory_space<vmem>>)
      %mul3A_53 = arith.constant 2 : i32
      %mul3A_54 = arith.muli %mul3A_53, %scan3A_46 : i32
      "tpu.region"() ({
        %run_scoped3A_84 = tpu.sem_alloc : memref<!tpu.dma_semaphore, #tpu.memory_space<semaphore_mem>>
        %dma_start3A_85 = arith.constant 0 : i32
        %dma_start3A_86 = tpu.memref_slice %arg8[%mul3A_54, %dma_start3A_85] : memref<316x64xi32, #tpu.memory_space<vmem>> -> memref<1x64xi32, #tpu.memory_space<vmem>>
        %dma_start3A_87 = tpu.memref_squeeze %dma_start3A_86 : memref<1x64xi32, #tpu.memory_space<vmem>> -> memref<64xi32, #tpu.memory_space<vmem>>
        %dma_start3A_88 = arith.constant 0 : i32
        %dma_start3A_89 = arith.constant 0 : i32
        %dma_start3A_90 = tpu.memref_slice %arg12[%dma_start3A_88, %dma_start3A_89] : memref<10112x64xf32, #tpu.memory_space<vmem_shared>> -> memref<10112x64xf32, #tpu.memory_space<vmem_shared>>
        tpu.enqueue_indirect_dma source(%arg9 : memref<64x64xf32, #tpu.memory_space<vmem>>) target(%dma_start3A_90 : memref<10112x64xf32, #tpu.memory_space<vmem_shared>>) offsets(%dma_start3A_87 : memref<64xi32, #tpu.memory_space<vmem>>) semaphore(%run_scoped3A_84 : memref<!tpu.dma_semaphore, #tpu.memory_space<semaphore_mem>>) {add = true}
        %dma_wait3A_91 = arith.constant 0 : i32
        %dma_wait3A_92 = tpu.memref_slice %arg8[%mul3A_54, %dma_wait3A_91] : memref<316x64xi32, #tpu.memory_space<vmem>> -> memref<1x64xi32, #tpu.memory_space<vmem>>
        %dma_wait3A_93 = tpu.memref_squeeze %dma_wait3A_92 : memref<1x64xi32, #tpu.memory_space<vmem>> -> memref<64xi32, #tpu.memory_space<vmem>>
        %dma_wait3A_94 = arith.constant 0 : i32
        %dma_wait3A_95 = arith.constant 0 : i32
        %dma_wait3A_96 = tpu.memref_slice %arg12[%dma_wait3A_94, %dma_wait3A_95] : memref<10112x64xf32, #tpu.memory_space<vmem_shared>> -> memref<10112x64xf32, #tpu.memory_space<vmem_shared>>
        tpu.wait_indirect_dma semaphore(%run_scoped3A_84 : memref<!tpu.dma_semaphore, #tpu.memory_space<semaphore_mem>>) src(%arg9 : memref<64x64xf32, #tpu.memory_space<vmem>>) dst(%dma_wait3A_96 : memref<10112x64xf32, #tpu.memory_space<vmem_shared>>)
        tpu.yield
      }) : () -> ()
      %mul3A_55 = arith.constant 2 : i32
      %mul3A_56 = arith.muli %mul3A_55, %scan3A_46 : i32
      %add3A = arith.constant 2 : i32
      %add3A_57 = arith.addi %mul3A_56, %add3A : i32
      %dma_start3A_58 = arith.constant 0 : i32
      %dma_start3A_59 = tpu.memref_slice %arg7[%add3A_57, %dma_start3A_58] : memref<316x64xi32, #tpu.memory_space<vmem>> -> memref<1x64xi32, #tpu.memory_space<vmem>>
      %dma_start3A_60 = tpu.memref_squeeze %dma_start3A_59 : memref<1x64xi32, #tpu.memory_space<vmem>> -> memref<64xi32, #tpu.memory_space<vmem>>
      %dma_start3A_61 = arith.constant 0 : i32
      %dma_start3A_62 = arith.constant 0 : i32
      %dma_start3A_63 = tpu.memref_slice %arg11[%dma_start3A_61, %dma_start3A_62] : memref<10112x64xf32, #tpu.memory_space<vmem_shared>> -> memref<10112x64xf32, #tpu.memory_space<vmem_shared>>
      tpu.enqueue_indirect_dma source(%dma_start3A_63 : memref<10112x64xf32, #tpu.memory_space<vmem_shared>>) target(%arg9 : memref<64x64xf32, #tpu.memory_space<vmem>>) offsets(%dma_start3A_60 : memref<64xi32, #tpu.memory_space<vmem>>) semaphore(%arg13 : memref<!tpu.dma_semaphore, #tpu.memory_space<semaphore_mem>>)
      %dma_wait3A_64 = arith.constant 0 : i32
      %dma_wait3A_65 = arith.constant 0 : i32
      %dma_wait3A_66 = tpu.memref_slice %arg11[%dma_wait3A_64, %dma_wait3A_65] : memref<10112x64xf32, #tpu.memory_space<vmem_shared>> -> memref<64x64xf32, #tpu.memory_space<vmem_shared>>
      %dma_wait3A_67 = arith.constant 0 : i32
      %dma_wait3A_68 = arith.constant 0 : i32
      %dma_wait3A_69 = tpu.memref_slice %arg11[%dma_wait3A_67, %dma_wait3A_68] : memref<10112x64xf32, #tpu.memory_space<vmem_shared>> -> memref<64x64xf32, #tpu.memory_space<vmem_shared>>
      tpu.wait_dma2 semaphore(%arg14 : memref<!tpu.dma_semaphore, #tpu.memory_space<semaphore_mem>>) src(%dma_wait3A_69 : memref<64x64xf32, #tpu.memory_space<vmem_shared>>) dst(%arg10 : memref<64x64xf32, #tpu.memory_space<vmem>>)
      %mul3A_70 = arith.constant 2 : i32
      %mul3A_71 = arith.muli %mul3A_70, %scan3A_46 : i32
      %add3A_72 = arith.constant 1 : i32
      %add3A_73 = arith.addi %mul3A_71, %add3A_72 : i32
      "tpu.region"() ({
        %run_scoped3A_84 = tpu.sem_alloc : memref<!tpu.dma_semaphore, #tpu.memory_space<semaphore_mem>>
        %dma_start3A_85 = arith.constant 0 : i32
        %dma_start3A_86 = tpu.memref_slice %arg8[%add3A_73, %dma_start3A_85] : memref<316x64xi32, #tpu.memory_space<vmem>> -> memref<1x64xi32, #tpu.memory_space<vmem>>
        %dma_start3A_87 = tpu.memref_squeeze %dma_start3A_86 : memref<1x64xi32, #tpu.memory_space<vmem>> -> memref<64xi32, #tpu.memory_space<vmem>>
        %dma_start3A_88 = arith.constant 0 : i32
        %dma_start3A_89 = arith.constant 0 : i32
        %dma_start3A_90 = tpu.memref_slice %arg12[%dma_start3A_88, %dma_start3A_89] : memref<10112x64xf32, #tpu.memory_space<vmem_shared>> -> memref<10112x64xf32, #tpu.memory_space<vmem_shared>>
        tpu.enqueue_indirect_dma source(%arg10 : memref<64x64xf32, #tpu.memory_space<vmem>>) target(%dma_start3A_90 : memref<10112x64xf32, #tpu.memory_space<vmem_shared>>) offsets(%dma_start3A_87 : memref<64xi32, #tpu.memory_space<vmem>>) semaphore(%run_scoped3A_84 : memref<!tpu.dma_semaphore, #tpu.memory_space<semaphore_mem>>) {add = true}
        %dma_wait3A_91 = arith.constant 0 : i32
        %dma_wait3A_92 = tpu.memref_slice %arg8[%add3A_73, %dma_wait3A_91] : memref<316x64xi32, #tpu.memory_space<vmem>> -> memref<1x64xi32, #tpu.memory_space<vmem>>
        %dma_wait3A_93 = tpu.memref_squeeze %dma_wait3A_92 : memref<1x64xi32, #tpu.memory_space<vmem>> -> memref<64xi32, #tpu.memory_space<vmem>>
        %dma_wait3A_94 = arith.constant 0 : i32
        %dma_wait3A_95 = arith.constant 0 : i32
        %dma_wait3A_96 = tpu.memref_slice %arg12[%dma_wait3A_94, %dma_wait3A_95] : memref<10112x64xf32, #tpu.memory_space<vmem_shared>> -> memref<10112x64xf32, #tpu.memory_space<vmem_shared>>
        tpu.wait_indirect_dma semaphore(%run_scoped3A_84 : memref<!tpu.dma_semaphore, #tpu.memory_space<semaphore_mem>>) src(%arg10 : memref<64x64xf32, #tpu.memory_space<vmem>>) dst(%dma_wait3A_96 : memref<10112x64xf32, #tpu.memory_space<vmem_shared>>)
        tpu.yield
      }) : () -> ()
      %mul3A_74 = arith.constant 2 : i32
      %mul3A_75 = arith.muli %mul3A_74, %scan3A_46 : i32
      %add3A_76 = arith.constant 3 : i32
      %add3A_77 = arith.addi %mul3A_75, %add3A_76 : i32
      %dma_start3A_78 = arith.constant 0 : i32
      %dma_start3A_79 = tpu.memref_slice %arg7[%add3A_77, %dma_start3A_78] : memref<316x64xi32, #tpu.memory_space<vmem>> -> memref<1x64xi32, #tpu.memory_space<vmem>>
      %dma_start3A_80 = tpu.memref_squeeze %dma_start3A_79 : memref<1x64xi32, #tpu.memory_space<vmem>> -> memref<64xi32, #tpu.memory_space<vmem>>
      %dma_start3A_81 = arith.constant 0 : i32
      %dma_start3A_82 = arith.constant 0 : i32
      %dma_start3A_83 = tpu.memref_slice %arg11[%dma_start3A_81, %dma_start3A_82] : memref<10112x64xf32, #tpu.memory_space<vmem_shared>> -> memref<10112x64xf32, #tpu.memory_space<vmem_shared>>
      tpu.enqueue_indirect_dma source(%dma_start3A_83 : memref<10112x64xf32, #tpu.memory_space<vmem_shared>>) target(%arg10 : memref<64x64xf32, #tpu.memory_space<vmem>>) offsets(%dma_start3A_80 : memref<64xi32, #tpu.memory_space<vmem>>) semaphore(%arg14 : memref<!tpu.dma_semaphore, #tpu.memory_space<semaphore_mem>>)
    }
    %scan3A_26 = arith.constant 157 : i32
    %dma_wait3A = arith.constant 0 : i32
    %dma_wait3A_27 = arith.constant 0 : i32
    %dma_wait3A_28 = tpu.memref_slice %arg11[%dma_wait3A, %dma_wait3A_27] : memref<10112x64xf32, #tpu.memory_space<vmem_shared>> -> memref<64x64xf32, #tpu.memory_space<vmem_shared>>
    %dma_wait3A_29 = arith.constant 0 : i32
    %dma_wait3A_30 = arith.constant 0 : i32
    %dma_wait3A_31 = tpu.memref_slice %arg11[%dma_wait3A_29, %dma_wait3A_30] : memref<10112x64xf32, #tpu.memory_space<vmem_shared>> -> memref<64x64xf32, #tpu.memory_space<vmem_shared>>
    tpu.wait_dma2 semaphore(%arg13 : memref<!tpu.dma_semaphore, #tpu.memory_space<semaphore_mem>>) src(%dma_wait3A_31 : memref<64x64xf32, #tpu.memory_space<vmem_shared>>) dst(%arg9 : memref<64x64xf32, #tpu.memory_space<vmem>>)
    %run_scoped3A = arith.constant 314 : i32
    "tpu.region"() ({
      %run_scoped3A_46 = tpu.sem_alloc : memref<!tpu.dma_semaphore, #tpu.memory_space<semaphore_mem>>
      %dma_start3A_47 = arith.constant 0 : i32
      %dma_start3A_48 = tpu.memref_slice %arg8[%run_scoped3A, %dma_start3A_47] : memref<316x64xi32, #tpu.memory_space<vmem>> -> memref<1x64xi32, #tpu.memory_space<vmem>>
      %dma_start3A_49 = tpu.memref_squeeze %dma_start3A_48 : memref<1x64xi32, #tpu.memory_space<vmem>> -> memref<64xi32, #tpu.memory_space<vmem>>
      %dma_start3A_50 = arith.constant 0 : i32
      %dma_start3A_51 = arith.constant 0 : i32
      %dma_start3A_52 = tpu.memref_slice %arg12[%dma_start3A_50, %dma_start3A_51] : memref<10112x64xf32, #tpu.memory_space<vmem_shared>> -> memref<10112x64xf32, #tpu.memory_space<vmem_shared>>
      tpu.enqueue_indirect_dma source(%arg9 : memref<64x64xf32, #tpu.memory_space<vmem>>) target(%dma_start3A_52 : memref<10112x64xf32, #tpu.memory_space<vmem_shared>>) offsets(%dma_start3A_49 : memref<64xi32, #tpu.memory_space<vmem>>) semaphore(%run_scoped3A_46 : memref<!tpu.dma_semaphore, #tpu.memory_space<semaphore_mem>>) {add = true}
      %dma_wait3A_53 = arith.constant 0 : i32
      %dma_wait3A_54 = tpu.memref_slice %arg8[%run_scoped3A, %dma_wait3A_53] : memref<316x64xi32, #tpu.memory_space<vmem>> -> memref<1x64xi32, #tpu.memory_space<vmem>>
      %dma_wait3A_55 = tpu.memref_squeeze %dma_wait3A_54 : memref<1x64xi32, #tpu.memory_space<vmem>> -> memref<64xi32, #tpu.memory_space<vmem>>
      %dma_wait3A_56 = arith.constant 0 : i32
      %dma_wait3A_57 = arith.constant 0 : i32
      %dma_wait3A_58 = tpu.memref_slice %arg12[%dma_wait3A_56, %dma_wait3A_57] : memref<10112x64xf32, #tpu.memory_space<vmem_shared>> -> memref<10112x64xf32, #tpu.memory_space<vmem_shared>>
      tpu.wait_indirect_dma semaphore(%run_scoped3A_46 : memref<!tpu.dma_semaphore, #tpu.memory_space<semaphore_mem>>) src(%arg9 : memref<64x64xf32, #tpu.memory_space<vmem>>) dst(%dma_wait3A_58 : memref<10112x64xf32, #tpu.memory_space<vmem_shared>>)
      tpu.yield
    }) : () -> ()
    %dma_wait3A_32 = arith.constant 0 : i32
    %dma_wait3A_33 = arith.constant 0 : i32
    %dma_wait3A_34 = tpu.memref_slice %arg11[%dma_wait3A_32, %dma_wait3A_33] : memref<10112x64xf32, #tpu.memory_space<vmem_shared>> -> memref<64x64xf32, #tpu.memory_space<vmem_shared>>
    %dma_wait3A_35 = arith.constant 0 : i32
    %dma_wait3A_36 = arith.constant 0 : i32
    %dma_wait3A_37 = tpu.memref_slice %arg11[%dma_wait3A_35, %dma_wait3A_36] : memref<10112x64xf32, #tpu.memory_space<vmem_shared>> -> memref<64x64xf32, #tpu.memory_space<vmem_shared>>
    tpu.wait_dma2 semaphore(%arg14 : memref<!tpu.dma_semaphore, #tpu.memory_space<semaphore_mem>>) src(%dma_wait3A_37 : memref<64x64xf32, #tpu.memory_space<vmem_shared>>) dst(%arg10 : memref<64x64xf32, #tpu.memory_space<vmem>>)
    %run_scoped3A_38 = arith.constant 315 : i32
    "tpu.region"() ({
      %run_scoped3A_46 = tpu.sem_alloc : memref<!tpu.dma_semaphore, #tpu.memory_space<semaphore_mem>>
      %dma_start3A_47 = arith.constant 0 : i32
      %dma_start3A_48 = tpu.memref_slice %arg8[%run_scoped3A_38, %dma_start3A_47] : memref<316x64xi32, #tpu.memory_space<vmem>> -> memref<1x64xi32, #tpu.memory_space<vmem>>
      %dma_start3A_49 = tpu.memref_squeeze %dma_start3A_48 : memref<1x64xi32, #tpu.memory_space<vmem>> -> memref<64xi32, #tpu.memory_space<vmem>>
      %dma_start3A_50 = arith.constant 0 : i32
      %dma_start3A_51 = arith.constant 0 : i32
      %dma_start3A_52 = tpu.memref_slice %arg12[%dma_start3A_50, %dma_start3A_51] : memref<10112x64xf32, #tpu.memory_space<vmem_shared>> -> memref<10112x64xf32, #tpu.memory_space<vmem_shared>>
      tpu.enqueue_indirect_dma source(%arg10 : memref<64x64xf32, #tpu.memory_space<vmem>>) target(%dma_start3A_52 : memref<10112x64xf32, #tpu.memory_space<vmem_shared>>) offsets(%dma_start3A_49 : memref<64xi32, #tpu.memory_space<vmem>>) semaphore(%run_scoped3A_46 : memref<!tpu.dma_semaphore, #tpu.memory_space<semaphore_mem>>) {add = true}
      %dma_wait3A_53 = arith.constant 0 : i32
      %dma_wait3A_54 = tpu.memref_slice %arg8[%run_scoped3A_38, %dma_wait3A_53] : memref<316x64xi32, #tpu.memory_space<vmem>> -> memref<1x64xi32, #tpu.memory_space<vmem>>
      %dma_wait3A_55 = tpu.memref_squeeze %dma_wait3A_54 : memref<1x64xi32, #tpu.memory_space<vmem>> -> memref<64xi32, #tpu.memory_space<vmem>>
      %dma_wait3A_56 = arith.constant 0 : i32
      %dma_wait3A_57 = arith.constant 0 : i32
      %dma_wait3A_58 = tpu.memref_slice %arg12[%dma_wait3A_56, %dma_wait3A_57] : memref<10112x64xf32, #tpu.memory_space<vmem_shared>> -> memref<10112x64xf32, #tpu.memory_space<vmem_shared>>
      tpu.wait_indirect_dma semaphore(%run_scoped3A_46 : memref<!tpu.dma_semaphore, #tpu.memory_space<semaphore_mem>>) src(%arg10 : memref<64x64xf32, #tpu.memory_space<vmem>>) dst(%dma_wait3A_58 : memref<10112x64xf32, #tpu.memory_space<vmem_shared>>)
      tpu.yield
    }) : () -> ()
    %barrier3A_39 = arith.constant 0 : index
    tpu.barrier barrier_id(%barrier3A_39)
    %mul3A_40 = arith.constant 632 : i32
    %mul3A_41 = arith.muli %arg1, %mul3A_40 : i32
    %mul3A_42 = arith.constant 632 : i32
    %mul3A_43 = arith.muli %arg1, %mul3A_42 : i32
    %mul3A_44 = arith.constant 64 : i32
    %mul3A_45 = arith.muli %arg0, %mul3A_44 : i32
    "tpu.region"() ({
      %run_scoped3A_46 = tpu.sem_alloc : memref<!tpu.dma_semaphore, #tpu.memory_space<semaphore_mem>>
      %dma_start3A_47 = tpu.memref_slice %arg6[%mul3A_43, %mul3A_45] : memref<10112x128xf32, #tpu.memory_space<hbm>> -> memref<632x64xf32, #tpu.memory_space<hbm>>
      %dma_start3A_48 = arith.constant 0 : i32
      %dma_start3A_49 = tpu.memref_slice %arg12[%mul3A_41, %dma_start3A_48] : memref<10112x64xf32, #tpu.memory_space<vmem_shared>> -> memref<632x64xf32, #tpu.memory_space<vmem_shared>>
      tpu.enqueue_dma source(%dma_start3A_49 : memref<632x64xf32, #tpu.memory_space<vmem_shared>>) target(%dma_start3A_47 : memref<632x64xf32, #tpu.memory_space<hbm>>) target_semaphore(%run_scoped3A_46 : memref<!tpu.dma_semaphore, #tpu.memory_space<semaphore_mem>>)
      %dma_wait3A_50 = tpu.memref_slice %arg6[%mul3A_43, %mul3A_45] : memref<10112x128xf32, #tpu.memory_space<hbm>> -> memref<632x64xf32, #tpu.memory_space<hbm>>
      %dma_wait3A_51 = arith.constant 0 : i32
      %dma_wait3A_52 = tpu.memref_slice %arg12[%mul3A_41, %dma_wait3A_51] : memref<10112x64xf32, #tpu.memory_space<vmem_shared>> -> memref<632x64xf32, #tpu.memory_space<vmem_shared>>
      tpu.wait_dma2 semaphore(%run_scoped3A_46 : memref<!tpu.dma_semaphore, #tpu.memory_space<semaphore_mem>>) src(%dma_wait3A_52 : memref<632x64xf32, #tpu.memory_space<vmem_shared>>) dst(%dma_wait3A_50 : memref<632x64xf32, #tpu.memory_space<hbm>>)
      tpu.yield
    }) : () -> ()
    return
  }
}

#map = affine_map<(d0, d1) -> (0, 0, 0)>
#map1 = affine_map<(d0, d1) -> (0, 0)>
module attributes {stable_mosaic.version = 14 : i64} {
  func.func @_pre_body(%arg0: i32, %arg1: i32, %arg2: memref<16x316x64xi32, #tpu.memory_space<hbm>>, %arg3: memref<16x316x64xi32, #tpu.memory_space<hbm>>, %arg4: memref<10112x16xf32, #tpu.memory_space<hbm>>, %arg5: memref<16x316x64xi32, #tpu.memory_space<hbm>>, %arg6: memref<20224x16xf32, #tpu.memory_space<hbm>>, %arg7: memref<158x64xi32, #tpu.memory_space<vmem>>, %arg8: memref<158x64xi32, #tpu.memory_space<vmem>>, %arg9: memref<158x64xi32, #tpu.memory_space<vmem>>, %arg10: memref<158x64xi32, #tpu.memory_space<vmem>>, %arg11: memref<64x16xf32, #tpu.memory_space<vmem>>, %arg12: memref<10112x16xf32, #tpu.memory_space<vmem_shared>>) attributes {dimension_semantics = [#tpu.dimension_semantics<core_parallel>, #tpu.dimension_semantics<subcore_parallel>], iteration_bounds = array<i64: 2, 16>, scalar_prefetch = 0 : i64, scratch_operands = 6 : i64, tpu.core_type = #tpu.core_type<sc_vector_subcore>, window_params = [{transform_indices = #map}, {transform_indices = #map}, {transform_indices = #map1}, {transform_indices = #map}, {transform_indices = #map1}]} {
    %mul3A = arith.constant 16 : i32
    %mul3A_0 = arith.muli %arg0, %mul3A : i32
    %add3A = arith.addi %mul3A_0, %arg1 : i32
    %jit3A = arith.constant 2 : i32
    %div3A = arith.divsi %add3A, %jit3A : i32
    %sign3A = arith.constant 0 : i32
    %sign3A_1 = arith.cmpi sgt, %add3A, %sign3A : i32
    %sign3A_2 = arith.extui %sign3A_1 : i1 to i32
    %sign3A_3 = arith.constant 0 : i32
    %sign3A_4 = arith.cmpi slt, %add3A, %sign3A_3 : i32
    %sign3A_5 = arith.extui %sign3A_4 : i1 to i32
    %sign3A_6 = arith.subi %sign3A_2, %sign3A_5 : i32
    %sign3A_7 = arith.constant 0 : i32
    %sign3A_8 = arith.cmpi sgt, %jit3A, %sign3A_7 : i32
    %sign3A_9 = arith.extui %sign3A_8 : i1 to i32
    %sign3A_10 = arith.constant 0 : i32
    %sign3A_11 = arith.cmpi slt, %jit3A, %sign3A_10 : i32
    %sign3A_12 = arith.extui %sign3A_11 : i1 to i32
    %sign3A_13 = arith.subi %sign3A_9, %sign3A_12 : i32
    %ne3A = arith.cmpi ne, %sign3A_6, %sign3A_13 : i32
    %rem3A = arith.remsi %add3A, %jit3A : i32
    %ne3A_14 = arith.constant 0 : i32
    %ne3A_15 = arith.cmpi ne, %rem3A, %ne3A_14 : i32
    %and3A = arith.andi %ne3A, %ne3A_15 : i1
    %sub3A = arith.constant 1 : i32
    %sub3A_16 = arith.subi %div3A, %sub3A : i32
    %select_n3A = arith.select %and3A, %sub3A_16, %div3A : i32
    %jit3A_17 = arith.constant 2 : i32
    %eq3A = arith.constant 0 : i32
    %eq3A_18 = arith.cmpi eq, %jit3A_17, %eq3A : i32
    %jit3A_19 = arith.constant 1 : i32
    %select_n3A_20 = arith.select %eq3A_18, %jit3A_19, %jit3A_17 : i32
    %rem3A_21 = arith.remsi %add3A, %select_n3A_20 : i32
    %ne3A_22 = arith.constant 0 : i32
    %ne3A_23 = arith.cmpi ne, %rem3A_21, %ne3A_22 : i32
    %lt3A = arith.constant 0 : i32
    %lt3A_24 = arith.cmpi slt, %rem3A_21, %lt3A : i32
    %lt3A_25 = arith.constant 0 : i32
    %lt3A_26 = arith.cmpi slt, %select_n3A_20, %lt3A_25 : i32
    %ne3A_27 = arith.xori %lt3A_24, %lt3A_26 : i1
    %and3A_28 = arith.andi %ne3A_27, %ne3A_23 : i1
    %add3A_29 = arith.addi %rem3A_21, %select_n3A_20 : i32
    %select_n3A_30 = arith.select %and3A_28, %add3A_29, %rem3A_21 : i32
    %mul3A_31 = arith.constant 158 : i32
    %mul3A_32 = arith.muli %select_n3A_30, %mul3A_31 : i32
    "tpu.region"() ({
      %run_scoped3A = tpu.sem_alloc : memref<!tpu.dma_semaphore, #tpu.memory_space<semaphore_mem>>
      %dma_start3A = arith.constant 0 : i32
      %dma_start3A_62 = tpu.memref_slice %arg2[%select_n3A, %mul3A_32, %dma_start3A] : memref<16x316x64xi32, #tpu.memory_space<hbm>> -> memref<1x158x64xi32, #tpu.memory_space<hbm>>
      %dma_start3A_63 = tpu.memref_squeeze %dma_start3A_62 : memref<1x158x64xi32, #tpu.memory_space<hbm>> -> memref<158x64xi32, #tpu.memory_space<hbm>>
      %dma_start3A_64 = arith.constant 0 : i32
      %dma_start3A_65 = tpu.memref_slice %arg2[%select_n3A, %mul3A_32, %dma_start3A_64] : memref<16x316x64xi32, #tpu.memory_space<hbm>> -> memref<1x158x64xi32, #tpu.memory_space<hbm>>
      %dma_start3A_66 = tpu.memref_squeeze %dma_start3A_65 : memref<1x158x64xi32, #tpu.memory_space<hbm>> -> memref<158x64xi32, #tpu.memory_space<hbm>>
      tpu.enqueue_dma source(%dma_start3A_66 : memref<158x64xi32, #tpu.memory_space<hbm>>) target(%arg7 : memref<158x64xi32, #tpu.memory_space<vmem>>) target_semaphore(%run_scoped3A : memref<!tpu.dma_semaphore, #tpu.memory_space<semaphore_mem>>)
      %dma_wait3A = arith.constant 0 : i32
      %dma_wait3A_67 = tpu.memref_slice %arg2[%select_n3A, %mul3A_32, %dma_wait3A] : memref<16x316x64xi32, #tpu.memory_space<hbm>> -> memref<1x158x64xi32, #tpu.memory_space<hbm>>
      %dma_wait3A_68 = tpu.memref_squeeze %dma_wait3A_67 : memref<1x158x64xi32, #tpu.memory_space<hbm>> -> memref<158x64xi32, #tpu.memory_space<hbm>>
      %dma_wait3A_69 = arith.constant 0 : i32
      %dma_wait3A_70 = tpu.memref_slice %arg2[%select_n3A, %mul3A_32, %dma_wait3A_69] : memref<16x316x64xi32, #tpu.memory_space<hbm>> -> memref<1x158x64xi32, #tpu.memory_space<hbm>>
      %dma_wait3A_71 = tpu.memref_squeeze %dma_wait3A_70 : memref<1x158x64xi32, #tpu.memory_space<hbm>> -> memref<158x64xi32, #tpu.memory_space<hbm>>
      tpu.wait_dma2 semaphore(%run_scoped3A : memref<!tpu.dma_semaphore, #tpu.memory_space<semaphore_mem>>) src(%dma_wait3A_71 : memref<158x64xi32, #tpu.memory_space<hbm>>) dst(%arg7 : memref<158x64xi32, #tpu.memory_space<vmem>>)
      tpu.yield
    }) : () -> ()
    "tpu.region"() ({
      %run_scoped3A = tpu.sem_alloc : memref<!tpu.dma_semaphore, #tpu.memory_space<semaphore_mem>>
      %dma_start3A = arith.constant 0 : i32
      %dma_start3A_62 = tpu.memref_slice %arg3[%select_n3A, %mul3A_32, %dma_start3A] : memref<16x316x64xi32, #tpu.memory_space<hbm>> -> memref<1x158x64xi32, #tpu.memory_space<hbm>>
      %dma_start3A_63 = tpu.memref_squeeze %dma_start3A_62 : memref<1x158x64xi32, #tpu.memory_space<hbm>> -> memref<158x64xi32, #tpu.memory_space<hbm>>
      %dma_start3A_64 = arith.constant 0 : i32
      %dma_start3A_65 = tpu.memref_slice %arg3[%select_n3A, %mul3A_32, %dma_start3A_64] : memref<16x316x64xi32, #tpu.memory_space<hbm>> -> memref<1x158x64xi32, #tpu.memory_space<hbm>>
      %dma_start3A_66 = tpu.memref_squeeze %dma_start3A_65 : memref<1x158x64xi32, #tpu.memory_space<hbm>> -> memref<158x64xi32, #tpu.memory_space<hbm>>
      tpu.enqueue_dma source(%dma_start3A_66 : memref<158x64xi32, #tpu.memory_space<hbm>>) target(%arg8 : memref<158x64xi32, #tpu.memory_space<vmem>>) target_semaphore(%run_scoped3A : memref<!tpu.dma_semaphore, #tpu.memory_space<semaphore_mem>>)
      %dma_wait3A = arith.constant 0 : i32
      %dma_wait3A_67 = tpu.memref_slice %arg3[%select_n3A, %mul3A_32, %dma_wait3A] : memref<16x316x64xi32, #tpu.memory_space<hbm>> -> memref<1x158x64xi32, #tpu.memory_space<hbm>>
      %dma_wait3A_68 = tpu.memref_squeeze %dma_wait3A_67 : memref<1x158x64xi32, #tpu.memory_space<hbm>> -> memref<158x64xi32, #tpu.memory_space<hbm>>
      %dma_wait3A_69 = arith.constant 0 : i32
      %dma_wait3A_70 = tpu.memref_slice %arg3[%select_n3A, %mul3A_32, %dma_wait3A_69] : memref<16x316x64xi32, #tpu.memory_space<hbm>> -> memref<1x158x64xi32, #tpu.memory_space<hbm>>
      %dma_wait3A_71 = tpu.memref_squeeze %dma_wait3A_70 : memref<1x158x64xi32, #tpu.memory_space<hbm>> -> memref<158x64xi32, #tpu.memory_space<hbm>>
      tpu.wait_dma2 semaphore(%run_scoped3A : memref<!tpu.dma_semaphore, #tpu.memory_space<semaphore_mem>>) src(%dma_wait3A_71 : memref<158x64xi32, #tpu.memory_space<hbm>>) dst(%arg8 : memref<158x64xi32, #tpu.memory_space<vmem>>)
      tpu.yield
    }) : () -> ()
    %mul3A_33 = arith.constant 632 : i32
    %mul3A_34 = arith.muli %arg1, %mul3A_33 : i32
    %mul3A_35 = arith.constant 632 : i32
    %mul3A_36 = arith.muli %arg1, %mul3A_35 : i32
    "tpu.region"() ({
      %run_scoped3A = tpu.sem_alloc : memref<!tpu.dma_semaphore, #tpu.memory_space<semaphore_mem>>
      %dma_start3A = arith.constant 0 : i32
      %dma_start3A_62 = tpu.memref_slice %arg12[%mul3A_36, %dma_start3A] : memref<10112x16xf32, #tpu.memory_space<vmem_shared>> -> memref<632x16xf32, #tpu.memory_space<vmem_shared>>
      %dma_start3A_63 = arith.constant 0 : i32
      %dma_start3A_64 = tpu.memref_slice %arg4[%mul3A_34, %dma_start3A_63] : memref<10112x16xf32, #tpu.memory_space<hbm>> -> memref<632x16xf32, #tpu.memory_space<hbm>>
      tpu.enqueue_dma source(%dma_start3A_64 : memref<632x16xf32, #tpu.memory_space<hbm>>) target(%dma_start3A_62 : memref<632x16xf32, #tpu.memory_space<vmem_shared>>) target_semaphore(%run_scoped3A : memref<!tpu.dma_semaphore, #tpu.memory_space<semaphore_mem>>)
      %dma_wait3A = arith.constant 0 : i32
      %dma_wait3A_65 = tpu.memref_slice %arg12[%mul3A_36, %dma_wait3A] : memref<10112x16xf32, #tpu.memory_space<vmem_shared>> -> memref<632x16xf32, #tpu.memory_space<vmem_shared>>
      %dma_wait3A_66 = arith.constant 0 : i32
      %dma_wait3A_67 = tpu.memref_slice %arg4[%mul3A_34, %dma_wait3A_66] : memref<10112x16xf32, #tpu.memory_space<hbm>> -> memref<632x16xf32, #tpu.memory_space<hbm>>
      tpu.wait_dma2 semaphore(%run_scoped3A : memref<!tpu.dma_semaphore, #tpu.memory_space<semaphore_mem>>) src(%dma_wait3A_67 : memref<632x16xf32, #tpu.memory_space<hbm>>) dst(%dma_wait3A_65 : memref<632x16xf32, #tpu.memory_space<vmem_shared>>)
      tpu.yield
    }) : () -> ()
    %iota3A = tpu.iota {dimensions = array<i32: 0>} : vector<16xi32>
    %scan3A = arith.constant 0 : i32
    %scan3A_37 = arith.constant 0 : i32
    %scan3A_38 = arith.constant 632 : i32
    %scan3A_39 = arith.addi %scan3A_37, %scan3A_38 : i32
    %scan3A_40 = arith.constant 1 : i32
    scf.for %scan3A_62 = %scan3A_37 to %scan3A_39 step %scan3A_40  : i32 {
      %jit3A_63 = arith.constant 4 : i32
      %div3A_64 = arith.divsi %scan3A_62, %jit3A_63 : i32
      %sign3A_65 = arith.constant 0 : i32
      %sign3A_66 = arith.cmpi sgt, %scan3A_62, %sign3A_65 : i32
      %sign3A_67 = arith.extui %sign3A_66 : i1 to i32
      %sign3A_68 = arith.constant 0 : i32
      %sign3A_69 = arith.cmpi slt, %scan3A_62, %sign3A_68 : i32
      %sign3A_70 = arith.extui %sign3A_69 : i1 to i32
      %sign3A_71 = arith.subi %sign3A_67, %sign3A_70 : i32
      %sign3A_72 = arith.constant 0 : i32
      %sign3A_73 = arith.cmpi sgt, %jit3A_63, %sign3A_72 : i32
      %sign3A_74 = arith.extui %sign3A_73 : i1 to i32
      %sign3A_75 = arith.constant 0 : i32
      %sign3A_76 = arith.cmpi slt, %jit3A_63, %sign3A_75 : i32
      %sign3A_77 = arith.extui %sign3A_76 : i1 to i32
      %sign3A_78 = arith.subi %sign3A_74, %sign3A_77 : i32
      %ne3A_79 = arith.cmpi ne, %sign3A_71, %sign3A_78 : i32
      %rem3A_80 = arith.remsi %scan3A_62, %jit3A_63 : i32
      %ne3A_81 = arith.constant 0 : i32
      %ne3A_82 = arith.cmpi ne, %rem3A_80, %ne3A_81 : i32
      %and3A_83 = arith.andi %ne3A_79, %ne3A_82 : i1
      %sub3A_84 = arith.constant 1 : i32
      %sub3A_85 = arith.subi %div3A_64, %sub3A_84 : i32
      %select_n3A_86 = arith.select %and3A_83, %sub3A_85, %div3A_64 : i32
      %jit3A_87 = arith.constant 4 : i32
      %eq3A_88 = arith.constant 0 : i32
      %eq3A_89 = arith.cmpi eq, %jit3A_87, %eq3A_88 : i32
      %jit3A_90 = arith.constant 1 : i32
      %select_n3A_91 = arith.select %eq3A_89, %jit3A_90, %jit3A_87 : i32
      %rem3A_92 = arith.remsi %scan3A_62, %select_n3A_91 : i32
      %ne3A_93 = arith.constant 0 : i32
      %ne3A_94 = arith.cmpi ne, %rem3A_92, %ne3A_93 : i32
      %lt3A_95 = arith.constant 0 : i32
      %lt3A_96 = arith.cmpi slt, %rem3A_92, %lt3A_95 : i32
      %lt3A_97 = arith.constant 0 : i32
      %lt3A_98 = arith.cmpi slt, %select_n3A_91, %lt3A_97 : i32
      %ne3A_99 = arith.xori %lt3A_96, %lt3A_98 : i1
      %and3A_100 = arith.andi %ne3A_99, %ne3A_94 : i1
      %add3A_101 = arith.addi %rem3A_92, %select_n3A_91 : i32
      %select_n3A_102 = arith.select %and3A_100, %add3A_101, %rem3A_92 : i32
      %mul3A_103 = arith.constant 16 : i32
      %mul3A_104 = arith.muli %select_n3A_102, %mul3A_103 : i32
      %get3A = arith.index_cast %select_n3A_86 : i32 to index
      %get3A_105 = arith.index_cast %mul3A_104 : i32 to index
      %get3A_106 = tpu.vector_load %arg7[%get3A, %get3A_105] {strides = array<i32>} : memref<158x64xi32, #tpu.memory_space<vmem>>, vector<1x16xi32>,
      %get3A_107 = vector.shape_cast %get3A_106 : vector<1x16xi32> to vector<16xi32>
      %get3A_108 = arith.index_cast %select_n3A_86 : i32 to index
      %get3A_109 = arith.index_cast %mul3A_104 : i32 to index
      %get3A_110 = tpu.vector_load %arg8[%get3A_108, %get3A_109] {strides = array<i32>} : memref<158x64xi32, #tpu.memory_space<vmem>>, vector<1x16xi32>,
      %get3A_111 = vector.shape_cast %get3A_110 : vector<1x16xi32> to vector<16xi32>
      %ne3A_112 = arith.cmpi ne, %get3A_107, %get3A_111 : vector<16xi32>
      %mul3A_113 = arith.constant 16 : i32
      %mul3A_114 = arith.muli %scan3A_62, %mul3A_113 : i32
      %add3A_115 = vector.broadcast %mul3A_114 : i32 to vector<16xi32>
      %add3A_116 = arith.addi %add3A_115, %iota3A : vector<16xi32>
      %rem3A_117 = arith.constant 112 : i32
      %rem3A_118 = vector.broadcast %rem3A_117 : i32 to vector<16xi32>
      %rem3A_119 = arith.remsi %add3A_116, %rem3A_118 : vector<16xi32>
      %add3A_120 = arith.constant 10000 : i32
      %add3A_121 = vector.broadcast %add3A_120 : i32 to vector<16xi32>
      %add3A_122 = arith.addi %add3A_121, %rem3A_119 : vector<16xi32>
      %select_n3A_123 = arith.select %ne3A_112, %get3A_111, %add3A_122 : vector<16xi1>, vector<16xi32>
      %swap3A = arith.index_cast %select_n3A_86 : i32 to index
      %swap3A_124 = arith.index_cast %mul3A_104 : i32 to index
      %swap3A_125 = tpu.vector_load %arg9[%swap3A, %swap3A_124] {strides = array<i32>} : memref<158x64xi32, #tpu.memory_space<vmem>>, vector<1x16xi32>,
      %swap3A_126 = vector.shape_cast %swap3A_125 : vector<1x16xi32> to vector<16xi32>
      %swap3A_127 = vector.shape_cast %select_n3A_123 : vector<16xi32> to vector<1x16xi32>
      tpu.vector_store %arg9[%swap3A, %swap3A_124], %swap3A_127 {strides = array<i32>} : memref<158x64xi32, #tpu.memory_space<vmem>>, vector<1x16xi32>,
      %select_n3A_128 = arith.select %ne3A_112, %get3A_107, %add3A_122 : vector<16xi1>, vector<16xi32>
      %swap3A_129 = arith.index_cast %select_n3A_86 : i32 to index
      %swap3A_130 = arith.index_cast %mul3A_104 : i32 to index
      %swap3A_131 = tpu.vector_load %arg10[%swap3A_129, %swap3A_130] {strides = array<i32>} : memref<158x64xi32, #tpu.memory_space<vmem>>, vector<1x16xi32>,
      %swap3A_132 = vector.shape_cast %swap3A_131 : vector<1x16xi32> to vector<16xi32>
      %swap3A_133 = vector.shape_cast %select_n3A_128 : vector<16xi32> to vector<1x16xi32>
      tpu.vector_store %arg10[%swap3A_129, %swap3A_130], %swap3A_133 {strides = array<i32>} : memref<158x64xi32, #tpu.memory_space<vmem>>, vector<1x16xi32>,
    }
    %scan3A_41 = arith.constant 632 : i32
    %scan3A_42 = arith.constant 0 : i32
    %scan3A_43 = arith.constant 0 : i32
    %scan3A_44 = arith.constant 64 : i32
    %scan3A_45 = arith.addi %scan3A_43, %scan3A_44 : i32
    %scan3A_46 = arith.constant 1 : i32
    scf.for %scan3A_62 = %scan3A_43 to %scan3A_45 step %scan3A_46  : i32 {
      %eq3A_63 = arith.constant 0 : i32
      %eq3A_64 = vector.broadcast %eq3A_63 : i32 to vector<16xi32>
      %eq3A_65 = arith.cmpi eq, %iota3A, %eq3A_64 : vector<16xi32>
      %jit3A_66 = arith.constant 1.000000e+00 : f32
      %jit3A_67 = arith.constant 0.000000e+00 : f32
      %broadcast_in_dim3A = vector.broadcast %jit3A_66 : f32 to vector<16xf32>
      %broadcast_in_dim3A_68 = vector.broadcast %jit3A_67 : f32 to vector<16xf32>
      %select_n3A_69 = arith.select %eq3A_65, %broadcast_in_dim3A, %broadcast_in_dim3A_68 : vector<16xi1>, vector<16xf32>
      %swap3A = arith.index_cast %scan3A_62 : i32 to index
      %swap3A_70 = arith.constant 0 : index
      %swap3A_71 = tpu.vector_load %arg11[%swap3A, %swap3A_70] {strides = array<i32>} : memref<64x16xf32, #tpu.memory_space<vmem>>, vector<1x16xf32>,
      %swap3A_72 = vector.shape_cast %swap3A_71 : vector<1x16xf32> to vector<16xf32>
      %swap3A_73 = vector.shape_cast %select_n3A_69 : vector<16xf32> to vector<1x16xf32>
      tpu.vector_store %arg11[%swap3A, %swap3A_70], %swap3A_73 {strides = array<i32>} : memref<64x16xf32, #tpu.memory_space<vmem>>, vector<1x16xf32>,
    }
    %scan3A_47 = arith.constant 64 : i32
    %barrier3A = arith.constant 0 : index
    tpu.barrier barrier_id(%barrier3A)
    %scan3A_48 = arith.constant 0 : i32
    %scan3A_49 = arith.constant 0 : i32
    %scan3A_50 = arith.constant 158 : i32
    %scan3A_51 = arith.addi %scan3A_49, %scan3A_50 : i32
    %scan3A_52 = arith.constant 1 : i32
    scf.for %scan3A_62 = %scan3A_49 to %scan3A_51 step %scan3A_52  : i32 {
      "tpu.region"() ({
        %run_scoped3A = tpu.sem_alloc : memref<!tpu.dma_semaphore, #tpu.memory_space<semaphore_mem>>
        %dma_start3A = arith.constant 0 : i32
        %dma_start3A_63 = tpu.memref_slice %arg10[%scan3A_62, %dma_start3A] : memref<158x64xi32, #tpu.memory_space<vmem>> -> memref<1x64xi32, #tpu.memory_space<vmem>>
        %dma_start3A_64 = tpu.memref_squeeze %dma_start3A_63 : memref<1x64xi32, #tpu.memory_space<vmem>> -> memref<64xi32, #tpu.memory_space<vmem>>
        %dma_start3A_65 = arith.constant 0 : i32
        %dma_start3A_66 = arith.constant 0 : i32
        %dma_start3A_67 = tpu.memref_slice %arg12[%dma_start3A_65, %dma_start3A_66] : memref<10112x16xf32, #tpu.memory_space<vmem_shared>> -> memref<10112x16xf32, #tpu.memory_space<vmem_shared>>
        tpu.enqueue_indirect_dma source(%arg11 : memref<64x16xf32, #tpu.memory_space<vmem>>) target(%dma_start3A_67 : memref<10112x16xf32, #tpu.memory_space<vmem_shared>>) offsets(%dma_start3A_64 : memref<64xi32, #tpu.memory_space<vmem>>) semaphore(%run_scoped3A : memref<!tpu.dma_semaphore, #tpu.memory_space<semaphore_mem>>) {add = true}
        %dma_wait3A = arith.constant 0 : i32
        %dma_wait3A_68 = tpu.memref_slice %arg10[%scan3A_62, %dma_wait3A] : memref<158x64xi32, #tpu.memory_space<vmem>> -> memref<1x64xi32, #tpu.memory_space<vmem>>
        %dma_wait3A_69 = tpu.memref_squeeze %dma_wait3A_68 : memref<1x64xi32, #tpu.memory_space<vmem>> -> memref<64xi32, #tpu.memory_space<vmem>>
        %dma_wait3A_70 = arith.constant 0 : i32
        %dma_wait3A_71 = arith.constant 0 : i32
        %dma_wait3A_72 = tpu.memref_slice %arg12[%dma_wait3A_70, %dma_wait3A_71] : memref<10112x16xf32, #tpu.memory_space<vmem_shared>> -> memref<10112x16xf32, #tpu.memory_space<vmem_shared>>
        tpu.wait_indirect_dma semaphore(%run_scoped3A : memref<!tpu.dma_semaphore, #tpu.memory_space<semaphore_mem>>) src(%arg11 : memref<64x16xf32, #tpu.memory_space<vmem>>) dst(%dma_wait3A_72 : memref<10112x16xf32, #tpu.memory_space<vmem_shared>>)
        tpu.yield
      }) : () -> ()
    }
    %scan3A_53 = arith.constant 158 : i32
    %barrier3A_54 = arith.constant 0 : index
    tpu.barrier barrier_id(%barrier3A_54)
    %mul3A_55 = arith.constant 10112 : i32
    %mul3A_56 = arith.muli %arg0, %mul3A_55 : i32
    %mul3A_57 = arith.constant 632 : i32
    %mul3A_58 = arith.muli %arg1, %mul3A_57 : i32
    %add3A_59 = arith.addi %mul3A_56, %mul3A_58 : i32
    %mul3A_60 = arith.constant 632 : i32
    %mul3A_61 = arith.muli %arg1, %mul3A_60 : i32
    "tpu.region"() ({
      %run_scoped3A = tpu.sem_alloc : memref<!tpu.dma_semaphore, #tpu.memory_space<semaphore_mem>>
      %dma_start3A = arith.constant 0 : i32
      %dma_start3A_62 = tpu.memref_slice %arg6[%add3A_59, %dma_start3A] : memref<20224x16xf32, #tpu.memory_space<hbm>> -> memref<632x16xf32, #tpu.memory_space<hbm>>
      %dma_start3A_63 = arith.constant 0 : i32
      %dma_start3A_64 = tpu.memref_slice %arg12[%mul3A_61, %dma_start3A_63] : memref<10112x16xf32, #tpu.memory_space<vmem_shared>> -> memref<632x16xf32, #tpu.memory_space<vmem_shared>>
      tpu.enqueue_dma source(%dma_start3A_64 : memref<632x16xf32, #tpu.memory_space<vmem_shared>>) target(%dma_start3A_62 : memref<632x16xf32, #tpu.memory_space<hbm>>) target_semaphore(%run_scoped3A : memref<!tpu.dma_semaphore, #tpu.memory_space<semaphore_mem>>)
      %dma_wait3A = arith.constant 0 : i32
      %dma_wait3A_65 = tpu.memref_slice %arg6[%add3A_59, %dma_wait3A] : memref<20224x16xf32, #tpu.memory_space<hbm>> -> memref<632x16xf32, #tpu.memory_space<hbm>>
      %dma_wait3A_66 = arith.constant 0 : i32
      %dma_wait3A_67 = tpu.memref_slice %arg12[%mul3A_61, %dma_wait3A_66] : memref<10112x16xf32, #tpu.memory_space<vmem_shared>> -> memref<632x16xf32, #tpu.memory_space<vmem_shared>>
      tpu.wait_dma2 semaphore(%run_scoped3A : memref<!tpu.dma_semaphore, #tpu.memory_space<semaphore_mem>>) src(%dma_wait3A_67 : memref<632x16xf32, #tpu.memory_space<vmem_shared>>) dst(%dma_wait3A_65 : memref<632x16xf32, #tpu.memory_space<hbm>>)
      tpu.yield
    }) : () -> ()
    "tpu.region"() ({
      %run_scoped3A = tpu.sem_alloc : memref<!tpu.dma_semaphore, #tpu.memory_space<semaphore_mem>>
      %dma_start3A = arith.constant 0 : i32
      %dma_start3A_62 = tpu.memref_slice %arg5[%select_n3A, %mul3A_32, %dma_start3A] : memref<16x316x64xi32, #tpu.memory_space<hbm>> -> memref<1x158x64xi32, #tpu.memory_space<hbm>>
      %dma_start3A_63 = tpu.memref_squeeze %dma_start3A_62 : memref<1x158x64xi32, #tpu.memory_space<hbm>> -> memref<158x64xi32, #tpu.memory_space<hbm>>
      %dma_start3A_64 = arith.constant 0 : i32
      %dma_start3A_65 = tpu.memref_slice %arg5[%select_n3A, %mul3A_32, %dma_start3A_64] : memref<16x316x64xi32, #tpu.memory_space<hbm>> -> memref<1x158x64xi32, #tpu.memory_space<hbm>>
      %dma_start3A_66 = tpu.memref_squeeze %dma_start3A_65 : memref<1x158x64xi32, #tpu.memory_space<hbm>> -> memref<158x64xi32, #tpu.memory_space<hbm>>
      tpu.enqueue_dma source(%arg9 : memref<158x64xi32, #tpu.memory_space<vmem>>) target(%dma_start3A_66 : memref<158x64xi32, #tpu.memory_space<hbm>>) target_semaphore(%run_scoped3A : memref<!tpu.dma_semaphore, #tpu.memory_space<semaphore_mem>>)
      %dma_wait3A = arith.constant 0 : i32
      %dma_wait3A_67 = tpu.memref_slice %arg5[%select_n3A, %mul3A_32, %dma_wait3A] : memref<16x316x64xi32, #tpu.memory_space<hbm>> -> memref<1x158x64xi32, #tpu.memory_space<hbm>>
      %dma_wait3A_68 = tpu.memref_squeeze %dma_wait3A_67 : memref<1x158x64xi32, #tpu.memory_space<hbm>> -> memref<158x64xi32, #tpu.memory_space<hbm>>
      %dma_wait3A_69 = arith.constant 0 : i32
      %dma_wait3A_70 = tpu.memref_slice %arg5[%select_n3A, %mul3A_32, %dma_wait3A_69] : memref<16x316x64xi32, #tpu.memory_space<hbm>> -> memref<1x158x64xi32, #tpu.memory_space<hbm>>
      %dma_wait3A_71 = tpu.memref_squeeze %dma_wait3A_70 : memref<1x158x64xi32, #tpu.memory_space<hbm>> -> memref<158x64xi32, #tpu.memory_space<hbm>>
      tpu.wait_dma2 semaphore(%run_scoped3A : memref<!tpu.dma_semaphore, #tpu.memory_space<semaphore_mem>>) src(%arg9 : memref<158x64xi32, #tpu.memory_space<vmem>>) dst(%dma_wait3A_71 : memref<158x64xi32, #tpu.memory_space<hbm>>)
      tpu.yield
    }) : () -> ()
    return
  }
}

#map = affine_map<(d0, d1) -> (0, 0)>
#map1 = affine_map<(d0, d1) -> (0, 0, 0)>
module attributes {stable_mosaic.version = 14 : i64} {
  func.func @_agg_body(%arg0: i32, %arg1: i32, %arg2: memref<10112x128xf32, #tpu.memory_space<hbm>>, %arg3: memref<16x316x64xi32, #tpu.memory_space<hbm>>, %arg4: memref<16x316x64xi32, #tpu.memory_space<hbm>>, %arg5: memref<10112x64xf32, #tpu.memory_space<hbm>>, %arg6: memref<10112x128xf32, #tpu.memory_space<hbm>>, %arg7: memref<316x64xi32, #tpu.memory_space<vmem>>, %arg8: memref<316x64xi32, #tpu.memory_space<vmem>>, %arg9: memref<64x64xf32, #tpu.memory_space<vmem>>, %arg10: memref<64x64xf32, #tpu.memory_space<vmem>>, %arg11: memref<10112x64xf32, #tpu.memory_space<vmem_shared>>, %arg12: memref<10112x64xf32, #tpu.memory_space<vmem_shared>>, %arg13: memref<!tpu.dma_semaphore, #tpu.memory_space<semaphore_mem>>, %arg14: memref<!tpu.dma_semaphore, #tpu.memory_space<semaphore_mem>>) attributes {dimension_semantics = [#tpu.dimension_semantics<core_parallel>, #tpu.dimension_semantics<subcore_parallel>], iteration_bounds = array<i64: 2, 16>, scalar_prefetch = 0 : i64, scratch_operands = 8 : i64, tpu.core_type = #tpu.core_type<sc_vector_subcore>, window_params = [{transform_indices = #map}, {transform_indices = #map1}, {transform_indices = #map1}, {transform_indices = #map}, {transform_indices = #map}]} {
    "tpu.region"() ({
      %run_scoped3A_46 = tpu.sem_alloc : memref<!tpu.dma_semaphore, #tpu.memory_space<semaphore_mem>>
      %dma_start3A_47 = arith.constant 0 : i32
      %dma_start3A_48 = arith.constant 0 : i32
      %dma_start3A_49 = tpu.memref_slice %arg3[%arg1, %dma_start3A_47, %dma_start3A_48] : memref<16x316x64xi32, #tpu.memory_space<hbm>> -> memref<1x316x64xi32, #tpu.memory_space<hbm>>
      %dma_start3A_50 = tpu.memref_squeeze %dma_start3A_49 : memref<1x316x64xi32, #tpu.memory_space<hbm>> -> memref<316x64xi32, #tpu.memory_space<hbm>>
      %dma_start3A_51 = arith.constant 0 : i32
      %dma_start3A_52 = arith.constant 0 : i32
      %dma_start3A_53 = tpu.memref_slice %arg3[%arg1, %dma_start3A_51, %dma_start3A_52] : memref<16x316x64xi32, #tpu.memory_space<hbm>> -> memref<1x316x64xi32, #tpu.memory_space<hbm>>
      %dma_start3A_54 = tpu.memref_squeeze %dma_start3A_53 : memref<1x316x64xi32, #tpu.memory_space<hbm>> -> memref<316x64xi32, #tpu.memory_space<hbm>>
      tpu.enqueue_dma source(%dma_start3A_54 : memref<316x64xi32, #tpu.memory_space<hbm>>) target(%arg7 : memref<316x64xi32, #tpu.memory_space<vmem>>) target_semaphore(%run_scoped3A_46 : memref<!tpu.dma_semaphore, #tpu.memory_space<semaphore_mem>>)
      %dma_wait3A_55 = arith.constant 0 : i32
      %dma_wait3A_56 = arith.constant 0 : i32
      %dma_wait3A_57 = tpu.memref_slice %arg3[%arg1, %dma_wait3A_55, %dma_wait3A_56] : memref<16x316x64xi32, #tpu.memory_space<hbm>> -> memref<1x316x64xi32, #tpu.memory_space<hbm>>
      %dma_wait3A_58 = tpu.memref_squeeze %dma_wait3A_57 : memref<1x316x64xi32, #tpu.memory_space<hbm>> -> memref<316x64xi32, #tpu.memory_space<hbm>>
      %dma_wait3A_59 = arith.constant 0 : i32
      %dma_wait3A_60 = arith.constant 0 : i32
      %dma_wait3A_61 = tpu.memref_slice %arg3[%arg1, %dma_wait3A_59, %dma_wait3A_60] : memref<16x316x64xi32, #tpu.memory_space<hbm>> -> memref<1x316x64xi32, #tpu.memory_space<hbm>>
      %dma_wait3A_62 = tpu.memref_squeeze %dma_wait3A_61 : memref<1x316x64xi32, #tpu.memory_space<hbm>> -> memref<316x64xi32, #tpu.memory_space<hbm>>
      tpu.wait_dma2 semaphore(%run_scoped3A_46 : memref<!tpu.dma_semaphore, #tpu.memory_space<semaphore_mem>>) src(%dma_wait3A_62 : memref<316x64xi32, #tpu.memory_space<hbm>>) dst(%arg7 : memref<316x64xi32, #tpu.memory_space<vmem>>)
      tpu.yield
    }) : () -> ()
    "tpu.region"() ({
      %run_scoped3A_46 = tpu.sem_alloc : memref<!tpu.dma_semaphore, #tpu.memory_space<semaphore_mem>>
      %dma_start3A_47 = arith.constant 0 : i32
      %dma_start3A_48 = arith.constant 0 : i32
      %dma_start3A_49 = tpu.memref_slice %arg4[%arg1, %dma_start3A_47, %dma_start3A_48] : memref<16x316x64xi32, #tpu.memory_space<hbm>> -> memref<1x316x64xi32, #tpu.memory_space<hbm>>
      %dma_start3A_50 = tpu.memref_squeeze %dma_start3A_49 : memref<1x316x64xi32, #tpu.memory_space<hbm>> -> memref<316x64xi32, #tpu.memory_space<hbm>>
      %dma_start3A_51 = arith.constant 0 : i32
      %dma_start3A_52 = arith.constant 0 : i32
      %dma_start3A_53 = tpu.memref_slice %arg4[%arg1, %dma_start3A_51, %dma_start3A_52] : memref<16x316x64xi32, #tpu.memory_space<hbm>> -> memref<1x316x64xi32, #tpu.memory_space<hbm>>
      %dma_start3A_54 = tpu.memref_squeeze %dma_start3A_53 : memref<1x316x64xi32, #tpu.memory_space<hbm>> -> memref<316x64xi32, #tpu.memory_space<hbm>>
      tpu.enqueue_dma source(%dma_start3A_54 : memref<316x64xi32, #tpu.memory_space<hbm>>) target(%arg8 : memref<316x64xi32, #tpu.memory_space<vmem>>) target_semaphore(%run_scoped3A_46 : memref<!tpu.dma_semaphore, #tpu.memory_space<semaphore_mem>>)
      %dma_wait3A_55 = arith.constant 0 : i32
      %dma_wait3A_56 = arith.constant 0 : i32
      %dma_wait3A_57 = tpu.memref_slice %arg4[%arg1, %dma_wait3A_55, %dma_wait3A_56] : memref<16x316x64xi32, #tpu.memory_space<hbm>> -> memref<1x316x64xi32, #tpu.memory_space<hbm>>
      %dma_wait3A_58 = tpu.memref_squeeze %dma_wait3A_57 : memref<1x316x64xi32, #tpu.memory_space<hbm>> -> memref<316x64xi32, #tpu.memory_space<hbm>>
      %dma_wait3A_59 = arith.constant 0 : i32
      %dma_wait3A_60 = arith.constant 0 : i32
      %dma_wait3A_61 = tpu.memref_slice %arg4[%arg1, %dma_wait3A_59, %dma_wait3A_60] : memref<16x316x64xi32, #tpu.memory_space<hbm>> -> memref<1x316x64xi32, #tpu.memory_space<hbm>>
      %dma_wait3A_62 = tpu.memref_squeeze %dma_wait3A_61 : memref<1x316x64xi32, #tpu.memory_space<hbm>> -> memref<316x64xi32, #tpu.memory_space<hbm>>
      tpu.wait_dma2 semaphore(%run_scoped3A_46 : memref<!tpu.dma_semaphore, #tpu.memory_space<semaphore_mem>>) src(%dma_wait3A_62 : memref<316x64xi32, #tpu.memory_space<hbm>>) dst(%arg8 : memref<316x64xi32, #tpu.memory_space<vmem>>)
      tpu.yield
    }) : () -> ()
    %mul3A = arith.constant 632 : i32
    %mul3A_0 = arith.muli %arg1, %mul3A : i32
    %mul3A_1 = arith.constant 64 : i32
    %mul3A_2 = arith.muli %arg0, %mul3A_1 : i32
    %mul3A_3 = arith.constant 632 : i32
    %mul3A_4 = arith.muli %arg1, %mul3A_3 : i32
    "tpu.region"() ({
      %run_scoped3A_46 = tpu.sem_alloc : memref<!tpu.dma_semaphore, #tpu.memory_space<semaphore_mem>>
      %dma_start3A_47 = arith.constant 0 : i32
      %dma_start3A_48 = tpu.memref_slice %arg11[%mul3A_4, %dma_start3A_47] : memref<10112x64xf32, #tpu.memory_space<vmem_shared>> -> memref<632x64xf32, #tpu.memory_space<vmem_shared>>
      %dma_start3A_49 = tpu.memref_slice %arg2[%mul3A_0, %mul3A_2] : memref<10112x128xf32, #tpu.memory_space<hbm>> -> memref<632x64xf32, #tpu.memory_space<hbm>>
      tpu.enqueue_dma source(%dma_start3A_49 : memref<632x64xf32, #tpu.memory_space<hbm>>) target(%dma_start3A_48 : memref<632x64xf32, #tpu.memory_space<vmem_shared>>) target_semaphore(%run_scoped3A_46 : memref<!tpu.dma_semaphore, #tpu.memory_space<semaphore_mem>>)
      %dma_wait3A_50 = arith.constant 0 : i32
      %dma_wait3A_51 = tpu.memref_slice %arg11[%mul3A_4, %dma_wait3A_50] : memref<10112x64xf32, #tpu.memory_space<vmem_shared>> -> memref<632x64xf32, #tpu.memory_space<vmem_shared>>
      %dma_wait3A_52 = tpu.memref_slice %arg2[%mul3A_0, %mul3A_2] : memref<10112x128xf32, #tpu.memory_space<hbm>> -> memref<632x64xf32, #tpu.memory_space<hbm>>
      tpu.wait_dma2 semaphore(%run_scoped3A_46 : memref<!tpu.dma_semaphore, #tpu.memory_space<semaphore_mem>>) src(%dma_wait3A_52 : memref<632x64xf32, #tpu.memory_space<hbm>>) dst(%dma_wait3A_51 : memref<632x64xf32, #tpu.memory_space<vmem_shared>>)
      tpu.yield
    }) : () -> ()
    %mul3A_5 = arith.constant 632 : i32
    %mul3A_6 = arith.muli %arg1, %mul3A_5 : i32
    %mul3A_7 = arith.constant 632 : i32
    %mul3A_8 = arith.muli %arg1, %mul3A_7 : i32
    "tpu.region"() ({
      %run_scoped3A_46 = tpu.sem_alloc : memref<!tpu.dma_semaphore, #tpu.memory_space<semaphore_mem>>
      %dma_start3A_47 = arith.constant 0 : i32
      %dma_start3A_48 = tpu.memref_slice %arg12[%mul3A_8, %dma_start3A_47] : memref<10112x64xf32, #tpu.memory_space<vmem_shared>> -> memref<632x64xf32, #tpu.memory_space<vmem_shared>>
      %dma_start3A_49 = arith.constant 0 : i32
      %dma_start3A_50 = tpu.memref_slice %arg5[%mul3A_6, %dma_start3A_49] : memref<10112x64xf32, #tpu.memory_space<hbm>> -> memref<632x64xf32, #tpu.memory_space<hbm>>
      tpu.enqueue_dma source(%dma_start3A_50 : memref<632x64xf32, #tpu.memory_space<hbm>>) target(%dma_start3A_48 : memref<632x64xf32, #tpu.memory_space<vmem_shared>>) target_semaphore(%run_scoped3A_46 : memref<!tpu.dma_semaphore, #tpu.memory_space<semaphore_mem>>)
      %dma_wait3A_51 = arith.constant 0 : i32
      %dma_wait3A_52 = tpu.memref_slice %arg12[%mul3A_8, %dma_wait3A_51] : memref<10112x64xf32, #tpu.memory_space<vmem_shared>> -> memref<632x64xf32, #tpu.memory_space<vmem_shared>>
      %dma_wait3A_53 = arith.constant 0 : i32
      %dma_wait3A_54 = tpu.memref_slice %arg5[%mul3A_6, %dma_wait3A_53] : memref<10112x64xf32, #tpu.memory_space<hbm>> -> memref<632x64xf32, #tpu.memory_space<hbm>>
      tpu.wait_dma2 semaphore(%run_scoped3A_46 : memref<!tpu.dma_semaphore, #tpu.memory_space<semaphore_mem>>) src(%dma_wait3A_54 : memref<632x64xf32, #tpu.memory_space<hbm>>) dst(%dma_wait3A_52 : memref<632x64xf32, #tpu.memory_space<vmem_shared>>)
      tpu.yield
    }) : () -> ()
    %barrier3A = arith.constant 0 : index
    tpu.barrier barrier_id(%barrier3A)
    %dma_start3A = arith.constant 0 : i32
    %dma_start3A_9 = arith.constant 0 : i32
    %dma_start3A_10 = tpu.memref_slice %arg7[%dma_start3A, %dma_start3A_9] : memref<316x64xi32, #tpu.memory_space<vmem>> -> memref<1x64xi32, #tpu.memory_space<vmem>>
    %dma_start3A_11 = tpu.memref_squeeze %dma_start3A_10 : memref<1x64xi32, #tpu.memory_space<vmem>> -> memref<64xi32, #tpu.memory_space<vmem>>
    %dma_start3A_12 = arith.constant 0 : i32
    %dma_start3A_13 = arith.constant 0 : i32
    %dma_start3A_14 = tpu.memref_slice %arg11[%dma_start3A_12, %dma_start3A_13] : memref<10112x64xf32, #tpu.memory_space<vmem_shared>> -> memref<10112x64xf32, #tpu.memory_space<vmem_shared>>
    tpu.enqueue_indirect_dma source(%dma_start3A_14 : memref<10112x64xf32, #tpu.memory_space<vmem_shared>>) target(%arg9 : memref<64x64xf32, #tpu.memory_space<vmem>>) offsets(%dma_start3A_11 : memref<64xi32, #tpu.memory_space<vmem>>) semaphore(%arg13 : memref<!tpu.dma_semaphore, #tpu.memory_space<semaphore_mem>>)
    %dma_start3A_15 = arith.constant 1 : i32
    %dma_start3A_16 = arith.constant 0 : i32
    %dma_start3A_17 = tpu.memref_slice %arg7[%dma_start3A_15, %dma_start3A_16] : memref<316x64xi32, #tpu.memory_space<vmem>> -> memref<1x64xi32, #tpu.memory_space<vmem>>
    %dma_start3A_18 = tpu.memref_squeeze %dma_start3A_17 : memref<1x64xi32, #tpu.memory_space<vmem>> -> memref<64xi32, #tpu.memory_space<vmem>>
    %dma_start3A_19 = arith.constant 0 : i32
    %dma_start3A_20 = arith.constant 0 : i32
    %dma_start3A_21 = tpu.memref_slice %arg11[%dma_start3A_19, %dma_start3A_20] : memref<10112x64xf32, #tpu.memory_space<vmem_shared>> -> memref<10112x64xf32, #tpu.memory_space<vmem_shared>>
    tpu.enqueue_indirect_dma source(%dma_start3A_21 : memref<10112x64xf32, #tpu.memory_space<vmem_shared>>) target(%arg10 : memref<64x64xf32, #tpu.memory_space<vmem>>) offsets(%dma_start3A_18 : memref<64xi32, #tpu.memory_space<vmem>>) semaphore(%arg14 : memref<!tpu.dma_semaphore, #tpu.memory_space<semaphore_mem>>)
    %scan3A = arith.constant 0 : i32
    %scan3A_22 = arith.constant 0 : i32
    %scan3A_23 = arith.constant 157 : i32
    %scan3A_24 = arith.addi %scan3A_22, %scan3A_23 : i32
    %scan3A_25 = arith.constant 1 : i32
    scf.for %scan3A_46 = %scan3A_22 to %scan3A_24 step %scan3A_25  : i32 {
      %dma_wait3A_47 = arith.constant 0 : i32
      %dma_wait3A_48 = arith.constant 0 : i32
      %dma_wait3A_49 = tpu.memref_slice %arg11[%dma_wait3A_47, %dma_wait3A_48] : memref<10112x64xf32, #tpu.memory_space<vmem_shared>> -> memref<64x64xf32, #tpu.memory_space<vmem_shared>>
      %dma_wait3A_50 = arith.constant 0 : i32
      %dma_wait3A_51 = arith.constant 0 : i32
      %dma_wait3A_52 = tpu.memref_slice %arg11[%dma_wait3A_50, %dma_wait3A_51] : memref<10112x64xf32, #tpu.memory_space<vmem_shared>> -> memref<64x64xf32, #tpu.memory_space<vmem_shared>>
      tpu.wait_dma2 semaphore(%arg13 : memref<!tpu.dma_semaphore, #tpu.memory_space<semaphore_mem>>) src(%dma_wait3A_52 : memref<64x64xf32, #tpu.memory_space<vmem_shared>>) dst(%arg9 : memref<64x64xf32, #tpu.memory_space<vmem>>)
      %mul3A_53 = arith.constant 2 : i32
      %mul3A_54 = arith.muli %mul3A_53, %scan3A_46 : i32
      "tpu.region"() ({
        %run_scoped3A_84 = tpu.sem_alloc : memref<!tpu.dma_semaphore, #tpu.memory_space<semaphore_mem>>
        %dma_start3A_85 = arith.constant 0 : i32
        %dma_start3A_86 = tpu.memref_slice %arg8[%mul3A_54, %dma_start3A_85] : memref<316x64xi32, #tpu.memory_space<vmem>> -> memref<1x64xi32, #tpu.memory_space<vmem>>
        %dma_start3A_87 = tpu.memref_squeeze %dma_start3A_86 : memref<1x64xi32, #tpu.memory_space<vmem>> -> memref<64xi32, #tpu.memory_space<vmem>>
        %dma_start3A_88 = arith.constant 0 : i32
        %dma_start3A_89 = arith.constant 0 : i32
        %dma_start3A_90 = tpu.memref_slice %arg12[%dma_start3A_88, %dma_start3A_89] : memref<10112x64xf32, #tpu.memory_space<vmem_shared>> -> memref<10112x64xf32, #tpu.memory_space<vmem_shared>>
        tpu.enqueue_indirect_dma source(%arg9 : memref<64x64xf32, #tpu.memory_space<vmem>>) target(%dma_start3A_90 : memref<10112x64xf32, #tpu.memory_space<vmem_shared>>) offsets(%dma_start3A_87 : memref<64xi32, #tpu.memory_space<vmem>>) semaphore(%run_scoped3A_84 : memref<!tpu.dma_semaphore, #tpu.memory_space<semaphore_mem>>) {add = true}
        %dma_wait3A_91 = arith.constant 0 : i32
        %dma_wait3A_92 = tpu.memref_slice %arg8[%mul3A_54, %dma_wait3A_91] : memref<316x64xi32, #tpu.memory_space<vmem>> -> memref<1x64xi32, #tpu.memory_space<vmem>>
        %dma_wait3A_93 = tpu.memref_squeeze %dma_wait3A_92 : memref<1x64xi32, #tpu.memory_space<vmem>> -> memref<64xi32, #tpu.memory_space<vmem>>
        %dma_wait3A_94 = arith.constant 0 : i32
        %dma_wait3A_95 = arith.constant 0 : i32
        %dma_wait3A_96 = tpu.memref_slice %arg12[%dma_wait3A_94, %dma_wait3A_95] : memref<10112x64xf32, #tpu.memory_space<vmem_shared>> -> memref<10112x64xf32, #tpu.memory_space<vmem_shared>>
        tpu.wait_indirect_dma semaphore(%run_scoped3A_84 : memref<!tpu.dma_semaphore, #tpu.memory_space<semaphore_mem>>) src(%arg9 : memref<64x64xf32, #tpu.memory_space<vmem>>) dst(%dma_wait3A_96 : memref<10112x64xf32, #tpu.memory_space<vmem_shared>>)
        tpu.yield
      }) : () -> ()
      %mul3A_55 = arith.constant 2 : i32
      %mul3A_56 = arith.muli %mul3A_55, %scan3A_46 : i32
      %add3A = arith.constant 2 : i32
      %add3A_57 = arith.addi %mul3A_56, %add3A : i32
      %dma_start3A_58 = arith.constant 0 : i32
      %dma_start3A_59 = tpu.memref_slice %arg7[%add3A_57, %dma_start3A_58] : memref<316x64xi32, #tpu.memory_space<vmem>> -> memref<1x64xi32, #tpu.memory_space<vmem>>
      %dma_start3A_60 = tpu.memref_squeeze %dma_start3A_59 : memref<1x64xi32, #tpu.memory_space<vmem>> -> memref<64xi32, #tpu.memory_space<vmem>>
      %dma_start3A_61 = arith.constant 0 : i32
      %dma_start3A_62 = arith.constant 0 : i32
      %dma_start3A_63 = tpu.memref_slice %arg11[%dma_start3A_61, %dma_start3A_62] : memref<10112x64xf32, #tpu.memory_space<vmem_shared>> -> memref<10112x64xf32, #tpu.memory_space<vmem_shared>>
      tpu.enqueue_indirect_dma source(%dma_start3A_63 : memref<10112x64xf32, #tpu.memory_space<vmem_shared>>) target(%arg9 : memref<64x64xf32, #tpu.memory_space<vmem>>) offsets(%dma_start3A_60 : memref<64xi32, #tpu.memory_space<vmem>>) semaphore(%arg13 : memref<!tpu.dma_semaphore, #tpu.memory_space<semaphore_mem>>)
      %dma_wait3A_64 = arith.constant 0 : i32
      %dma_wait3A_65 = arith.constant 0 : i32
      %dma_wait3A_66 = tpu.memref_slice %arg11[%dma_wait3A_64, %dma_wait3A_65] : memref<10112x64xf32, #tpu.memory_space<vmem_shared>> -> memref<64x64xf32, #tpu.memory_space<vmem_shared>>
      %dma_wait3A_67 = arith.constant 0 : i32
      %dma_wait3A_68 = arith.constant 0 : i32
      %dma_wait3A_69 = tpu.memref_slice %arg11[%dma_wait3A_67, %dma_wait3A_68] : memref<10112x64xf32, #tpu.memory_space<vmem_shared>> -> memref<64x64xf32, #tpu.memory_space<vmem_shared>>
      tpu.wait_dma2 semaphore(%arg14 : memref<!tpu.dma_semaphore, #tpu.memory_space<semaphore_mem>>) src(%dma_wait3A_69 : memref<64x64xf32, #tpu.memory_space<vmem_shared>>) dst(%arg10 : memref<64x64xf32, #tpu.memory_space<vmem>>)
      %mul3A_70 = arith.constant 2 : i32
      %mul3A_71 = arith.muli %mul3A_70, %scan3A_46 : i32
      %add3A_72 = arith.constant 1 : i32
      %add3A_73 = arith.addi %mul3A_71, %add3A_72 : i32
      "tpu.region"() ({
        %run_scoped3A_84 = tpu.sem_alloc : memref<!tpu.dma_semaphore, #tpu.memory_space<semaphore_mem>>
        %dma_start3A_85 = arith.constant 0 : i32
        %dma_start3A_86 = tpu.memref_slice %arg8[%add3A_73, %dma_start3A_85] : memref<316x64xi32, #tpu.memory_space<vmem>> -> memref<1x64xi32, #tpu.memory_space<vmem>>
        %dma_start3A_87 = tpu.memref_squeeze %dma_start3A_86 : memref<1x64xi32, #tpu.memory_space<vmem>> -> memref<64xi32, #tpu.memory_space<vmem>>
        %dma_start3A_88 = arith.constant 0 : i32
        %dma_start3A_89 = arith.constant 0 : i32
        %dma_start3A_90 = tpu.memref_slice %arg12[%dma_start3A_88, %dma_start3A_89] : memref<10112x64xf32, #tpu.memory_space<vmem_shared>> -> memref<10112x64xf32, #tpu.memory_space<vmem_shared>>
        tpu.enqueue_indirect_dma source(%arg10 : memref<64x64xf32, #tpu.memory_space<vmem>>) target(%dma_start3A_90 : memref<10112x64xf32, #tpu.memory_space<vmem_shared>>) offsets(%dma_start3A_87 : memref<64xi32, #tpu.memory_space<vmem>>) semaphore(%run_scoped3A_84 : memref<!tpu.dma_semaphore, #tpu.memory_space<semaphore_mem>>) {add = true}
        %dma_wait3A_91 = arith.constant 0 : i32
        %dma_wait3A_92 = tpu.memref_slice %arg8[%add3A_73, %dma_wait3A_91] : memref<316x64xi32, #tpu.memory_space<vmem>> -> memref<1x64xi32, #tpu.memory_space<vmem>>
        %dma_wait3A_93 = tpu.memref_squeeze %dma_wait3A_92 : memref<1x64xi32, #tpu.memory_space<vmem>> -> memref<64xi32, #tpu.memory_space<vmem>>
        %dma_wait3A_94 = arith.constant 0 : i32
        %dma_wait3A_95 = arith.constant 0 : i32
        %dma_wait3A_96 = tpu.memref_slice %arg12[%dma_wait3A_94, %dma_wait3A_95] : memref<10112x64xf32, #tpu.memory_space<vmem_shared>> -> memref<10112x64xf32, #tpu.memory_space<vmem_shared>>
        tpu.wait_indirect_dma semaphore(%run_scoped3A_84 : memref<!tpu.dma_semaphore, #tpu.memory_space<semaphore_mem>>) src(%arg10 : memref<64x64xf32, #tpu.memory_space<vmem>>) dst(%dma_wait3A_96 : memref<10112x64xf32, #tpu.memory_space<vmem_shared>>)
        tpu.yield
      }) : () -> ()
      %mul3A_74 = arith.constant 2 : i32
      %mul3A_75 = arith.muli %mul3A_74, %scan3A_46 : i32
      %add3A_76 = arith.constant 3 : i32
      %add3A_77 = arith.addi %mul3A_75, %add3A_76 : i32
      %dma_start3A_78 = arith.constant 0 : i32
      %dma_start3A_79 = tpu.memref_slice %arg7[%add3A_77, %dma_start3A_78] : memref<316x64xi32, #tpu.memory_space<vmem>> -> memref<1x64xi32, #tpu.memory_space<vmem>>
      %dma_start3A_80 = tpu.memref_squeeze %dma_start3A_79 : memref<1x64xi32, #tpu.memory_space<vmem>> -> memref<64xi32, #tpu.memory_space<vmem>>
      %dma_start3A_81 = arith.constant 0 : i32
      %dma_start3A_82 = arith.constant 0 : i32
      %dma_start3A_83 = tpu.memref_slice %arg11[%dma_start3A_81, %dma_start3A_82] : memref<10112x64xf32, #tpu.memory_space<vmem_shared>> -> memref<10112x64xf32, #tpu.memory_space<vmem_shared>>
      tpu.enqueue_indirect_dma source(%dma_start3A_83 : memref<10112x64xf32, #tpu.memory_space<vmem_shared>>) target(%arg10 : memref<64x64xf32, #tpu.memory_space<vmem>>) offsets(%dma_start3A_80 : memref<64xi32, #tpu.memory_space<vmem>>) semaphore(%arg14 : memref<!tpu.dma_semaphore, #tpu.memory_space<semaphore_mem>>)
    }
    %scan3A_26 = arith.constant 157 : i32
    %dma_wait3A = arith.constant 0 : i32
    %dma_wait3A_27 = arith.constant 0 : i32
    %dma_wait3A_28 = tpu.memref_slice %arg11[%dma_wait3A, %dma_wait3A_27] : memref<10112x64xf32, #tpu.memory_space<vmem_shared>> -> memref<64x64xf32, #tpu.memory_space<vmem_shared>>
    %dma_wait3A_29 = arith.constant 0 : i32
    %dma_wait3A_30 = arith.constant 0 : i32
    %dma_wait3A_31 = tpu.memref_slice %arg11[%dma_wait3A_29, %dma_wait3A_30] : memref<10112x64xf32, #tpu.memory_space<vmem_shared>> -> memref<64x64xf32, #tpu.memory_space<vmem_shared>>
    tpu.wait_dma2 semaphore(%arg13 : memref<!tpu.dma_semaphore, #tpu.memory_space<semaphore_mem>>) src(%dma_wait3A_31 : memref<64x64xf32, #tpu.memory_space<vmem_shared>>) dst(%arg9 : memref<64x64xf32, #tpu.memory_space<vmem>>)
    %run_scoped3A = arith.constant 314 : i32
    "tpu.region"() ({
      %run_scoped3A_46 = tpu.sem_alloc : memref<!tpu.dma_semaphore, #tpu.memory_space<semaphore_mem>>
      %dma_start3A_47 = arith.constant 0 : i32
      %dma_start3A_48 = tpu.memref_slice %arg8[%run_scoped3A, %dma_start3A_47] : memref<316x64xi32, #tpu.memory_space<vmem>> -> memref<1x64xi32, #tpu.memory_space<vmem>>
      %dma_start3A_49 = tpu.memref_squeeze %dma_start3A_48 : memref<1x64xi32, #tpu.memory_space<vmem>> -> memref<64xi32, #tpu.memory_space<vmem>>
      %dma_start3A_50 = arith.constant 0 : i32
      %dma_start3A_51 = arith.constant 0 : i32
      %dma_start3A_52 = tpu.memref_slice %arg12[%dma_start3A_50, %dma_start3A_51] : memref<10112x64xf32, #tpu.memory_space<vmem_shared>> -> memref<10112x64xf32, #tpu.memory_space<vmem_shared>>
      tpu.enqueue_indirect_dma source(%arg9 : memref<64x64xf32, #tpu.memory_space<vmem>>) target(%dma_start3A_52 : memref<10112x64xf32, #tpu.memory_space<vmem_shared>>) offsets(%dma_start3A_49 : memref<64xi32, #tpu.memory_space<vmem>>) semaphore(%run_scoped3A_46 : memref<!tpu.dma_semaphore, #tpu.memory_space<semaphore_mem>>) {add = true}
      %dma_wait3A_53 = arith.constant 0 : i32
      %dma_wait3A_54 = tpu.memref_slice %arg8[%run_scoped3A, %dma_wait3A_53] : memref<316x64xi32, #tpu.memory_space<vmem>> -> memref<1x64xi32, #tpu.memory_space<vmem>>
      %dma_wait3A_55 = tpu.memref_squeeze %dma_wait3A_54 : memref<1x64xi32, #tpu.memory_space<vmem>> -> memref<64xi32, #tpu.memory_space<vmem>>
      %dma_wait3A_56 = arith.constant 0 : i32
      %dma_wait3A_57 = arith.constant 0 : i32
      %dma_wait3A_58 = tpu.memref_slice %arg12[%dma_wait3A_56, %dma_wait3A_57] : memref<10112x64xf32, #tpu.memory_space<vmem_shared>> -> memref<10112x64xf32, #tpu.memory_space<vmem_shared>>
      tpu.wait_indirect_dma semaphore(%run_scoped3A_46 : memref<!tpu.dma_semaphore, #tpu.memory_space<semaphore_mem>>) src(%arg9 : memref<64x64xf32, #tpu.memory_space<vmem>>) dst(%dma_wait3A_58 : memref<10112x64xf32, #tpu.memory_space<vmem_shared>>)
      tpu.yield
    }) : () -> ()
    %dma_wait3A_32 = arith.constant 0 : i32
    %dma_wait3A_33 = arith.constant 0 : i32
    %dma_wait3A_34 = tpu.memref_slice %arg11[%dma_wait3A_32, %dma_wait3A_33] : memref<10112x64xf32, #tpu.memory_space<vmem_shared>> -> memref<64x64xf32, #tpu.memory_space<vmem_shared>>
    %dma_wait3A_35 = arith.constant 0 : i32
    %dma_wait3A_36 = arith.constant 0 : i32
    %dma_wait3A_37 = tpu.memref_slice %arg11[%dma_wait3A_35, %dma_wait3A_36] : memref<10112x64xf32, #tpu.memory_space<vmem_shared>> -> memref<64x64xf32, #tpu.memory_space<vmem_shared>>
    tpu.wait_dma2 semaphore(%arg14 : memref<!tpu.dma_semaphore, #tpu.memory_space<semaphore_mem>>) src(%dma_wait3A_37 : memref<64x64xf32, #tpu.memory_space<vmem_shared>>) dst(%arg10 : memref<64x64xf32, #tpu.memory_space<vmem>>)
    %run_scoped3A_38 = arith.constant 315 : i32
    "tpu.region"() ({
      %run_scoped3A_46 = tpu.sem_alloc : memref<!tpu.dma_semaphore, #tpu.memory_space<semaphore_mem>>
      %dma_start3A_47 = arith.constant 0 : i32
      %dma_start3A_48 = tpu.memref_slice %arg8[%run_scoped3A_38, %dma_start3A_47] : memref<316x64xi32, #tpu.memory_space<vmem>> -> memref<1x64xi32, #tpu.memory_space<vmem>>
      %dma_start3A_49 = tpu.memref_squeeze %dma_start3A_48 : memref<1x64xi32, #tpu.memory_space<vmem>> -> memref<64xi32, #tpu.memory_space<vmem>>
      %dma_start3A_50 = arith.constant 0 : i32
      %dma_start3A_51 = arith.constant 0 : i32
      %dma_start3A_52 = tpu.memref_slice %arg12[%dma_start3A_50, %dma_start3A_51] : memref<10112x64xf32, #tpu.memory_space<vmem_shared>> -> memref<10112x64xf32, #tpu.memory_space<vmem_shared>>
      tpu.enqueue_indirect_dma source(%arg10 : memref<64x64xf32, #tpu.memory_space<vmem>>) target(%dma_start3A_52 : memref<10112x64xf32, #tpu.memory_space<vmem_shared>>) offsets(%dma_start3A_49 : memref<64xi32, #tpu.memory_space<vmem>>) semaphore(%run_scoped3A_46 : memref<!tpu.dma_semaphore, #tpu.memory_space<semaphore_mem>>) {add = true}
      %dma_wait3A_53 = arith.constant 0 : i32
      %dma_wait3A_54 = tpu.memref_slice %arg8[%run_scoped3A_38, %dma_wait3A_53] : memref<316x64xi32, #tpu.memory_space<vmem>> -> memref<1x64xi32, #tpu.memory_space<vmem>>
      %dma_wait3A_55 = tpu.memref_squeeze %dma_wait3A_54 : memref<1x64xi32, #tpu.memory_space<vmem>> -> memref<64xi32, #tpu.memory_space<vmem>>
      %dma_wait3A_56 = arith.constant 0 : i32
      %dma_wait3A_57 = arith.constant 0 : i32
      %dma_wait3A_58 = tpu.memref_slice %arg12[%dma_wait3A_56, %dma_wait3A_57] : memref<10112x64xf32, #tpu.memory_space<vmem_shared>> -> memref<10112x64xf32, #tpu.memory_space<vmem_shared>>
      tpu.wait_indirect_dma semaphore(%run_scoped3A_46 : memref<!tpu.dma_semaphore, #tpu.memory_space<semaphore_mem>>) src(%arg10 : memref<64x64xf32, #tpu.memory_space<vmem>>) dst(%dma_wait3A_58 : memref<10112x64xf32, #tpu.memory_space<vmem_shared>>)
      tpu.yield
    }) : () -> ()
    %barrier3A_39 = arith.constant 0 : index
    tpu.barrier barrier_id(%barrier3A_39)
    %mul3A_40 = arith.constant 632 : i32
    %mul3A_41 = arith.muli %arg1, %mul3A_40 : i32
    %mul3A_42 = arith.constant 632 : i32
    %mul3A_43 = arith.muli %arg1, %mul3A_42 : i32
    %mul3A_44 = arith.constant 64 : i32
    %mul3A_45 = arith.muli %arg0, %mul3A_44 : i32
    "tpu.region"() ({
      %run_scoped3A_46 = tpu.sem_alloc : memref<!tpu.dma_semaphore, #tpu.memory_space<semaphore_mem>>
      %dma_start3A_47 = tpu.memref_slice %arg6[%mul3A_43, %mul3A_45] : memref<10112x128xf32, #tpu.memory_space<hbm>> -> memref<632x64xf32, #tpu.memory_space<hbm>>
      %dma_start3A_48 = arith.constant 0 : i32
      %dma_start3A_49 = tpu.memref_slice %arg12[%mul3A_41, %dma_start3A_48] : memref<10112x64xf32, #tpu.memory_space<vmem_shared>> -> memref<632x64xf32, #tpu.memory_space<vmem_shared>>
      tpu.enqueue_dma source(%dma_start3A_49 : memref<632x64xf32, #tpu.memory_space<vmem_shared>>) target(%dma_start3A_47 : memref<632x64xf32, #tpu.memory_space<hbm>>) target_semaphore(%run_scoped3A_46 : memref<!tpu.dma_semaphore, #tpu.memory_space<semaphore_mem>>)
      %dma_wait3A_50 = tpu.memref_slice %arg6[%mul3A_43, %mul3A_45] : memref<10112x128xf32, #tpu.memory_space<hbm>> -> memref<632x64xf32, #tpu.memory_space<hbm>>
      %dma_wait3A_51 = arith.constant 0 : i32
      %dma_wait3A_52 = tpu.memref_slice %arg12[%mul3A_41, %dma_wait3A_51] : memref<10112x64xf32, #tpu.memory_space<vmem_shared>> -> memref<632x64xf32, #tpu.memory_space<vmem_shared>>
      tpu.wait_dma2 semaphore(%run_scoped3A_46 : memref<!tpu.dma_semaphore, #tpu.memory_space<semaphore_mem>>) src(%dma_wait3A_52 : memref<632x64xf32, #tpu.memory_space<vmem_shared>>) dst(%dma_wait3A_50 : memref<632x64xf32, #tpu.memory_space<hbm>>)
      tpu.yield
    }) : () -> ()
    return
  }
}

#map = affine_map<(d0, d1) -> (0, 0)>
#map1 = affine_map<(d0, d1) -> (0, 0, 0)>
module attributes {stable_mosaic.version = 14 : i64} {
  func.func @_agg_body(%arg0: i32, %arg1: i32, %arg2: memref<10112x128xf32, #tpu.memory_space<hbm>>, %arg3: memref<16x316x64xi32, #tpu.memory_space<hbm>>, %arg4: memref<16x316x64xi32, #tpu.memory_space<hbm>>, %arg5: memref<10112x64xf32, #tpu.memory_space<hbm>>, %arg6: memref<10112x128xf32, #tpu.memory_space<hbm>>, %arg7: memref<316x64xi32, #tpu.memory_space<vmem>>, %arg8: memref<316x64xi32, #tpu.memory_space<vmem>>, %arg9: memref<64x64xf32, #tpu.memory_space<vmem>>, %arg10: memref<64x64xf32, #tpu.memory_space<vmem>>, %arg11: memref<10112x64xf32, #tpu.memory_space<vmem_shared>>, %arg12: memref<10112x64xf32, #tpu.memory_space<vmem_shared>>, %arg13: memref<!tpu.dma_semaphore, #tpu.memory_space<semaphore_mem>>, %arg14: memref<!tpu.dma_semaphore, #tpu.memory_space<semaphore_mem>>) attributes {dimension_semantics = [#tpu.dimension_semantics<core_parallel>, #tpu.dimension_semantics<subcore_parallel>], iteration_bounds = array<i64: 2, 16>, scalar_prefetch = 0 : i64, scratch_operands = 8 : i64, tpu.core_type = #tpu.core_type<sc_vector_subcore>, window_params = [{transform_indices = #map}, {transform_indices = #map1}, {transform_indices = #map1}, {transform_indices = #map}, {transform_indices = #map}]} {
    "tpu.region"() ({
      %run_scoped3A_46 = tpu.sem_alloc : memref<!tpu.dma_semaphore, #tpu.memory_space<semaphore_mem>>
      %dma_start3A_47 = arith.constant 0 : i32
      %dma_start3A_48 = arith.constant 0 : i32
      %dma_start3A_49 = tpu.memref_slice %arg3[%arg1, %dma_start3A_47, %dma_start3A_48] : memref<16x316x64xi32, #tpu.memory_space<hbm>> -> memref<1x316x64xi32, #tpu.memory_space<hbm>>
      %dma_start3A_50 = tpu.memref_squeeze %dma_start3A_49 : memref<1x316x64xi32, #tpu.memory_space<hbm>> -> memref<316x64xi32, #tpu.memory_space<hbm>>
      %dma_start3A_51 = arith.constant 0 : i32
      %dma_start3A_52 = arith.constant 0 : i32
      %dma_start3A_53 = tpu.memref_slice %arg3[%arg1, %dma_start3A_51, %dma_start3A_52] : memref<16x316x64xi32, #tpu.memory_space<hbm>> -> memref<1x316x64xi32, #tpu.memory_space<hbm>>
      %dma_start3A_54 = tpu.memref_squeeze %dma_start3A_53 : memref<1x316x64xi32, #tpu.memory_space<hbm>> -> memref<316x64xi32, #tpu.memory_space<hbm>>
      tpu.enqueue_dma source(%dma_start3A_54 : memref<316x64xi32, #tpu.memory_space<hbm>>) target(%arg7 : memref<316x64xi32, #tpu.memory_space<vmem>>) target_semaphore(%run_scoped3A_46 : memref<!tpu.dma_semaphore, #tpu.memory_space<semaphore_mem>>)
      %dma_wait3A_55 = arith.constant 0 : i32
      %dma_wait3A_56 = arith.constant 0 : i32
      %dma_wait3A_57 = tpu.memref_slice %arg3[%arg1, %dma_wait3A_55, %dma_wait3A_56] : memref<16x316x64xi32, #tpu.memory_space<hbm>> -> memref<1x316x64xi32, #tpu.memory_space<hbm>>
      %dma_wait3A_58 = tpu.memref_squeeze %dma_wait3A_57 : memref<1x316x64xi32, #tpu.memory_space<hbm>> -> memref<316x64xi32, #tpu.memory_space<hbm>>
      %dma_wait3A_59 = arith.constant 0 : i32
      %dma_wait3A_60 = arith.constant 0 : i32
      %dma_wait3A_61 = tpu.memref_slice %arg3[%arg1, %dma_wait3A_59, %dma_wait3A_60] : memref<16x316x64xi32, #tpu.memory_space<hbm>> -> memref<1x316x64xi32, #tpu.memory_space<hbm>>
      %dma_wait3A_62 = tpu.memref_squeeze %dma_wait3A_61 : memref<1x316x64xi32, #tpu.memory_space<hbm>> -> memref<316x64xi32, #tpu.memory_space<hbm>>
      tpu.wait_dma2 semaphore(%run_scoped3A_46 : memref<!tpu.dma_semaphore, #tpu.memory_space<semaphore_mem>>) src(%dma_wait3A_62 : memref<316x64xi32, #tpu.memory_space<hbm>>) dst(%arg7 : memref<316x64xi32, #tpu.memory_space<vmem>>)
      tpu.yield
    }) : () -> ()
    "tpu.region"() ({
      %run_scoped3A_46 = tpu.sem_alloc : memref<!tpu.dma_semaphore, #tpu.memory_space<semaphore_mem>>
      %dma_start3A_47 = arith.constant 0 : i32
      %dma_start3A_48 = arith.constant 0 : i32
      %dma_start3A_49 = tpu.memref_slice %arg4[%arg1, %dma_start3A_47, %dma_start3A_48] : memref<16x316x64xi32, #tpu.memory_space<hbm>> -> memref<1x316x64xi32, #tpu.memory_space<hbm>>
      %dma_start3A_50 = tpu.memref_squeeze %dma_start3A_49 : memref<1x316x64xi32, #tpu.memory_space<hbm>> -> memref<316x64xi32, #tpu.memory_space<hbm>>
      %dma_start3A_51 = arith.constant 0 : i32
      %dma_start3A_52 = arith.constant 0 : i32
      %dma_start3A_53 = tpu.memref_slice %arg4[%arg1, %dma_start3A_51, %dma_start3A_52] : memref<16x316x64xi32, #tpu.memory_space<hbm>> -> memref<1x316x64xi32, #tpu.memory_space<hbm>>
      %dma_start3A_54 = tpu.memref_squeeze %dma_start3A_53 : memref<1x316x64xi32, #tpu.memory_space<hbm>> -> memref<316x64xi32, #tpu.memory_space<hbm>>
      tpu.enqueue_dma source(%dma_start3A_54 : memref<316x64xi32, #tpu.memory_space<hbm>>) target(%arg8 : memref<316x64xi32, #tpu.memory_space<vmem>>) target_semaphore(%run_scoped3A_46 : memref<!tpu.dma_semaphore, #tpu.memory_space<semaphore_mem>>)
      %dma_wait3A_55 = arith.constant 0 : i32
      %dma_wait3A_56 = arith.constant 0 : i32
      %dma_wait3A_57 = tpu.memref_slice %arg4[%arg1, %dma_wait3A_55, %dma_wait3A_56] : memref<16x316x64xi32, #tpu.memory_space<hbm>> -> memref<1x316x64xi32, #tpu.memory_space<hbm>>
      %dma_wait3A_58 = tpu.memref_squeeze %dma_wait3A_57 : memref<1x316x64xi32, #tpu.memory_space<hbm>> -> memref<316x64xi32, #tpu.memory_space<hbm>>
      %dma_wait3A_59 = arith.constant 0 : i32
      %dma_wait3A_60 = arith.constant 0 : i32
      %dma_wait3A_61 = tpu.memref_slice %arg4[%arg1, %dma_wait3A_59, %dma_wait3A_60] : memref<16x316x64xi32, #tpu.memory_space<hbm>> -> memref<1x316x64xi32, #tpu.memory_space<hbm>>
      %dma_wait3A_62 = tpu.memref_squeeze %dma_wait3A_61 : memref<1x316x64xi32, #tpu.memory_space<hbm>> -> memref<316x64xi32, #tpu.memory_space<hbm>>
      tpu.wait_dma2 semaphore(%run_scoped3A_46 : memref<!tpu.dma_semaphore, #tpu.memory_space<semaphore_mem>>) src(%dma_wait3A_62 : memref<316x64xi32, #tpu.memory_space<hbm>>) dst(%arg8 : memref<316x64xi32, #tpu.memory_space<vmem>>)
      tpu.yield
    }) : () -> ()
    %mul3A = arith.constant 632 : i32
    %mul3A_0 = arith.muli %arg1, %mul3A : i32
    %mul3A_1 = arith.constant 64 : i32
    %mul3A_2 = arith.muli %arg0, %mul3A_1 : i32
    %mul3A_3 = arith.constant 632 : i32
    %mul3A_4 = arith.muli %arg1, %mul3A_3 : i32
    "tpu.region"() ({
      %run_scoped3A_46 = tpu.sem_alloc : memref<!tpu.dma_semaphore, #tpu.memory_space<semaphore_mem>>
      %dma_start3A_47 = arith.constant 0 : i32
      %dma_start3A_48 = tpu.memref_slice %arg11[%mul3A_4, %dma_start3A_47] : memref<10112x64xf32, #tpu.memory_space<vmem_shared>> -> memref<632x64xf32, #tpu.memory_space<vmem_shared>>
      %dma_start3A_49 = tpu.memref_slice %arg2[%mul3A_0, %mul3A_2] : memref<10112x128xf32, #tpu.memory_space<hbm>> -> memref<632x64xf32, #tpu.memory_space<hbm>>
      tpu.enqueue_dma source(%dma_start3A_49 : memref<632x64xf32, #tpu.memory_space<hbm>>) target(%dma_start3A_48 : memref<632x64xf32, #tpu.memory_space<vmem_shared>>) target_semaphore(%run_scoped3A_46 : memref<!tpu.dma_semaphore, #tpu.memory_space<semaphore_mem>>)
      %dma_wait3A_50 = arith.constant 0 : i32
      %dma_wait3A_51 = tpu.memref_slice %arg11[%mul3A_4, %dma_wait3A_50] : memref<10112x64xf32, #tpu.memory_space<vmem_shared>> -> memref<632x64xf32, #tpu.memory_space<vmem_shared>>
      %dma_wait3A_52 = tpu.memref_slice %arg2[%mul3A_0, %mul3A_2] : memref<10112x128xf32, #tpu.memory_space<hbm>> -> memref<632x64xf32, #tpu.memory_space<hbm>>
      tpu.wait_dma2 semaphore(%run_scoped3A_46 : memref<!tpu.dma_semaphore, #tpu.memory_space<semaphore_mem>>) src(%dma_wait3A_52 : memref<632x64xf32, #tpu.memory_space<hbm>>) dst(%dma_wait3A_51 : memref<632x64xf32, #tpu.memory_space<vmem_shared>>)
      tpu.yield
    }) : () -> ()
    %mul3A_5 = arith.constant 632 : i32
    %mul3A_6 = arith.muli %arg1, %mul3A_5 : i32
    %mul3A_7 = arith.constant 632 : i32
    %mul3A_8 = arith.muli %arg1, %mul3A_7 : i32
    "tpu.region"() ({
      %run_scoped3A_46 = tpu.sem_alloc : memref<!tpu.dma_semaphore, #tpu.memory_space<semaphore_mem>>
      %dma_start3A_47 = arith.constant 0 : i32
      %dma_start3A_48 = tpu.memref_slice %arg12[%mul3A_8, %dma_start3A_47] : memref<10112x64xf32, #tpu.memory_space<vmem_shared>> -> memref<632x64xf32, #tpu.memory_space<vmem_shared>>
      %dma_start3A_49 = arith.constant 0 : i32
      %dma_start3A_50 = tpu.memref_slice %arg5[%mul3A_6, %dma_start3A_49] : memref<10112x64xf32, #tpu.memory_space<hbm>> -> memref<632x64xf32, #tpu.memory_space<hbm>>
      tpu.enqueue_dma source(%dma_start3A_50 : memref<632x64xf32, #tpu.memory_space<hbm>>) target(%dma_start3A_48 : memref<632x64xf32, #tpu.memory_space<vmem_shared>>) target_semaphore(%run_scoped3A_46 : memref<!tpu.dma_semaphore, #tpu.memory_space<semaphore_mem>>)
      %dma_wait3A_51 = arith.constant 0 : i32
      %dma_wait3A_52 = tpu.memref_slice %arg12[%mul3A_8, %dma_wait3A_51] : memref<10112x64xf32, #tpu.memory_space<vmem_shared>> -> memref<632x64xf32, #tpu.memory_space<vmem_shared>>
      %dma_wait3A_53 = arith.constant 0 : i32
      %dma_wait3A_54 = tpu.memref_slice %arg5[%mul3A_6, %dma_wait3A_53] : memref<10112x64xf32, #tpu.memory_space<hbm>> -> memref<632x64xf32, #tpu.memory_space<hbm>>
      tpu.wait_dma2 semaphore(%run_scoped3A_46 : memref<!tpu.dma_semaphore, #tpu.memory_space<semaphore_mem>>) src(%dma_wait3A_54 : memref<632x64xf32, #tpu.memory_space<hbm>>) dst(%dma_wait3A_52 : memref<632x64xf32, #tpu.memory_space<vmem_shared>>)
      tpu.yield
    }) : () -> ()
    %barrier3A = arith.constant 0 : index
    tpu.barrier barrier_id(%barrier3A)
    %dma_start3A = arith.constant 0 : i32
    %dma_start3A_9 = arith.constant 0 : i32
    %dma_start3A_10 = tpu.memref_slice %arg7[%dma_start3A, %dma_start3A_9] : memref<316x64xi32, #tpu.memory_space<vmem>> -> memref<1x64xi32, #tpu.memory_space<vmem>>
    %dma_start3A_11 = tpu.memref_squeeze %dma_start3A_10 : memref<1x64xi32, #tpu.memory_space<vmem>> -> memref<64xi32, #tpu.memory_space<vmem>>
    %dma_start3A_12 = arith.constant 0 : i32
    %dma_start3A_13 = arith.constant 0 : i32
    %dma_start3A_14 = tpu.memref_slice %arg11[%dma_start3A_12, %dma_start3A_13] : memref<10112x64xf32, #tpu.memory_space<vmem_shared>> -> memref<10112x64xf32, #tpu.memory_space<vmem_shared>>
    tpu.enqueue_indirect_dma source(%dma_start3A_14 : memref<10112x64xf32, #tpu.memory_space<vmem_shared>>) target(%arg9 : memref<64x64xf32, #tpu.memory_space<vmem>>) offsets(%dma_start3A_11 : memref<64xi32, #tpu.memory_space<vmem>>) semaphore(%arg13 : memref<!tpu.dma_semaphore, #tpu.memory_space<semaphore_mem>>)
    %dma_start3A_15 = arith.constant 1 : i32
    %dma_start3A_16 = arith.constant 0 : i32
    %dma_start3A_17 = tpu.memref_slice %arg7[%dma_start3A_15, %dma_start3A_16] : memref<316x64xi32, #tpu.memory_space<vmem>> -> memref<1x64xi32, #tpu.memory_space<vmem>>
    %dma_start3A_18 = tpu.memref_squeeze %dma_start3A_17 : memref<1x64xi32, #tpu.memory_space<vmem>> -> memref<64xi32, #tpu.memory_space<vmem>>
    %dma_start3A_19 = arith.constant 0 : i32
    %dma_start3A_20 = arith.constant 0 : i32
    %dma_start3A_21 = tpu.memref_slice %arg11[%dma_start3A_19, %dma_start3A_20] : memref<10112x64xf32, #tpu.memory_space<vmem_shared>> -> memref<10112x64xf32, #tpu.memory_space<vmem_shared>>
    tpu.enqueue_indirect_dma source(%dma_start3A_21 : memref<10112x64xf32, #tpu.memory_space<vmem_shared>>) target(%arg10 : memref<64x64xf32, #tpu.memory_space<vmem>>) offsets(%dma_start3A_18 : memref<64xi32, #tpu.memory_space<vmem>>) semaphore(%arg14 : memref<!tpu.dma_semaphore, #tpu.memory_space<semaphore_mem>>)
    %scan3A = arith.constant 0 : i32
    %scan3A_22 = arith.constant 0 : i32
    %scan3A_23 = arith.constant 157 : i32
    %scan3A_24 = arith.addi %scan3A_22, %scan3A_23 : i32
    %scan3A_25 = arith.constant 1 : i32
    scf.for %scan3A_46 = %scan3A_22 to %scan3A_24 step %scan3A_25  : i32 {
      %dma_wait3A_47 = arith.constant 0 : i32
      %dma_wait3A_48 = arith.constant 0 : i32
      %dma_wait3A_49 = tpu.memref_slice %arg11[%dma_wait3A_47, %dma_wait3A_48] : memref<10112x64xf32, #tpu.memory_space<vmem_shared>> -> memref<64x64xf32, #tpu.memory_space<vmem_shared>>
      %dma_wait3A_50 = arith.constant 0 : i32
      %dma_wait3A_51 = arith.constant 0 : i32
      %dma_wait3A_52 = tpu.memref_slice %arg11[%dma_wait3A_50, %dma_wait3A_51] : memref<10112x64xf32, #tpu.memory_space<vmem_shared>> -> memref<64x64xf32, #tpu.memory_space<vmem_shared>>
      tpu.wait_dma2 semaphore(%arg13 : memref<!tpu.dma_semaphore, #tpu.memory_space<semaphore_mem>>) src(%dma_wait3A_52 : memref<64x64xf32, #tpu.memory_space<vmem_shared>>) dst(%arg9 : memref<64x64xf32, #tpu.memory_space<vmem>>)
      %mul3A_53 = arith.constant 2 : i32
      %mul3A_54 = arith.muli %mul3A_53, %scan3A_46 : i32
      "tpu.region"() ({
        %run_scoped3A_84 = tpu.sem_alloc : memref<!tpu.dma_semaphore, #tpu.memory_space<semaphore_mem>>
        %dma_start3A_85 = arith.constant 0 : i32
        %dma_start3A_86 = tpu.memref_slice %arg8[%mul3A_54, %dma_start3A_85] : memref<316x64xi32, #tpu.memory_space<vmem>> -> memref<1x64xi32, #tpu.memory_space<vmem>>
        %dma_start3A_87 = tpu.memref_squeeze %dma_start3A_86 : memref<1x64xi32, #tpu.memory_space<vmem>> -> memref<64xi32, #tpu.memory_space<vmem>>
        %dma_start3A_88 = arith.constant 0 : i32
        %dma_start3A_89 = arith.constant 0 : i32
        %dma_start3A_90 = tpu.memref_slice %arg12[%dma_start3A_88, %dma_start3A_89] : memref<10112x64xf32, #tpu.memory_space<vmem_shared>> -> memref<10112x64xf32, #tpu.memory_space<vmem_shared>>
        tpu.enqueue_indirect_dma source(%arg9 : memref<64x64xf32, #tpu.memory_space<vmem>>) target(%dma_start3A_90 : memref<10112x64xf32, #tpu.memory_space<vmem_shared>>) offsets(%dma_start3A_87 : memref<64xi32, #tpu.memory_space<vmem>>) semaphore(%run_scoped3A_84 : memref<!tpu.dma_semaphore, #tpu.memory_space<semaphore_mem>>) {add = true}
        %dma_wait3A_91 = arith.constant 0 : i32
        %dma_wait3A_92 = tpu.memref_slice %arg8[%mul3A_54, %dma_wait3A_91] : memref<316x64xi32, #tpu.memory_space<vmem>> -> memref<1x64xi32, #tpu.memory_space<vmem>>
        %dma_wait3A_93 = tpu.memref_squeeze %dma_wait3A_92 : memref<1x64xi32, #tpu.memory_space<vmem>> -> memref<64xi32, #tpu.memory_space<vmem>>
        %dma_wait3A_94 = arith.constant 0 : i32
        %dma_wait3A_95 = arith.constant 0 : i32
        %dma_wait3A_96 = tpu.memref_slice %arg12[%dma_wait3A_94, %dma_wait3A_95] : memref<10112x64xf32, #tpu.memory_space<vmem_shared>> -> memref<10112x64xf32, #tpu.memory_space<vmem_shared>>
        tpu.wait_indirect_dma semaphore(%run_scoped3A_84 : memref<!tpu.dma_semaphore, #tpu.memory_space<semaphore_mem>>) src(%arg9 : memref<64x64xf32, #tpu.memory_space<vmem>>) dst(%dma_wait3A_96 : memref<10112x64xf32, #tpu.memory_space<vmem_shared>>)
        tpu.yield
      }) : () -> ()
      %mul3A_55 = arith.constant 2 : i32
      %mul3A_56 = arith.muli %mul3A_55, %scan3A_46 : i32
      %add3A = arith.constant 2 : i32
      %add3A_57 = arith.addi %mul3A_56, %add3A : i32
      %dma_start3A_58 = arith.constant 0 : i32
      %dma_start3A_59 = tpu.memref_slice %arg7[%add3A_57, %dma_start3A_58] : memref<316x64xi32, #tpu.memory_space<vmem>> -> memref<1x64xi32, #tpu.memory_space<vmem>>
      %dma_start3A_60 = tpu.memref_squeeze %dma_start3A_59 : memref<1x64xi32, #tpu.memory_space<vmem>> -> memref<64xi32, #tpu.memory_space<vmem>>
      %dma_start3A_61 = arith.constant 0 : i32
      %dma_start3A_62 = arith.constant 0 : i32
      %dma_start3A_63 = tpu.memref_slice %arg11[%dma_start3A_61, %dma_start3A_62] : memref<10112x64xf32, #tpu.memory_space<vmem_shared>> -> memref<10112x64xf32, #tpu.memory_space<vmem_shared>>
      tpu.enqueue_indirect_dma source(%dma_start3A_63 : memref<10112x64xf32, #tpu.memory_space<vmem_shared>>) target(%arg9 : memref<64x64xf32, #tpu.memory_space<vmem>>) offsets(%dma_start3A_60 : memref<64xi32, #tpu.memory_space<vmem>>) semaphore(%arg13 : memref<!tpu.dma_semaphore, #tpu.memory_space<semaphore_mem>>)
      %dma_wait3A_64 = arith.constant 0 : i32
      %dma_wait3A_65 = arith.constant 0 : i32
      %dma_wait3A_66 = tpu.memref_slice %arg11[%dma_wait3A_64, %dma_wait3A_65] : memref<10112x64xf32, #tpu.memory_space<vmem_shared>> -> memref<64x64xf32, #tpu.memory_space<vmem_shared>>
      %dma_wait3A_67 = arith.constant 0 : i32
      %dma_wait3A_68 = arith.constant 0 : i32
      %dma_wait3A_69 = tpu.memref_slice %arg11[%dma_wait3A_67, %dma_wait3A_68] : memref<10112x64xf32, #tpu.memory_space<vmem_shared>> -> memref<64x64xf32, #tpu.memory_space<vmem_shared>>
      tpu.wait_dma2 semaphore(%arg14 : memref<!tpu.dma_semaphore, #tpu.memory_space<semaphore_mem>>) src(%dma_wait3A_69 : memref<64x64xf32, #tpu.memory_space<vmem_shared>>) dst(%arg10 : memref<64x64xf32, #tpu.memory_space<vmem>>)
      %mul3A_70 = arith.constant 2 : i32
      %mul3A_71 = arith.muli %mul3A_70, %scan3A_46 : i32
      %add3A_72 = arith.constant 1 : i32
      %add3A_73 = arith.addi %mul3A_71, %add3A_72 : i32
      "tpu.region"() ({
        %run_scoped3A_84 = tpu.sem_alloc : memref<!tpu.dma_semaphore, #tpu.memory_space<semaphore_mem>>
        %dma_start3A_85 = arith.constant 0 : i32
        %dma_start3A_86 = tpu.memref_slice %arg8[%add3A_73, %dma_start3A_85] : memref<316x64xi32, #tpu.memory_space<vmem>> -> memref<1x64xi32, #tpu.memory_space<vmem>>
        %dma_start3A_87 = tpu.memref_squeeze %dma_start3A_86 : memref<1x64xi32, #tpu.memory_space<vmem>> -> memref<64xi32, #tpu.memory_space<vmem>>
        %dma_start3A_88 = arith.constant 0 : i32
        %dma_start3A_89 = arith.constant 0 : i32
        %dma_start3A_90 = tpu.memref_slice %arg12[%dma_start3A_88, %dma_start3A_89] : memref<10112x64xf32, #tpu.memory_space<vmem_shared>> -> memref<10112x64xf32, #tpu.memory_space<vmem_shared>>
        tpu.enqueue_indirect_dma source(%arg10 : memref<64x64xf32, #tpu.memory_space<vmem>>) target(%dma_start3A_90 : memref<10112x64xf32, #tpu.memory_space<vmem_shared>>) offsets(%dma_start3A_87 : memref<64xi32, #tpu.memory_space<vmem>>) semaphore(%run_scoped3A_84 : memref<!tpu.dma_semaphore, #tpu.memory_space<semaphore_mem>>) {add = true}
        %dma_wait3A_91 = arith.constant 0 : i32
        %dma_wait3A_92 = tpu.memref_slice %arg8[%add3A_73, %dma_wait3A_91] : memref<316x64xi32, #tpu.memory_space<vmem>> -> memref<1x64xi32, #tpu.memory_space<vmem>>
        %dma_wait3A_93 = tpu.memref_squeeze %dma_wait3A_92 : memref<1x64xi32, #tpu.memory_space<vmem>> -> memref<64xi32, #tpu.memory_space<vmem>>
        %dma_wait3A_94 = arith.constant 0 : i32
        %dma_wait3A_95 = arith.constant 0 : i32
        %dma_wait3A_96 = tpu.memref_slice %arg12[%dma_wait3A_94, %dma_wait3A_95] : memref<10112x64xf32, #tpu.memory_space<vmem_shared>> -> memref<10112x64xf32, #tpu.memory_space<vmem_shared>>
        tpu.wait_indirect_dma semaphore(%run_scoped3A_84 : memref<!tpu.dma_semaphore, #tpu.memory_space<semaphore_mem>>) src(%arg10 : memref<64x64xf32, #tpu.memory_space<vmem>>) dst(%dma_wait3A_96 : memref<10112x64xf32, #tpu.memory_space<vmem_shared>>)
        tpu.yield
      }) : () -> ()
      %mul3A_74 = arith.constant 2 : i32
      %mul3A_75 = arith.muli %mul3A_74, %scan3A_46 : i32
      %add3A_76 = arith.constant 3 : i32
      %add3A_77 = arith.addi %mul3A_75, %add3A_76 : i32
      %dma_start3A_78 = arith.constant 0 : i32
      %dma_start3A_79 = tpu.memref_slice %arg7[%add3A_77, %dma_start3A_78] : memref<316x64xi32, #tpu.memory_space<vmem>> -> memref<1x64xi32, #tpu.memory_space<vmem>>
      %dma_start3A_80 = tpu.memref_squeeze %dma_start3A_79 : memref<1x64xi32, #tpu.memory_space<vmem>> -> memref<64xi32, #tpu.memory_space<vmem>>
      %dma_start3A_81 = arith.constant 0 : i32
      %dma_start3A_82 = arith.constant 0 : i32
      %dma_start3A_83 = tpu.memref_slice %arg11[%dma_start3A_81, %dma_start3A_82] : memref<10112x64xf32, #tpu.memory_space<vmem_shared>> -> memref<10112x64xf32, #tpu.memory_space<vmem_shared>>
      tpu.enqueue_indirect_dma source(%dma_start3A_83 : memref<10112x64xf32, #tpu.memory_space<vmem_shared>>) target(%arg10 : memref<64x64xf32, #tpu.memory_space<vmem>>) offsets(%dma_start3A_80 : memref<64xi32, #tpu.memory_space<vmem>>) semaphore(%arg14 : memref<!tpu.dma_semaphore, #tpu.memory_space<semaphore_mem>>)
    }
    %scan3A_26 = arith.constant 157 : i32
    %dma_wait3A = arith.constant 0 : i32
    %dma_wait3A_27 = arith.constant 0 : i32
    %dma_wait3A_28 = tpu.memref_slice %arg11[%dma_wait3A, %dma_wait3A_27] : memref<10112x64xf32, #tpu.memory_space<vmem_shared>> -> memref<64x64xf32, #tpu.memory_space<vmem_shared>>
    %dma_wait3A_29 = arith.constant 0 : i32
    %dma_wait3A_30 = arith.constant 0 : i32
    %dma_wait3A_31 = tpu.memref_slice %arg11[%dma_wait3A_29, %dma_wait3A_30] : memref<10112x64xf32, #tpu.memory_space<vmem_shared>> -> memref<64x64xf32, #tpu.memory_space<vmem_shared>>
    tpu.wait_dma2 semaphore(%arg13 : memref<!tpu.dma_semaphore, #tpu.memory_space<semaphore_mem>>) src(%dma_wait3A_31 : memref<64x64xf32, #tpu.memory_space<vmem_shared>>) dst(%arg9 : memref<64x64xf32, #tpu.memory_space<vmem>>)
    %run_scoped3A = arith.constant 314 : i32
    "tpu.region"() ({
      %run_scoped3A_46 = tpu.sem_alloc : memref<!tpu.dma_semaphore, #tpu.memory_space<semaphore_mem>>
      %dma_start3A_47 = arith.constant 0 : i32
      %dma_start3A_48 = tpu.memref_slice %arg8[%run_scoped3A, %dma_start3A_47] : memref<316x64xi32, #tpu.memory_space<vmem>> -> memref<1x64xi32, #tpu.memory_space<vmem>>
      %dma_start3A_49 = tpu.memref_squeeze %dma_start3A_48 : memref<1x64xi32, #tpu.memory_space<vmem>> -> memref<64xi32, #tpu.memory_space<vmem>>
      %dma_start3A_50 = arith.constant 0 : i32
      %dma_start3A_51 = arith.constant 0 : i32
      %dma_start3A_52 = tpu.memref_slice %arg12[%dma_start3A_50, %dma_start3A_51] : memref<10112x64xf32, #tpu.memory_space<vmem_shared>> -> memref<10112x64xf32, #tpu.memory_space<vmem_shared>>
      tpu.enqueue_indirect_dma source(%arg9 : memref<64x64xf32, #tpu.memory_space<vmem>>) target(%dma_start3A_52 : memref<10112x64xf32, #tpu.memory_space<vmem_shared>>) offsets(%dma_start3A_49 : memref<64xi32, #tpu.memory_space<vmem>>) semaphore(%run_scoped3A_46 : memref<!tpu.dma_semaphore, #tpu.memory_space<semaphore_mem>>) {add = true}
      %dma_wait3A_53 = arith.constant 0 : i32
      %dma_wait3A_54 = tpu.memref_slice %arg8[%run_scoped3A, %dma_wait3A_53] : memref<316x64xi32, #tpu.memory_space<vmem>> -> memref<1x64xi32, #tpu.memory_space<vmem>>
      %dma_wait3A_55 = tpu.memref_squeeze %dma_wait3A_54 : memref<1x64xi32, #tpu.memory_space<vmem>> -> memref<64xi32, #tpu.memory_space<vmem>>
      %dma_wait3A_56 = arith.constant 0 : i32
      %dma_wait3A_57 = arith.constant 0 : i32
      %dma_wait3A_58 = tpu.memref_slice %arg12[%dma_wait3A_56, %dma_wait3A_57] : memref<10112x64xf32, #tpu.memory_space<vmem_shared>> -> memref<10112x64xf32, #tpu.memory_space<vmem_shared>>
      tpu.wait_indirect_dma semaphore(%run_scoped3A_46 : memref<!tpu.dma_semaphore, #tpu.memory_space<semaphore_mem>>) src(%arg9 : memref<64x64xf32, #tpu.memory_space<vmem>>) dst(%dma_wait3A_58 : memref<10112x64xf32, #tpu.memory_space<vmem_shared>>)
      tpu.yield
    }) : () -> ()
    %dma_wait3A_32 = arith.constant 0 : i32
    %dma_wait3A_33 = arith.constant 0 : i32
    %dma_wait3A_34 = tpu.memref_slice %arg11[%dma_wait3A_32, %dma_wait3A_33] : memref<10112x64xf32, #tpu.memory_space<vmem_shared>> -> memref<64x64xf32, #tpu.memory_space<vmem_shared>>
    %dma_wait3A_35 = arith.constant 0 : i32
    %dma_wait3A_36 = arith.constant 0 : i32
    %dma_wait3A_37 = tpu.memref_slice %arg11[%dma_wait3A_35, %dma_wait3A_36] : memref<10112x64xf32, #tpu.memory_space<vmem_shared>> -> memref<64x64xf32, #tpu.memory_space<vmem_shared>>
    tpu.wait_dma2 semaphore(%arg14 : memref<!tpu.dma_semaphore, #tpu.memory_space<semaphore_mem>>) src(%dma_wait3A_37 : memref<64x64xf32, #tpu.memory_space<vmem_shared>>) dst(%arg10 : memref<64x64xf32, #tpu.memory_space<vmem>>)
    %run_scoped3A_38 = arith.constant 315 : i32
    "tpu.region"() ({
      %run_scoped3A_46 = tpu.sem_alloc : memref<!tpu.dma_semaphore, #tpu.memory_space<semaphore_mem>>
      %dma_start3A_47 = arith.constant 0 : i32
      %dma_start3A_48 = tpu.memref_slice %arg8[%run_scoped3A_38, %dma_start3A_47] : memref<316x64xi32, #tpu.memory_space<vmem>> -> memref<1x64xi32, #tpu.memory_space<vmem>>
      %dma_start3A_49 = tpu.memref_squeeze %dma_start3A_48 : memref<1x64xi32, #tpu.memory_space<vmem>> -> memref<64xi32, #tpu.memory_space<vmem>>
      %dma_start3A_50 = arith.constant 0 : i32
      %dma_start3A_51 = arith.constant 0 : i32
      %dma_start3A_52 = tpu.memref_slice %arg12[%dma_start3A_50, %dma_start3A_51] : memref<10112x64xf32, #tpu.memory_space<vmem_shared>> -> memref<10112x64xf32, #tpu.memory_space<vmem_shared>>
      tpu.enqueue_indirect_dma source(%arg10 : memref<64x64xf32, #tpu.memory_space<vmem>>) target(%dma_start3A_52 : memref<10112x64xf32, #tpu.memory_space<vmem_shared>>) offsets(%dma_start3A_49 : memref<64xi32, #tpu.memory_space<vmem>>) semaphore(%run_scoped3A_46 : memref<!tpu.dma_semaphore, #tpu.memory_space<semaphore_mem>>) {add = true}
      %dma_wait3A_53 = arith.constant 0 : i32
      %dma_wait3A_54 = tpu.memref_slice %arg8[%run_scoped3A_38, %dma_wait3A_53] : memref<316x64xi32, #tpu.memory_space<vmem>> -> memref<1x64xi32, #tpu.memory_space<vmem>>
      %dma_wait3A_55 = tpu.memref_squeeze %dma_wait3A_54 : memref<1x64xi32, #tpu.memory_space<vmem>> -> memref<64xi32, #tpu.memory_space<vmem>>
      %dma_wait3A_56 = arith.constant 0 : i32
      %dma_wait3A_57 = arith.constant 0 : i32
      %dma_wait3A_58 = tpu.memref_slice %arg12[%dma_wait3A_56, %dma_wait3A_57] : memref<10112x64xf32, #tpu.memory_space<vmem_shared>> -> memref<10112x64xf32, #tpu.memory_space<vmem_shared>>
      tpu.wait_indirect_dma semaphore(%run_scoped3A_46 : memref<!tpu.dma_semaphore, #tpu.memory_space<semaphore_mem>>) src(%arg10 : memref<64x64xf32, #tpu.memory_space<vmem>>) dst(%dma_wait3A_58 : memref<10112x64xf32, #tpu.memory_space<vmem_shared>>)
      tpu.yield
    }) : () -> ()
    %barrier3A_39 = arith.constant 0 : index
    tpu.barrier barrier_id(%barrier3A_39)
    %mul3A_40 = arith.constant 632 : i32
    %mul3A_41 = arith.muli %arg1, %mul3A_40 : i32
    %mul3A_42 = arith.constant 632 : i32
    %mul3A_43 = arith.muli %arg1, %mul3A_42 : i32
    %mul3A_44 = arith.constant 64 : i32
    %mul3A_45 = arith.muli %arg0, %mul3A_44 : i32
    "tpu.region"() ({
      %run_scoped3A_46 = tpu.sem_alloc : memref<!tpu.dma_semaphore, #tpu.memory_space<semaphore_mem>>
      %dma_start3A_47 = tpu.memref_slice %arg6[%mul3A_43, %mul3A_45] : memref<10112x128xf32, #tpu.memory_space<hbm>> -> memref<632x64xf32, #tpu.memory_space<hbm>>
      %dma_start3A_48 = arith.constant 0 : i32
      %dma_start3A_49 = tpu.memref_slice %arg12[%mul3A_41, %dma_start3A_48] : memref<10112x64xf32, #tpu.memory_space<vmem_shared>> -> memref<632x64xf32, #tpu.memory_space<vmem_shared>>
      tpu.enqueue_dma source(%dma_start3A_49 : memref<632x64xf32, #tpu.memory_space<vmem_shared>>) target(%dma_start3A_47 : memref<632x64xf32, #tpu.memory_space<hbm>>) target_semaphore(%run_scoped3A_46 : memref<!tpu.dma_semaphore, #tpu.memory_space<semaphore_mem>>)
      %dma_wait3A_50 = tpu.memref_slice %arg6[%mul3A_43, %mul3A_45] : memref<10112x128xf32, #tpu.memory_space<hbm>> -> memref<632x64xf32, #tpu.memory_space<hbm>>
      %dma_wait3A_51 = arith.constant 0 : i32
      %dma_wait3A_52 = tpu.memref_slice %arg12[%mul3A_41, %dma_wait3A_51] : memref<10112x64xf32, #tpu.memory_space<vmem_shared>> -> memref<632x64xf32, #tpu.memory_space<vmem_shared>>
      tpu.wait_dma2 semaphore(%run_scoped3A_46 : memref<!tpu.dma_semaphore, #tpu.memory_space<semaphore_mem>>) src(%dma_wait3A_52 : memref<632x64xf32, #tpu.memory_space<vmem_shared>>) dst(%dma_wait3A_50 : memref<632x64xf32, #tpu.memory_space<hbm>>)
      tpu.yield
    }) : () -> ()
    return
  }
}

module attributes {stable_mosaic.version = 14 : i64} {
  func.func @_fin_body(%arg0: memref<20224x16xf32, #tpu.memory_space<vmem>>, %arg1: memref<10112x8xf32, #tpu.memory_space<vmem>>) attributes {dimension_semantics = [], scalar_prefetch = 0 : i64, scratch_operands = 0 : i64, tpu.core_type = #tpu.core_type<tc>} {
    %get3A = arith.constant 0 : index
    %get3A_0 = arith.constant 0 : index
    %get3A_1 = vector.load %arg0[%get3A, %get3A_0] : memref<20224x16xf32, #tpu.memory_space<vmem>>, vector<20224x16xf32>
    %slice3A = vector.extract_strided_slice %get3A_1 {offsets = [0, 0], sizes = [10112, 8], strides = [1, 1]} : vector<20224x16xf32> to vector<10112x8xf32>
    %slice3A_2 = vector.extract_strided_slice %get3A_1 {offsets = [10112, 0], sizes = [10112, 8], strides = [1, 1]} : vector<20224x16xf32> to vector<10112x8xf32>
    %add3A = arith.addf %slice3A, %slice3A_2 : vector<10112x8xf32>
    %rsqrt3A = math.rsqrt %add3A : vector<10112x8xf32>
    %iota3A = tpu.iota {dimensions = array<i32: 0>} : vector<10112x8xi32>
    %lt3A = arith.constant 10000 : i32
    %lt3A_3 = vector.broadcast %lt3A : i32 to vector<10112x8xi32>
    %lt3A_4 = arith.cmpi slt, %iota3A, %lt3A_3 : vector<10112x8xi32>
    %jit3A = arith.constant 0.000000e+00 : f32
    %broadcast_in_dim3A = vector.broadcast %jit3A : f32 to vector<10112x8xf32>
    %select_n3A = arith.select %lt3A_4, %rsqrt3A, %broadcast_in_dim3A : vector<10112x8xi1>, vector<10112x8xf32>
    %swap3A = arith.constant 0 : index
    %swap3A_5 = arith.constant 0 : index
    %swap3A_6 = vector.load %arg1[%swap3A, %swap3A_5] : memref<10112x8xf32, #tpu.memory_space<vmem>>, vector<10112x8xf32>
    tpu.vector_store %arg1[%swap3A, %swap3A_5], %select_n3A {strides = array<i32>} : memref<10112x8xf32, #tpu.memory_space<vmem>>, vector<10112x8xf32>,
    return
  }
}

module attributes {stable_mosaic.version = 14 : i64} {
  func.func @_lin_body(%arg0: i32, %arg1: memref<632x8xf32, #tpu.memory_space<vmem>>, %arg2: memref<632x128xf32, #tpu.memory_space<vmem>>, %arg3: memref<128x128xf32, #tpu.memory_space<vmem>>, %arg4: memref<1x128xf32, #tpu.memory_space<vmem>>, %arg5: memref<632x128xf32, #tpu.memory_space<vmem>>) attributes {dimension_semantics = [#tpu.dimension_semantics<arbitrary>], iteration_bounds = array<i64: 16>, scalar_prefetch = 0 : i64, scratch_operands = 0 : i64, tpu.core_type = #tpu.core_type<tc>, window_params = [{transform_indices = @transform_0, window_bounds = array<i64: 632, 8>}, {transform_indices = @transform_1, window_bounds = array<i64: 632, 128>}, {pipeline_mode = #tpu.pipeline_mode<synchronous>, transform_indices = @transform_2, window_bounds = array<i64: 128, 128>}, {pipeline_mode = #tpu.pipeline_mode<synchronous>, transform_indices = @transform_3, window_bounds = array<i64: 1, 128>}, {transform_indices = @transform_4, window_bounds = array<i64: 632, 128>}]} {
    %get3A = arith.constant 0 : index
    %get3A_0 = arith.constant 0 : index
    %get3A_1 = vector.load %arg1[%get3A, %get3A_0] : memref<632x8xf32, #tpu.memory_space<vmem>>, vector<632x8xf32>
    %slice3A = vector.extract_strided_slice %get3A_1 {offsets = [0, 0], sizes = [632, 1], strides = [1, 1]} : vector<632x8xf32> to vector<632x1xf32>
    %get3A_2 = arith.constant 0 : index
    %get3A_3 = arith.constant 0 : index
    %get3A_4 = vector.load %arg2[%get3A_2, %get3A_3] : memref<632x128xf32, #tpu.memory_space<vmem>>, vector<632x128xf32>
    %get3A_5 = arith.constant 0 : index
    %get3A_6 = arith.constant 0 : index
    %get3A_7 = vector.load %arg3[%get3A_5, %get3A_6] : memref<128x128xf32, #tpu.memory_space<vmem>>, vector<128x128xf32>
    %dot_general3A = arith.constant dense<0.000000e+00> : vector<632x128xf32>
    %dot_general3A_8 = tpu.matmul %get3A_4, %get3A_7, %dot_general3A {dimension_numbers = #tpu.dot_dimension_numbers<[1], [1], [0], [0], [0, 0, 1, 0], [], []>, precision = #tpu.contract_precision<fp32>, transpose_lhs_hint = false} : vector<632x128xf32>, vector<128x128xf32>, vector<632x128xf32> -> vector<632x128xf32>
    %get3A_9 = arith.constant 0 : index
    %get3A_10 = arith.constant 0 : index
    %get3A_11 = vector.load %arg4[%get3A_9, %get3A_10] : memref<1x128xf32, #tpu.memory_space<vmem>>, vector<1x128xf32>
    %add3A = vector.broadcast %get3A_11 : vector<1x128xf32> to vector<632x128xf32>
    %add3A_12 = arith.addf %dot_general3A_8, %add3A : vector<632x128xf32>
    %mul3A = vector.broadcast %slice3A : vector<632x1xf32> to vector<632x128xf32>
    %mul3A_13 = arith.mulf %mul3A, %add3A_12 : vector<632x128xf32>
    %swap3A = arith.constant 0 : index
    %swap3A_14 = arith.constant 0 : index
    %swap3A_15 = vector.load %arg5[%swap3A, %swap3A_14] : memref<632x128xf32, #tpu.memory_space<vmem>>, vector<632x128xf32>
    tpu.vector_store %arg5[%swap3A, %swap3A_14], %mul3A_13 {strides = array<i32>} : memref<632x128xf32, #tpu.memory_space<vmem>>, vector<632x128xf32>,
    return
  }
  func.func @transform_0(%arg0: i32) -> (i32, i32) {
    %c0_i32 = arith.constant 0 : i32
    %c0_i32_0 = arith.constant 0 : i32
    return %arg0, %c0_i32 : i32, i32
  }
  func.func @transform_1(%arg0: i32) -> (i32, i32) {
    %c0_i32 = arith.constant 0 : i32
    %c0_i32_0 = arith.constant 0 : i32
    return %arg0, %c0_i32 : i32, i32
  }
  func.func @transform_2(%arg0: i32) -> (i32, i32) {
    %c0_i32 = arith.constant 0 : i32
    %c0_i32_0 = arith.constant 0 : i32
    %c0_i32_1 = arith.constant 0 : i32
    return %c0_i32, %c0_i32_0 : i32, i32
  }
  func.func @transform_3(%arg0: i32) -> (i32, i32) {
    %c0_i32 = arith.constant 0 : i32
    %c0_i32_0 = arith.constant 0 : i32
    %c0_i32_1 = arith.constant 0 : i32
    return %c0_i32, %c0_i32_0 : i32, i32
  }
  func.func @transform_4(%arg0: i32) -> (i32, i32) {
    %c0_i32 = arith.constant 0 : i32
    %c0_i32_0 = arith.constant 0 : i32
    return %arg0, %c0_i32 : i32, i32
  }
}

module attributes {stable_mosaic.version = 14 : i64} {
  func.func @_resid_lin_body(%arg0: i32, %arg1: memref<632x128xf32, #tpu.memory_space<vmem>>, %arg2: memref<632x128xf32, #tpu.memory_space<vmem>>, %arg3: memref<632x8xf32, #tpu.memory_space<vmem>>, %arg4: memref<128x128xf32, #tpu.memory_space<vmem>>, %arg5: memref<1x128xf32, #tpu.memory_space<vmem>>, %arg6: memref<632x128xf32, #tpu.memory_space<vmem>>, %arg7: memref<632x128xf32, #tpu.memory_space<vmem>>) attributes {dimension_semantics = [#tpu.dimension_semantics<arbitrary>], iteration_bounds = array<i64: 16>, scalar_prefetch = 0 : i64, scratch_operands = 0 : i64, tpu.core_type = #tpu.core_type<tc>, window_params = [{transform_indices = @transform_0, window_bounds = array<i64: 632, 128>}, {transform_indices = @transform_1, window_bounds = array<i64: 632, 128>}, {transform_indices = @transform_2, window_bounds = array<i64: 632, 8>}, {pipeline_mode = #tpu.pipeline_mode<synchronous>, transform_indices = @transform_3, window_bounds = array<i64: 128, 128>}, {pipeline_mode = #tpu.pipeline_mode<synchronous>, transform_indices = @transform_4, window_bounds = array<i64: 1, 128>}, {transform_indices = @transform_5, window_bounds = array<i64: 632, 128>}, {transform_indices = @transform_6, window_bounds = array<i64: 632, 128>}]} {
    %get3A = arith.constant 0 : index
    %get3A_0 = arith.constant 0 : index
    %get3A_1 = vector.load %arg3[%get3A, %get3A_0] : memref<632x8xf32, #tpu.memory_space<vmem>>, vector<632x8xf32>
    %slice3A = vector.extract_strided_slice %get3A_1 {offsets = [0, 0], sizes = [632, 1], strides = [1, 1]} : vector<632x8xf32> to vector<632x1xf32>
    %get3A_2 = arith.constant 0 : index
    %get3A_3 = arith.constant 0 : index
    %get3A_4 = vector.load %arg1[%get3A_2, %get3A_3] : memref<632x128xf32, #tpu.memory_space<vmem>>, vector<632x128xf32>
    %get3A_5 = arith.constant 0 : index
    %get3A_6 = arith.constant 0 : index
    %get3A_7 = vector.load %arg2[%get3A_5, %get3A_6] : memref<632x128xf32, #tpu.memory_space<vmem>>, vector<632x128xf32>
    %mul3A = vector.broadcast %slice3A : vector<632x1xf32> to vector<632x128xf32>
    %mul3A_8 = arith.mulf %mul3A, %get3A_7 : vector<632x128xf32>
    %max3A = arith.constant 0.000000e+00 : f32
    %max3A_9 = vector.broadcast %max3A : f32 to vector<632x128xf32>
    %max3A_10 = arith.maximumf %mul3A_8, %max3A_9 : vector<632x128xf32>
    %add3A = arith.addf %get3A_4, %max3A_10 : vector<632x128xf32>
    %swap3A = arith.constant 0 : index
    %swap3A_11 = arith.constant 0 : index
    %swap3A_12 = vector.load %arg6[%swap3A, %swap3A_11] : memref<632x128xf32, #tpu.memory_space<vmem>>, vector<632x128xf32>
    tpu.vector_store %arg6[%swap3A, %swap3A_11], %add3A {strides = array<i32>} : memref<632x128xf32, #tpu.memory_space<vmem>>, vector<632x128xf32>,
    %get3A_13 = arith.constant 0 : index
    %get3A_14 = arith.constant 0 : index
    %get3A_15 = vector.load %arg4[%get3A_13, %get3A_14] : memref<128x128xf32, #tpu.memory_space<vmem>>, vector<128x128xf32>
    %dot_general3A = arith.constant dense<0.000000e+00> : vector<632x128xf32>
    %dot_general3A_16 = tpu.matmul %add3A, %get3A_15, %dot_general3A {dimension_numbers = #tpu.dot_dimension_numbers<[1], [1], [0], [0], [0, 0, 1, 0], [], []>, precision = #tpu.contract_precision<fp32>, transpose_lhs_hint = false} : vector<632x128xf32>, vector<128x128xf32>, vector<632x128xf32> -> vector<632x128xf32>
    %get3A_17 = arith.constant 0 : index
    %get3A_18 = arith.constant 0 : index
    %get3A_19 = vector.load %arg5[%get3A_17, %get3A_18] : memref<1x128xf32, #tpu.memory_space<vmem>>, vector<1x128xf32>
    %add3A_20 = vector.broadcast %get3A_19 : vector<1x128xf32> to vector<632x128xf32>
    %add3A_21 = arith.addf %dot_general3A_16, %add3A_20 : vector<632x128xf32>
    %mul3A_22 = vector.broadcast %slice3A : vector<632x1xf32> to vector<632x128xf32>
    %mul3A_23 = arith.mulf %mul3A_22, %add3A_21 : vector<632x128xf32>
    %swap3A_24 = arith.constant 0 : index
    %swap3A_25 = arith.constant 0 : index
    %swap3A_26 = vector.load %arg7[%swap3A_24, %swap3A_25] : memref<632x128xf32, #tpu.memory_space<vmem>>, vector<632x128xf32>
    tpu.vector_store %arg7[%swap3A_24, %swap3A_25], %mul3A_23 {strides = array<i32>} : memref<632x128xf32, #tpu.memory_space<vmem>>, vector<632x128xf32>,
    return
  }
  func.func @transform_0(%arg0: i32) -> (i32, i32) {
    %c0_i32 = arith.constant 0 : i32
    %c0_i32_0 = arith.constant 0 : i32
    return %arg0, %c0_i32 : i32, i32
  }
  func.func @transform_1(%arg0: i32) -> (i32, i32) {
    %c0_i32 = arith.constant 0 : i32
    %c0_i32_0 = arith.constant 0 : i32
    return %arg0, %c0_i32 : i32, i32
  }
  func.func @transform_2(%arg0: i32) -> (i32, i32) {
    %c0_i32 = arith.constant 0 : i32
    %c0_i32_0 = arith.constant 0 : i32
    return %arg0, %c0_i32 : i32, i32
  }
  func.func @transform_3(%arg0: i32) -> (i32, i32) {
    %c0_i32 = arith.constant 0 : i32
    %c0_i32_0 = arith.constant 0 : i32
    %c0_i32_1 = arith.constant 0 : i32
    return %c0_i32, %c0_i32_0 : i32, i32
  }
  func.func @transform_4(%arg0: i32) -> (i32, i32) {
    %c0_i32 = arith.constant 0 : i32
    %c0_i32_0 = arith.constant 0 : i32
    %c0_i32_1 = arith.constant 0 : i32
    return %c0_i32, %c0_i32_0 : i32, i32
  }
  func.func @transform_5(%arg0: i32) -> (i32, i32) {
    %c0_i32 = arith.constant 0 : i32
    %c0_i32_0 = arith.constant 0 : i32
    return %arg0, %c0_i32 : i32, i32
  }
  func.func @transform_6(%arg0: i32) -> (i32, i32) {
    %c0_i32 = arith.constant 0 : i32
    %c0_i32_0 = arith.constant 0 : i32
    return %arg0, %c0_i32 : i32, i32
  }
}

module attributes {stable_mosaic.version = 14 : i64} {
  func.func @_resid_body(%arg0: i32, %arg1: memref<632x128xf32, #tpu.memory_space<vmem>>, %arg2: memref<632x128xf32, #tpu.memory_space<vmem>>, %arg3: memref<632x8xf32, #tpu.memory_space<vmem>>, %arg4: memref<632x128xf32, #tpu.memory_space<vmem>>) attributes {dimension_semantics = [#tpu.dimension_semantics<arbitrary>], iteration_bounds = array<i64: 16>, scalar_prefetch = 0 : i64, scratch_operands = 0 : i64, tpu.core_type = #tpu.core_type<tc>, window_params = [{transform_indices = @transform_0, window_bounds = array<i64: 632, 128>}, {transform_indices = @transform_1, window_bounds = array<i64: 632, 128>}, {transform_indices = @transform_2, window_bounds = array<i64: 632, 8>}, {transform_indices = @transform_3, window_bounds = array<i64: 632, 128>}]} {
    %get3A = arith.constant 0 : index
    %get3A_0 = arith.constant 0 : index
    %get3A_1 = vector.load %arg3[%get3A, %get3A_0] : memref<632x8xf32, #tpu.memory_space<vmem>>, vector<632x8xf32>
    %slice3A = vector.extract_strided_slice %get3A_1 {offsets = [0, 0], sizes = [632, 1], strides = [1, 1]} : vector<632x8xf32> to vector<632x1xf32>
    %get3A_2 = arith.constant 0 : index
    %get3A_3 = arith.constant 0 : index
    %get3A_4 = vector.load %arg1[%get3A_2, %get3A_3] : memref<632x128xf32, #tpu.memory_space<vmem>>, vector<632x128xf32>
    %get3A_5 = arith.constant 0 : index
    %get3A_6 = arith.constant 0 : index
    %get3A_7 = vector.load %arg2[%get3A_5, %get3A_6] : memref<632x128xf32, #tpu.memory_space<vmem>>, vector<632x128xf32>
    %mul3A = vector.broadcast %slice3A : vector<632x1xf32> to vector<632x128xf32>
    %mul3A_8 = arith.mulf %mul3A, %get3A_7 : vector<632x128xf32>
    %max3A = arith.constant 0.000000e+00 : f32
    %max3A_9 = vector.broadcast %max3A : f32 to vector<632x128xf32>
    %max3A_10 = arith.maximumf %mul3A_8, %max3A_9 : vector<632x128xf32>
    %add3A = arith.addf %get3A_4, %max3A_10 : vector<632x128xf32>
    %swap3A = arith.constant 0 : index
    %swap3A_11 = arith.constant 0 : index
    %swap3A_12 = vector.load %arg4[%swap3A, %swap3A_11] : memref<632x128xf32, #tpu.memory_space<vmem>>, vector<632x128xf32>
    tpu.vector_store %arg4[%swap3A, %swap3A_11], %add3A {strides = array<i32>} : memref<632x128xf32, #tpu.memory_space<vmem>>, vector<632x128xf32>,
    return
  }
  func.func @transform_0(%arg0: i32) -> (i32, i32) {
    %c0_i32 = arith.constant 0 : i32
    %c0_i32_0 = arith.constant 0 : i32
    return %arg0, %c0_i32 : i32, i32
  }
  func.func @transform_1(%arg0: i32) -> (i32, i32) {
    %c0_i32 = arith.constant 0 : i32
    %c0_i32_0 = arith.constant 0 : i32
    return %arg0, %c0_i32 : i32, i32
  }
  func.func @transform_2(%arg0: i32) -> (i32, i32) {
    %c0_i32 = arith.constant 0 : i32
    %c0_i32_0 = arith.constant 0 : i32
    return %arg0, %c0_i32 : i32, i32
  }
  func.func @transform_3(%arg0: i32) -> (i32, i32) {
    %c0_i32 = arith.constant 0 : i32
    %c0_i32_0 = arith.constant 0 : i32
    return %arg0, %c0_i32 : i32, i32
  }
}

</mosaic_0001>

<sc_bundles>
// kernel: kernel.11.cloned.1.call-start
scs
__scs_entry_jumppad:
0x0: {  	(pc) =	sbr.rel $0x88, $3  }
0x1: {  	(tag) =	ssettag $0x0;
	lr =	simm.s32 $0x1  }
0x2: {  	[smem:$0x3F99] =	sst lr;
	_ =	strace $0xD0000000  }
0x3: {  	_ = 	snop  }
0x4: {  	_ = 	snop  }
0x5: {  	_ = 	snop  }
0x6: {  	_ = 	snop  }
0x7: {  	_ = 	snop  }
__scs_overlays_trampoline_lowered:
0x8: {  	[smem:$0x3FA8] =	sst s0  }
0x9: {  	[smem:$0x3FA9] =	sst s1  }
0xa: {  	[smem:$0x3FAA] =	sst s2  }
0xb: {  	[smem:$0x3FAB] =	sst s3  }
0xc: {  	[smem:$0x3FAC] =	sst s4  }
0xd: {  	[smem:$0x3FAD] =	sst s5  }
0xe: {  	[smem:$0x3FAE] =	sst s6  }
0xf: {  	[smem:$0x3FAF] =	sst s7  }
0x10: {  	[smem:$0x3FB0] =	sst s8  }
0x11: {  	[smem:$0x3FB1] =	sst s9;
	s0 =	simm.s32 @!p0 $0x0  }
0x12: {  	s1 =	sld [smem:$0x3F97];
	s0 =	simm.s32 @p0 $0x1  }
0x13: {  	[smem:$0x3FB2] =	sst s0;
	s0 =	simm.s32 @!p1 $0x0  }
0x14: {  	s2 =	sld [smem:$0x3F96];
	s0 =	simm.s32 @p1 $0x1  }
0x15: {  	[smem:$0x3FB3] =	sst s0;
	s0 =	simm.s32 @!p2 $0x0  }
0x16: {  	s3 =	sld [smem:$0x3FDB];
	s0 =	simm.s32 @p2 $0x1  }
0x17: {  	s4 =	simm.s32 $0x1BF5;
	[smem:$0x3FB5] =	sst s0  }
0x18: {  	s0 =	sld [smem:$0x3F98];
	_ =	swait.ge [sflag:s4], $0x0  }
0x19: {  	s7 =	sld [smem:$0x3F99]  }
0x1a: {  	s8 =	sadd.s32 $0xFFFFE003, lr  }
0x1b: {  	s9 =	sadd.s32 $0xFFFFFEF7, lr;
	s5 =	simm.s32 $0xFFFFFFFF;
	p2 =	slt.u32 s8, $0xFFFFF086  }
0x1c: {  	p1 =	slt.u32 s9, $0xF7A;
	s5 =	simm.s32 @!p2 $0x0  }
0x1d: {  	s5 =	simm.s32 @p1 $0x1;
	p0 =	seq.s32 s7, s2  }
0x1e: {  	s7 =	smul.u32 @!p0 $0xF7A, s2;
	p2 =	seq.s32 @!p0 s5, $0x0  }
0x1f: {  	s9 =	smul.u32 $0xF7A, s1;
	s8 =	simm.s32 @!p0 $0x1BF5;
	p2 =	por !p2, p0  }
0x20: {  	[sflag:s8] =	ssyncset.s32 @!p0 $0xFFFFF086;
	s6 =	sadd.s32 @!p0 s3, s7;
	s7 =	simm.s32 @!p0 $0x108  }
0x21: {  	s3 =	sadd.s32 s3, s9;
	s6 =	sadd.s32 @!p0 $0x88, s6;
	s7 =	simm.s32 @p2 $0x1082  }
0x22: {  	[simem:s7], [sflag:s8] =	dma.local @!p0 [hbm:s6], $0xF7A  }
0x23: {  	s9 =	sor.u32 $0xD0000000, s2;
	s6 =	simm.s32 $0x108;
	_ =	swait.ge @!p0 [sflag:s8], $0x0  }
0x24: {  	s3 =	sadd.s32 $0x88, s3;
	s6 =	simm.s32 @!p1 $0x1082;
	[sflag:s4] =	ssyncset.s32 $0xFFFFF086  }
0x25: {  	[simem:s6], [sflag:s4] =	dma.local [hbm:s3], $0xF7A  }
0x26: {  	[smem:$0x3F99] =	sst s1;
	(tag) =	ssettag s2;
	_ =	strace s9  }
0x27: {  	s1 =	sld [smem:$0x3FA9]  }
0x28: {  	s2 =	sld [smem:$0x3FAA]  }
0x29: {  	s4 =	sld [smem:$0x3FAC]  }
0x2a: {  	p0 =	seq.s32 s5, $0x0;
	s5 =	sld [smem:$0x3FAD]  }
0x2b: {  	s6 =	sld [smem:$0x3FAE]  }
0x2c: {  	s7 =	sld [smem:$0x3FAF]  }
0x2d: {  	s3 =	simm.s32 $0x108;
	s8 =	sld [smem:$0x3FB0]  }
0x2e: {  	s3 =	simm.s32 @!p0 $0x1082;
	s9 =	sld [smem:$0x3FB1]  }
0x2f: {  	lr =	sadd.s32 s0, s3;
	s0 =	sld [smem:$0x3FA8]  }
0x30: {  	s3 =	sld [smem:$0x3FAB]  }
0x31: {  	[smem:$0x3FB4] =	sst s10  }
0x32: {  	s10 =	sld [smem:$0x3FB2];
	_ =	sdelay $0x3  }
0x33: {  	p0 =	seq.s32 s10, $0x1;
	s10 =	sld [smem:$0x3FB4];
	_ =	sdelay $0x3  }
0x34: {  	[smem:$0x3FB4] =	sst s10  }
0x35: {  	s10 =	sld [smem:$0x3FB3];
	_ =	sdelay $0x3  }
0x36: {  	p1 =	seq.s32 s10, $0x1;
	s10 =	sld [smem:$0x3FB4];
	_ =	sdelay $0x3  }
0x37: {  	[smem:$0x3FB4] =	sst s10  }
0x38: {  	s10 =	sld [smem:$0x3FB5]  }
0x39: {  	_ = 	snop;
	(pc) =	sbr.ind lr, $3  }
0x3a: {  	_ = 	snop  }
0x3b: {  	_ = 	snop  }
0x3c: {  	p2 =	seq.s32 s10, $0x1;
	s10 =	sld [smem:$0x3FB4]  }
0x3d: {  	_ =	shalt  }
0x3e: {  	_ =	shalt  }
0x3f: {  	_ =	shalt  }
0x40: {  	_ =	shalt  }
0x41: {  	_ =	shalt  }
0x42: {  	_ =	shalt  }
0x43: {  	_ =	shalt  }
0x44: {  	_ =	shalt  }
0x45: {  	_ =	shalt  }
0x46: {  	_ =	shalt  }
0x47: {  	_ =	shalt  }
0x48: {  	_ =	shalt  }
0x49: {  	_ =	shalt  }
0x4a: {  	_ =	shalt  }
0x4b: {  	_ =	shalt  }
0x4c: {  	_ =	shalt  }
0x4d: {  	_ =	shalt  }
0x4e: {  	_ =	shalt  }
0x4f: {  	_ =	shalt  }
0x50: {  	_ =	shalt  }
0x51: {  	_ =	shalt  }
0x52: {  	_ =	shalt  }
0x53: {  	_ =	shalt  }
0x54: {  	_ =	shalt  }
0x55: {  	_ =	shalt  }
0x56: {  	_ =	shalt  }
0x57: {  	_ =	shalt  }
0x58: {  	_ =	shalt  }
0x59: {  	_ =	shalt  }
0x5a: {  	_ =	shalt  }
0x5b: {  	_ =	shalt  }
0x5c: {  	_ =	shalt  }
0x5d: {  	_ =	shalt  }
0x5e: {  	_ =	shalt  }
0x5f: {  	_ =	shalt  }
0x60: {  	_ =	shalt  }
0x61: {  	_ =	shalt  }
0x62: {  	_ =	shalt  }
0x63: {  	_ =	shalt  }
0x64: {  	_ =	shalt  }
0x65: {  	_ =	shalt  }
0x66: {  	_ =	shalt  }
0x67: {  	_ =	shalt  }
0x68: {  	_ =	shalt  }
0x69: {  	_ =	shalt  }
0x6a: {  	_ =	shalt  }
0x6b: {  	_ =	shalt  }
0x6c: {  	_ =	shalt  }
0x6d: {  	_ =	shalt  }
0x6e: {  	_ =	shalt  }
0x6f: {  	_ =	shalt  }
0x70: {  	_ =	shalt  }
0x71: {  	_ =	shalt  }
0x72: {  	_ =	shalt  }
0x73: {  	_ =	shalt  }
0x74: {  	_ =	shalt  }
0x75: {  	_ =	shalt  }
0x76: {  	_ =	shalt  }
0x77: {  	_ =	shalt  }
0x78: {  	_ =	shalt  }
0x79: {  	_ =	shalt  }
0x7a: {  	_ =	shalt  }
0x7b: {  	_ =	shalt  }
0x7c: {  	_ =	shalt  }
0x7d: {  	_ =	shalt  }
0x7e: {  	_ =	shalt  }
0x7f: {  	_ =	shalt  }
0x80: {  	_ =	shalt  }
0x81: {  	_ =	shalt  }
0x82: {  	_ =	shalt  }
0x83: {  	_ =	shalt  }
0x84: {  	_ =	shalt  }
0x85: {  	_ =	shalt  }
0x86: {  	_ =	shalt  }
0x87: {  	_ =	shalt  }
.Lfunc_end0:
.L_simem_size_0:
called_computation_lowered:
.L_overlay_start_0:
0x88: {  	s2 =	sld [smem:$0x3FD9]  }
0x89: {  	s3 =	sld [smem:$0x3FFE];
	_ =	sdelay $0x1  }
0x8a: {  	s1 =	srdreg.scid  }
0x8b: {  	s0 =	sand.u32 $0x1, s1  }
0x8c: {  	s17 =	sshll.u32 s0, $0xA;
	s2 =	sadd.s32 s3, s2  }
0x8d: {  	s2 =	sadd.s32 s2, s17  }
0x8e: {  	[smem:$0x3FC0] =	sst s2  }
0x8f: {  	_ = 	snop  }
0x90: {  	s2 =	sld [smem:$0x3FD0];
	(tm) =	ssettm $0x1  }
0x91: {  	s18 =	sld [smem:$0x3FFB];
	_ =	sdelay $0x3  }
0x92: {  	_ =	strace s18  }
0x93: {  	s3 =	sld [smem:$0x3FFC];
	_ =	sdelay $0x3  }
0x94: {  	_ =	strace s3  }
0x95: {  	s3 =	sld [smem:$0x3FFD];
	_ =	sdelay $0x3  }
0x96: {  	_ =	strace s3  }
0x97: {  	_ =	strace $0x8FFFFFFF  }
0x98: {  	s19 =	sld [smem:$0x3FDB];
	_ =	sdelay $0x1  }
0x99: {  	s4 =	simm.s32 $_scs_section_size  }
0x9a: {  	s5 =	simm.s32 $_size__tile_overlayer_lowered;
	s6 =	simm.s32 $_tile_overlayer_lowered  }
0x9b: {  	s22 =	simm.s32 $0x1BFF;
	s21 =	sshll.u32 s6, $0x1;
	s3 =	sadd.s32 s4, s19  }
0x9c: {  	s7 =	simm.s32 $0x0;
	s20 =	sshll.u32 s5, $0x1;
	s5 =	sadd.s32 s21, s3  }
0x9d: {  	[timem:s7], [sflag:s22] =	dma.local [hbm:s5], s20  }
0x9e: {  	_ =	swait.ge [sflag:s22], s20  }
0x9f: {  	s4 =	ssub.s32 $0x0, s20;
	[sflag:s22] =	ssyncset.done $0x0  }
0xa0: {  	[sflag:s22] =	ssyncadd.s32 s4;
	_ =	sdelay $0x1  }
0xa1: {  	s23 =	simm.s32 $0x1B8B  }
0xa2: {  	_ =	swait.ge [sflag:s23], $0x1  }
0xa3: {  	[sflag:s23] =	ssyncset.done $0x0  }
0xa4: {  	s25 =	simm.s32 $0x1B8E;
	s24 =	sld [smem:$0x3FFE];
	[sflag:s23] =	ssyncadd.s32 $0xFFFFFFFF  }
0xa5: {  	s26 =	simm.s32 $execute0_lowered;
	[smem:$0x3FD2] =	sst s25  }
0xa6: {  	s5 =	sshll.u32 s26, $0x1;
	_ =	strace $0x80000046;
	[dreg:$0x1] =	wrdreg $0xFFFFFFFF  }
0xa7: {  	s28 =	simm.s32 $_size_execute0_lowered;
	s3 =	sadd.s32 s3, s5;
	[dreg:$0x0] =	wrdreg $0x0  }
0xa8: {  	s5 =	sshll.u32 s28, $0x1;
	[dreg:$0x2] =	wrdreg s3  }
0xa9: {  	[dreg:$0x3] =	wrdreg s5  }
0xaa: {  	[dreg:$0x4] =	wrdreg $0xC0  }
0xab: {  	_ =	task [dreg:s7], $0x5FFFF  }
0xac: {  	[dreg:$0x1] =	wrdreg $0xFFFFFFFF  }
0xad: {  	[dreg:$0x0] =	wrdreg $0x60  }
0xae: {  	[dreg:$0x2] =	wrdreg s24  }
0xaf: {  	[dreg:$0x3] =	wrdreg s2  }
0xb0: {  	[dreg:$0x4] =	wrdreg $0xA2000  }
0xb1: {  	[dreg:$0x5] =	wrdreg $0x9  }
0xb2: {  	_ =	task.clear_ibuf [dreg:s7], $0x6FFFF;
	_ =	strace $0x90000046  }
0xb3: {  	s29 =	simm.s32 $0x9;
	_ =	strace $0x80000048  }
0xb4: {  	_ =	swait.ge [sflag:s29], $0x1  }
0xb5: {  	[sflag:s29] =	ssyncadd.s32 $0xFFFFFFFF  }
0xb6: {  	_ =	strace $0x90000048  }
0xb7: {  	_ =	sfence  }
0xb8: {  	s30 =	sld [smem:$0x0];
	_ =	sdelay $0x2  }
0xb9: {  	s31 =	sshll.u32 s1, $0xD;
	s1 =	sshrl.u32 s1, $0x2  }
0xba: {  	s3 =	sand.u32 $0x4000, s31;
	s1 =	sadd.s32 s1, s30  }
0xbb: {  	s0 =	sor.u32 s3, s0;
	s1 =	sshll.u32 s1, $0x11  }
0xbc: {  	s0 =	sor.u32 s1, s0  }
0xbd: {  	s0 =	sadd.s32 $0x8F2B, s0  }
0xbe: {  	[sflag:s0] =	ssyncadd.remote.s32 $0x1  }
0xbf: {  	_ =	sfence.sel $0xFFFF  }
0xc0: {  	[dreg:$0x0] =	wrdreg $0xFFFFFFFF;
	(pc) =	sbr.abs _section_cstart, $3  }
0xc1: {  	[dreg:$0x1] =	wrdreg $0xFFFFFFFF  }
0xc2: {  	_ =	task.clear_ibuf [dreg:s7], $0x2FFFF;
	_ =	strace $0x9FFFFFFF  }
0xc3: {  	(tm) =	ssettm $0x7FFFFFFF  }
tec
execute0_lowered:
.L_overlay_start_1:
0x0: {  	(tag) =	ssettag $0x1  }
0x1: {  	s7 =	rddreg [dreg:$0x0]  }
0x2: {  	s8 =	rddreg [dreg:$0x1]  }
0x3: {  	s0 =	srdreg.scid;
	s2 =	rddreg [dreg:$0x2];
	s5 =	simm.s32 $0x1  }
0x4: {  	s3 =	simm.s32 $0x0;
	s11 =	simm.s32 $0x2780;
	s16 =	simm.s32 $0x4F00  }
0x5: {  	s17 =	simm.s32 $0x0;
	s6 =	sand.u32 $0x1, s0;
	s0 =	stileid.u32  }
0x6: {  	[smem:$0x7FF] =	sst s3;
	s1 =	sshll.u32 s6, $0x4;
	s9 =	smul.u32 $0x2780, s0  }
0x7: {  	s24 =	sand.u32 $0x1, s0;
	s12 =	smul.u32 $0x4F0, s0;
	s4 =	sor.u32 s0, s1  }
0x8: {  	s14 =	smul.u32 $0x4F00, s6;
	p0 =	seq.s32 s24, $0x1;
	p1 =	seq.s32 s4, $0x0  }
0x9: {  	s6 =	ssub.s32 $0x2, s6;
	s31 =	sshll.u32 s0, $0x6;
	p1 =	por !p1, !p0  }
0xa: {  	s1 =	rddreg [dreg:$0x3];
	_ =	strace $0x80000047;
	p1 =	por !p1, !p1  }
0xb: {  	s29 =	sshrl.u32 s6, $0x1;
	s4 =	sshrl.u32 s4, $0x1;
	s5 =	simm.s32 @!p1 $0x0  }
0xc: {  	s25 =	sshrl.u32 s9, $0x3;
	s11 =	simm.s32 @!p0 $0x0;
	s4 =	ssub.s32 s4, s5  }
0xd: {  	s26 =	sadd.s32 s12, s14;
	s30 =	ssub.s32 s6, s29;
	s10 =	smul.u32 $0x4F00, s4  }
0xe: {  	s15 =	sadd.s32 s9, s2;
	s12 =	sor.u32 $0x1C01, s31;
	s14 =	simm.s32 $0x40  }
0xf: {  	s13 =	sadd.s32 s25, s7;
	s5 =	simm.s32 $0x2780;
	s10 =	sadd.s32 s11, s10  }
0x10: {  	s4 =	simm.s32 $0x1;
	s11 =	sadd.s32 s26, s7;
	s10 =	sshrl.u32 s10, $0x3  }
0x11: {  	s9 =	sadd.s32 $0x12800, s11;
	s11 =	smax.u32 s30, $0x1;
	s28 =	sadd.s32 s10, s7  }
0x12: {  	v1 =	vimm.f32 $0.0e+00;
	vm0 =	vcmask $0x300;
	s7 =	sadd.s32 s8, s10;
	s8 =	sadd.s32 $0xD800, s13;
	s13 =	sshrl.u32 s15, $0x3  }
0x13: {  	v0 =	vlaneseq.u32;
	v1 =	vsel vm0, $0x3F800000, v1;
	s15 =	simm.s32 $0x9E00;
	s6 =	sadd.s32 $0x3A00, s28;
	s10 =	sadd.s32 $0x1C600, s28  }
.LBB2_1:
0x14: {  	[tilespmem:s3], [sflag:$0x1] =	stream.linear.gather [hbm4b:s6+s3], $0x2780, $0x38;
	[tilespmem:$0xC980] =	vst v63  }
0x15: {  	_ =	swait.ge [sflag:s4], $0x2780  }
0x16: {  	[sflag:s4] =	ssyncset.done $0x0  }
0x17: {  	[sflag:s4] =	ssyncadd.s32 $0xFFFFD880  }
0x18: {  	[tilespmem:s5], [sflag:$0x1] =	stream.linear.gather [hbm4b:s7+s3], $0x2780, $0x38;
	[tilespmem:$0xC980] =	vst v63  }
0x19: {  	_ =	swait.ge [sflag:s4], $0x2780  }
0x1a: {  	[sflag:s4] =	ssyncset.done $0x0  }
0x1b: {  	[sflag:s4] =	ssyncadd.s32 $0xFFFFD880  }
0x1c: {  	[spmem:s13], [sflag:s12] =	dma.local [hbm:s8], $0x4F0  }
0x1d: {  	_ =	swait.ge [sflag:s4], $0x4F0  }
0x1e: {  	[sflag:s4] =	ssyncset.done $0x0  }
0x1f: {  	v2 =	vmov s3;
	[sflag:s4] =	ssyncadd.s32 $0xFFFFFB10  }
0x20: {  	v2 =	vshrl.u32 v2, $0x4;
	v3 =	vld [tilespmem:s5+$0x0]  }
0x21: {  	v2 =	vmulhi.u32 $0x24924925, v2;
	v4 =	vld [tilespmem:s3+$0x0];
	_ =	sdelay $0x1  }
0x22: {  	v2 =	vmul.u32 $0x70, v2  }
0x23: {  	v5 =	vor.u32 s3, v0  }
0x24: {  	v2 =	vsub.s32 v5, v2  }
0x25: {  	v2 =	vadd.s32 $0x2710, v2;
	vm0 =	veq.s32 v4, v3  }
0x26: {  	v3 =	vsel vm0, v2, v3  }
0x27: {  	s18 =	simm.s32 $0x7680;
	s19 =	simm.s32 $0x10;
	v2 =	vsel vm0, v2, v4;
	[tilespmem:s16+$0x0] =	vst v3  }
0x28: {  	s21 =	simm.s32 $0x2790;
	v3 =	vmov s19;
	[tilespmem:s18+$0x0] =	vst v2  }
0x29: {  	s23 =	simm.s32 $0x20;
	s22 =	simm.s32 $0x10;
	s20 =	simm.s32 $0x4F00;
	v3 =	vshrl.u32 v3, $0x4;
	v2 =	vld [tilespmem:s21+$0x0]  }
.LBB2_2:
0x2a: {  	p0 =	sne.s32 s23, $0x2770;
	v4 =	vld [tilespmem:s19+$0x0];
	v3 =	vmulhi.u32 $0x24924925, v3;
	_ =	sdelay $0x1  }
0x2b: {  	v3 =	vmul.u32 $0x70, v3  }
0x2c: {  	v5 =	vor.u32 s22, v0;
	s22 =	smov.u32 s23  }
0x2d: {  	v3 =	vsub.s32 v5, v3  }
.Ltmp0:
0x2e: {  	vm0 =	veq.s32 v4, v2;
	v3 =	vadd.s32 $0x2710, v3;
	(pc) =	sbr.rel @p0 .LBB2_2-.Ltmp0, $4  }
0x2f: {  	s20 =	sadd.s32 $0x10, s20;
	v2 =	vsel vm0, v3, v2;
	v3 =	vsel vm0, v3, v4  }
0x30: {  	s18 =	sadd.s32 $0x10, s18;
	[tilespmem:s20+$0x0] =	vst v2  }
0x31: {  	s21 =	sadd.s32 $0x10, s21;
	v4 =	vmov s23;
	[tilespmem:s18+$0x0] =	vst v3  }
0x32: {  	s19 =	sadd.s32 $0x10, s19;
	s23 =	sadd.s32 $0x10, s23;
	v3 =	vshrl.u32 v4, $0x4;
	v2 =	vld [tilespmem:s21+$0x0]  }
0x33: {  	v4 =	vld [tilespmem:s19+$0x0];
	v3 =	vmulhi.u32 $0x24924925, v3;
	_ =	sdelay $0x1  }
0x34: {  	v3 =	vmul.u32 $0x70, v3  }
0x35: {  	v5 =	vor.u32 s22, v0  }
0x36: {  	v3 =	vsub.s32 v5, v3  }
0x37: {  	vm0 =	veq.s32 v4, v2;
	v3 =	vadd.s32 $0x2710, v3  }
0x38: {  	s31 =	sadd.s32 $0x10, s20;
	v2 =	vsel vm0, v3, v2  }
0x39: {  	s18 =	sadd.s32 $0x10, s18;
	v3 =	vsel vm0, v3, v4;
	[tilespmem:s31+$0x0] =	vst v2  }
0x3a: {  	s19 =	simm.s32 $0x0;
	[tilespmem:s18+$0x0] =	vst v3;
	s18 =	simm.s32 $0x40  }
.LBB2_4:
0x3b: {  	p0 =	sne.s32 s18, $0xFC0;
	[tilespmem:s19+$0x9E00] =	vst v1;
	s19 =	smov.u32 s18;
	s18 =	sadd.s32 $0x40, s18  }
.Ltmp1:
0x3c: {  	(pc) =	sbr.rel @p0 .LBB2_4-.Ltmp1, $2  }
0x3d: {  	_ =	sdelay $0x2  }
0x3e: {  	s19 =	sshra.s32 s19, $0x2  }
0x3f: {  	[tilespmem:s19+$0x9E00] =	vst v1  }
0x40: {  	s18 =	simm.s32 $0x7680;
	[bflag:$0x0] =	sbarrier.arrive $0xFFFF  }
0x41: {  	[spmem:s2] =	stream.indirect.scatter.add.f32 [tilespmem:s15], [sflag:$0x1], $0x10, s18, s14, $0xb8;
	[tilespmem:$0xC980] =	vst v63  }
0x42: {  	s18 =	simm.s32 $0x100;
	_ =	swait.ge [sflag:s4], $0x400  }
.LBB2_6:
0x43: {  	s19 =	sshra.s32 s18, $0x2;
	[sflag:s4] =	ssyncset.done $0x0;
	p0 =	sne.s32 s18, $0x9D00  }
.Ltmp2:
0x44: {  	s19 =	sadd.s32 $0x7680, s19;
	[sflag:s4] =	ssyncadd.s32 $0xFFFFFC00;
	(pc) =	sbr.rel @p0 .LBB2_6-.Ltmp2, $3  }
0x45: {  	[spmem:s2] =	stream.indirect.scatter.add.f32 [tilespmem:s15], [sflag:$0x1], $0x10, s19, s14, $0xb8;
	[tilespmem:$0xC980] =	vst v63  }
0x46: {  	s18 =	sadd.s32 $0x100, s18;
	_ =	sdelay $0x1  }
0x47: {  	_ =	swait.ge [sflag:s4], $0x400  }
0x48: {  	[sflag:s4] =	ssyncset.done $0x0  }
0x49: {  	[sflag:s4] =	ssyncadd.s32 $0xFFFFFC00  }
0x4a: {  	[bflag:$0x0] =	sbarrier.arrive $0xFFFF  }
0x4b: {  	[hbm:s9], [sflag:s12] =	dma.local [spmem:s13], $0x4F0  }
0x4c: {  	s17 =	sadd.s32 $0x1, s17;
	_ =	swait.ge [sflag:s4], $0x4F0  }
0x4d: {  	p0 =	sne.s32 s17, s11;
	[sflag:s4] =	ssyncset.done $0x0  }
.Ltmp3:
0x4e: {  	[sflag:s4] =	ssyncadd.s32 $0xFFFFFB10;
	(pc) =	sbr.rel @p0 .LBB2_1-.Ltmp3, $4  }
0x4f: {  	[hbm4b:s10+s3] =	stream.linear.scatter [tilespmem:s16], [sflag:$0x1], $0x2780, $0x38;
	[tilespmem:$0xC980] =	vst v63  }
0x50: {  	_ =	swait.ge [sflag:s4], $0x2780  }
0x51: {  	[sflag:s4] =	ssyncset.done $0x0  }
0x52: {  	[sflag:s4] =	ssyncadd.s32 $0xFFFFD880  }
0x53: {  	_ =	sfence.sel $0x180000  }
0x54: {  	[bflag:$0x0] =	sbarrier.arrive $0xFFFF  }
0x55: {  	p0 =	sne.s32 s0, $0x0;
	_ =	strace $0x90000047  }
0x56: {  	s0 =	sadd.s32 @!p0 $0x100000, s1;
	[bflag:$0x2] =	sbarrier.arrive $0xFFFF  }
0x57: {  	[sflag:s0] =	ssyncadd.tile.s32 @!p0 $0x1;
	_ =	shalt  }
.Lfunc_end2:
_tile_overlayer_lowered:
.L_overlay_start_2:
0x58: {  	(tag) =	ssettag $0x2  }
0x59: {  	s0 =	rddreg [dreg:$0x0];
	s2 =	stileid.u32  }
0x5a: {  	s1 =	rddreg [dreg:$0x1];
	p0 =	sne.s32 s2, $0x0  }
0x5b: {  	s3 =	rddreg [dreg:$0x2];
	[bflag:$0x3] =	sbarrier.arrive $0xFFFF;
	s2 =	simm.s32 @!p0 $0x1C01  }
0x5c: {  	[timem:s3], [sflag:s2] =	dma.local @!p0 [hbm:s0], s1  }
0x5d: {  	s0 =	simm.s32 @!p0 $0x1  }
0x5e: {  	_ =	swait.ge @!p0 [sflag:s0], s1  }
0x5f: {  	s1 =	ssub.s32 @!p0 $0x0, s1;
	[sflag:s0] =	ssyncset.done @!p0 $0x0  }
0x60: {  	[sflag:s0] =	ssyncadd.s32 @!p0 s1  }
0x61: {  	[bflag:$0x3] =	sbarrier.arrive $0xFFFF  }
0x62: {  	_ =	shalt  }

// kernel: kernel.14.cloned.1.call-start
scs
__scs_entry_jumppad:
0x0: {  	(pc) =	sbr.rel $0x88, $3  }
0x1: {  	(tag) =	ssettag $0x0;
	lr =	simm.s32 $0x1  }
0x2: {  	[smem:$0x3F99] =	sst lr;
	_ =	strace $0xD0000000  }
0x3: {  	_ = 	snop  }
0x4: {  	_ = 	snop  }
0x5: {  	_ = 	snop  }
0x6: {  	_ = 	snop  }
0x7: {  	_ = 	snop  }
__scs_overlays_trampoline_lowered:
0x8: {  	[smem:$0x3FA8] =	sst s0  }
0x9: {  	[smem:$0x3FA9] =	sst s1  }
0xa: {  	[smem:$0x3FAA] =	sst s2  }
0xb: {  	[smem:$0x3FAB] =	sst s3  }
0xc: {  	[smem:$0x3FAC] =	sst s4  }
0xd: {  	[smem:$0x3FAD] =	sst s5  }
0xe: {  	[smem:$0x3FAE] =	sst s6  }
0xf: {  	[smem:$0x3FAF] =	sst s7  }
0x10: {  	[smem:$0x3FB0] =	sst s8  }
0x11: {  	[smem:$0x3FB1] =	sst s9;
	s0 =	simm.s32 @!p0 $0x0  }
0x12: {  	s1 =	sld [smem:$0x3F97];
	s0 =	simm.s32 @p0 $0x1  }
0x13: {  	[smem:$0x3FB2] =	sst s0;
	s0 =	simm.s32 @!p1 $0x0  }
0x14: {  	s2 =	sld [smem:$0x3F96];
	s0 =	simm.s32 @p1 $0x1  }
0x15: {  	[smem:$0x3FB3] =	sst s0;
	s0 =	simm.s32 @!p2 $0x0  }
0x16: {  	s3 =	sld [smem:$0x3FDB];
	s0 =	simm.s32 @p2 $0x1  }
0x17: {  	s4 =	simm.s32 $0x1BF5;
	[smem:$0x3FB5] =	sst s0  }
0x18: {  	s0 =	sld [smem:$0x3F98];
	_ =	swait.ge [sflag:s4], $0x0  }
0x19: {  	s7 =	sld [smem:$0x3F99]  }
0x1a: {  	s8 =	sadd.s32 $0xFFFFE003, lr  }
0x1b: {  	s9 =	sadd.s32 $0xFFFFFEF7, lr;
	s5 =	simm.s32 $0xFFFFFFFF;
	p2 =	slt.u32 s8, $0xFFFFF086  }
0x1c: {  	p1 =	slt.u32 s9, $0xF7A;
	s5 =	simm.s32 @!p2 $0x0  }
0x1d: {  	s5 =	simm.s32 @p1 $0x1;
	p0 =	seq.s32 s7, s2  }
0x1e: {  	s7 =	smul.u32 @!p0 $0xF7A, s2;
	p2 =	seq.s32 @!p0 s5, $0x0  }
0x1f: {  	s9 =	smul.u32 $0xF7A, s1;
	s8 =	simm.s32 @!p0 $0x1BF5;
	p2 =	por !p2, p0  }
0x20: {  	[sflag:s8] =	ssyncset.s32 @!p0 $0xFFFFF086;
	s6 =	sadd.s32 @!p0 s3, s7;
	s7 =	simm.s32 @!p0 $0x108  }
0x21: {  	s3 =	sadd.s32 s3, s9;
	s6 =	sadd.s32 @!p0 $0x88, s6;
	s7 =	simm.s32 @p2 $0x1082  }
0x22: {  	[simem:s7], [sflag:s8] =	dma.local @!p0 [hbm:s6], $0xF7A  }
0x23: {  	s9 =	sor.u32 $0xD0000000, s2;
	s6 =	simm.s32 $0x108;
	_ =	swait.ge @!p0 [sflag:s8], $0x0  }
0x24: {  	s3 =	sadd.s32 $0x88, s3;
	s6 =	simm.s32 @!p1 $0x1082;
	[sflag:s4] =	ssyncset.s32 $0xFFFFF086  }
0x25: {  	[simem:s6], [sflag:s4] =	dma.local [hbm:s3], $0xF7A  }
0x26: {  	[smem:$0x3F99] =	sst s1;
	(tag) =	ssettag s2;
	_ =	strace s9  }
0x27: {  	s1 =	sld [smem:$0x3FA9]  }
0x28: {  	s2 =	sld [smem:$0x3FAA]  }
0x29: {  	s4 =	sld [smem:$0x3FAC]  }
0x2a: {  	p0 =	seq.s32 s5, $0x0;
	s5 =	sld [smem:$0x3FAD]  }
0x2b: {  	s6 =	sld [smem:$0x3FAE]  }
0x2c: {  	s7 =	sld [smem:$0x3FAF]  }
0x2d: {  	s3 =	simm.s32 $0x108;
	s8 =	sld [smem:$0x3FB0]  }
0x2e: {  	s3 =	simm.s32 @!p0 $0x1082;
	s9 =	sld [smem:$0x3FB1]  }
0x2f: {  	lr =	sadd.s32 s0, s3;
	s0 =	sld [smem:$0x3FA8]  }
0x30: {  	s3 =	sld [smem:$0x3FAB]  }
0x31: {  	[smem:$0x3FB4] =	sst s10  }
0x32: {  	s10 =	sld [smem:$0x3FB2];
	_ =	sdelay $0x3  }
0x33: {  	p0 =	seq.s32 s10, $0x1;
	s10 =	sld [smem:$0x3FB4];
	_ =	sdelay $0x3  }
0x34: {  	[smem:$0x3FB4] =	sst s10  }
0x35: {  	s10 =	sld [smem:$0x3FB3];
	_ =	sdelay $0x3  }
0x36: {  	p1 =	seq.s32 s10, $0x1;
	s10 =	sld [smem:$0x3FB4];
	_ =	sdelay $0x3  }
0x37: {  	[smem:$0x3FB4] =	sst s10  }
0x38: {  	s10 =	sld [smem:$0x3FB5]  }
0x39: {  	_ = 	snop;
	(pc) =	sbr.ind lr, $3  }
0x3a: {  	_ = 	snop  }
0x3b: {  	_ = 	snop  }
0x3c: {  	p2 =	seq.s32 s10, $0x1;
	s10 =	sld [smem:$0x3FB4]  }
0x3d: {  	_ =	shalt  }
0x3e: {  	_ =	shalt  }
0x3f: {  	_ =	shalt  }
0x40: {  	_ =	shalt  }
0x41: {  	_ =	shalt  }
0x42: {  	_ =	shalt  }
0x43: {  	_ =	shalt  }
0x44: {  	_ =	shalt  }
0x45: {  	_ =	shalt  }
0x46: {  	_ =	shalt  }
0x47: {  	_ =	shalt  }
0x48: {  	_ =	shalt  }
0x49: {  	_ =	shalt  }
0x4a: {  	_ =	shalt  }
0x4b: {  	_ =	shalt  }
0x4c: {  	_ =	shalt  }
0x4d: {  	_ =	shalt  }
0x4e: {  	_ =	shalt  }
0x4f: {  	_ =	shalt  }
0x50: {  	_ =	shalt  }
0x51: {  	_ =	shalt  }
0x52: {  	_ =	shalt  }
0x53: {  	_ =	shalt  }
0x54: {  	_ =	shalt  }
0x55: {  	_ =	shalt  }
0x56: {  	_ =	shalt  }
0x57: {  	_ =	shalt  }
0x58: {  	_ =	shalt  }
0x59: {  	_ =	shalt  }
0x5a: {  	_ =	shalt  }
0x5b: {  	_ =	shalt  }
0x5c: {  	_ =	shalt  }
0x5d: {  	_ =	shalt  }
0x5e: {  	_ =	shalt  }
0x5f: {  	_ =	shalt  }
0x60: {  	_ =	shalt  }
0x61: {  	_ =	shalt  }
0x62: {  	_ =	shalt  }
0x63: {  	_ =	shalt  }
0x64: {  	_ =	shalt  }
0x65: {  	_ =	shalt  }
0x66: {  	_ =	shalt  }
0x67: {  	_ =	shalt  }
0x68: {  	_ =	shalt  }
0x69: {  	_ =	shalt  }
0x6a: {  	_ =	shalt  }
0x6b: {  	_ =	shalt  }
0x6c: {  	_ =	shalt  }
0x6d: {  	_ =	shalt  }
0x6e: {  	_ =	shalt  }
0x6f: {  	_ =	shalt  }
0x70: {  	_ =	shalt  }
0x71: {  	_ =	shalt  }
0x72: {  	_ =	shalt  }
0x73: {  	_ =	shalt  }
0x74: {  	_ =	shalt  }
0x75: {  	_ =	shalt  }
0x76: {  	_ =	shalt  }
0x77: {  	_ =	shalt  }
0x78: {  	_ =	shalt  }
0x79: {  	_ =	shalt  }
0x7a: {  	_ =	shalt  }
0x7b: {  	_ =	shalt  }
0x7c: {  	_ =	shalt  }
0x7d: {  	_ =	shalt  }
0x7e: {  	_ =	shalt  }
0x7f: {  	_ =	shalt  }
0x80: {  	_ =	shalt  }
0x81: {  	_ =	shalt  }
0x82: {  	_ =	shalt  }
0x83: {  	_ =	shalt  }
0x84: {  	_ =	shalt  }
0x85: {  	_ =	shalt  }
0x86: {  	_ =	shalt  }
0x87: {  	_ =	shalt  }
.Lfunc_end0:
.L_simem_size_0:
called_computation.1_lowered:
.L_overlay_start_0:
0x88: {  	s2 =	sld [smem:$0x3FD9]  }
0x89: {  	s3 =	sld [smem:$0x3FFE];
	_ =	sdelay $0x1  }
0x8a: {  	s1 =	srdreg.scid  }
0x8b: {  	s0 =	sand.u32 $0x1, s1  }
0x8c: {  	s17 =	sshll.u32 s0, $0xA;
	s2 =	sadd.s32 s3, s2  }
0x8d: {  	s2 =	sadd.s32 s2, s17  }
0x8e: {  	[smem:$0x3FC0] =	sst s2  }
0x8f: {  	_ = 	snop  }
0x90: {  	s2 =	sld [smem:$0x3FD0];
	(tm) =	ssettm $0x1  }
0x91: {  	s18 =	sld [smem:$0x3FFB];
	_ =	sdelay $0x3  }
0x92: {  	_ =	strace s18  }
0x93: {  	s3 =	sld [smem:$0x3FFC];
	_ =	sdelay $0x3  }
0x94: {  	_ =	strace s3  }
0x95: {  	s3 =	sld [smem:$0x3FFD];
	_ =	sdelay $0x3  }
0x96: {  	_ =	strace s3  }
0x97: {  	_ =	strace $0x8FFFFFFF  }
0x98: {  	s19 =	sld [smem:$0x3FDB];
	_ =	sdelay $0x1  }
0x99: {  	s4 =	simm.s32 $_scs_section_size  }
0x9a: {  	s5 =	simm.s32 $_size__tile_overlayer_lowered;
	s6 =	simm.s32 $_tile_overlayer_lowered  }
0x9b: {  	s22 =	simm.s32 $0x1BFF;
	s21 =	sshll.u32 s6, $0x1;
	s3 =	sadd.s32 s4, s19  }
0x9c: {  	s7 =	simm.s32 $0x0;
	s20 =	sshll.u32 s5, $0x1;
	s5 =	sadd.s32 s21, s3  }
0x9d: {  	[timem:s7], [sflag:s22] =	dma.local [hbm:s5], s20  }
0x9e: {  	_ =	swait.ge [sflag:s22], s20  }
0x9f: {  	s4 =	ssub.s32 $0x0, s20;
	[sflag:s22] =	ssyncset.done $0x0  }
0xa0: {  	[sflag:s22] =	ssyncadd.s32 s4;
	_ =	sdelay $0x1  }
0xa1: {  	s23 =	simm.s32 $0x1B8B  }
0xa2: {  	_ =	swait.ge [sflag:s23], $0x1  }
0xa3: {  	[sflag:s23] =	ssyncset.done $0x0  }
0xa4: {  	s25 =	simm.s32 $0x1B8E;
	s24 =	sld [smem:$0x3FFE];
	[sflag:s23] =	ssyncadd.s32 $0xFFFFFFFF  }
0xa5: {  	s26 =	simm.s32 $execute0_lowered;
	[smem:$0x3FD2] =	sst s25  }
0xa6: {  	s5 =	sshll.u32 s26, $0x1;
	_ =	strace $0x80000049;
	[dreg:$0x1] =	wrdreg $0xFFFFFFFF  }
0xa7: {  	s28 =	simm.s32 $_size_execute0_lowered;
	s3 =	sadd.s32 s3, s5;
	[dreg:$0x0] =	wrdreg $0x0  }
0xa8: {  	s5 =	sshll.u32 s28, $0x1;
	[dreg:$0x2] =	wrdreg s3  }
0xa9: {  	[dreg:$0x3] =	wrdreg s5  }
0xaa: {  	[dreg:$0x4] =	wrdreg $0xC0  }
0xab: {  	_ =	task [dreg:s7], $0x5FFFF  }
0xac: {  	[dreg:$0x1] =	wrdreg $0xFFFFFFFF  }
0xad: {  	[dreg:$0x0] =	wrdreg $0x60  }
0xae: {  	[dreg:$0x2] =	wrdreg s24  }
0xaf: {  	[dreg:$0x3] =	wrdreg s2  }
0xb0: {  	[dreg:$0x4] =	wrdreg $0xBE000  }
0xb1: {  	[dreg:$0x5] =	wrdreg $0x15C000  }
0xb2: {  	[dreg:$0x6] =	wrdreg $0x9  }
0xb3: {  	_ =	task.clear_ibuf [dreg:s7], $0x7FFFF;
	_ =	strace $0x90000049  }
0xb4: {  	s29 =	simm.s32 $0x9;
	_ =	strace $0x8000004B  }
0xb5: {  	_ =	swait.ge [sflag:s29], $0x1  }
0xb6: {  	[sflag:s29] =	ssyncadd.s32 $0xFFFFFFFF  }
0xb7: {  	_ =	strace $0x9000004B  }
0xb8: {  	_ =	sfence  }
0xb9: {  	s30 =	sld [smem:$0x0];
	_ =	sdelay $0x2  }
0xba: {  	s31 =	sshll.u32 s1, $0xD;
	s1 =	sshrl.u32 s1, $0x2  }
0xbb: {  	s3 =	sand.u32 $0x4000, s31;
	s1 =	sadd.s32 s1, s30  }
0xbc: {  	s0 =	sor.u32 s3, s0;
	s1 =	sshll.u32 s1, $0x11  }
0xbd: {  	s0 =	sor.u32 s1, s0  }
0xbe: {  	s0 =	sadd.s32 $0x8F2B, s0  }
0xbf: {  	[sflag:s0] =	ssyncadd.remote.s32 $0x1  }
0xc0: {  	_ =	sfence.sel $0xFFFF  }
0xc1: {  	[dreg:$0x0] =	wrdreg $0xFFFFFFFF;
	(pc) =	sbr.abs _section_cstart, $3  }
0xc2: {  	[dreg:$0x1] =	wrdreg $0xFFFFFFFF  }
0xc3: {  	_ =	task.clear_ibuf [dreg:s7], $0x2FFFF;
	_ =	strace $0x9FFFFFFF  }
0xc4: {  	(tm) =	ssettm $0x7FFFFFFF  }
0xc5: {  	_ =	shalt  }
tec
execute0_lowered:
.L_overlay_start_1:
0x0: {  	(tag) =	ssettag $0x1  }
0x1: {  	s5 =	rddreg [dreg:$0x0]  }
0x2: {  	s8 =	rddreg [dreg:$0x1]  }
0x3: {  	s2 =	rddreg [dreg:$0x2]  }
0x4: {  	s3 =	rddreg [dreg:$0x3]  }
0x5: {  	s0 =	rddreg [dreg:$0x4]  }
0x6: {  	s1 =	stileid.u32;
	s4 =	simm.s32 $0x0;
	s7 =	srdreg.scid  }
0x7: {  	s15 =	simm.s32 $0x1;
	s16 =	simm.s32 $0x8;
	s17 =	simm.s32 $0x10  }
0x8: {  	s19 =	simm.s32 $0x40;
	s20 =	simm.s32 $0x9E00;
	s21 =	simm.s32 $0xAE00  }
0x9: {  	s22 =	simm.s32 $0x2;
	s23 =	simm.s32 $0x9D80;
	s6 =	smul.u32 $0x9E0, s1  }
0xa: {  	s24 =	simm.s32 $0x9DC0;
	s25 =	simm.s32 $0x0;
	s9 =	smul.u32 $0x13C00, s1  }
0xb: {  	[smem:$0x7FF] =	sst s4;
	s7 =	sand.u32 $0x1, s7;
	s11 =	smul.u32 $0x9E00, s1  }
0xc: {  	s13 =	sshll.u32 s1, $0x6;
	_ =	strace $0x8000004A;
	s10 =	sshll.u32 s7, $0x6  }
0xd: {  	s7 =	ssub.s32 $0x2, s7;
	s13 =	sor.u32 $0x1C03, s13;
	s6 =	sadd.s32 s6, s5  }
0xe: {  	s9 =	sor.u32 s10, s9;
	s31 =	sshrl.u32 s7, $0x1;
	s14 =	sadd.s32 s11, s2  }
0xf: {  	s12 =	sshrl.u32 s11, $0x3;
	s18 =	sadd.s32 s11, s3;
	s11 =	simm.s32 $0x3  }
0x10: {  	s9 =	sshrl.u32 s9, $0x3;
	s10 =	ssub.s32 s7, s31;
	s8 =	sadd.s32 s8, s12  }
0x11: {  	s12 =	simm.s32 $0x4F00;
	s14 =	sshrl.u32 s14, $0x3;
	s18 =	sshrl.u32 s18, $0x3  }
0x12: {  	s9 =	sadd.s32 s9, s5;
	s5 =	sadd.s32 $0x3A00, s6;
	s6 =	sadd.s32 $0x1C600, s6  }
0x13: {  	s10 =	smax.u32 s10, $0x1;
	s7 =	sadd.s32 $0x4DC00, s9;
	s9 =	sadd.s32 $0x75400, s9  }
.LBB2_1:
0x14: {  	[tilespmem:s4], [sflag:$0x3] =	stream.linear.gather [hbm4b:s5+s4], $0x4F00, $0x38;
	[tilespmem:$0x1FA00] =	vst v63  }
0x15: {  	_ =	swait.ge [sflag:s11], $0x4F00  }
0x16: {  	[sflag:s11] =	ssyncset.done $0x0  }
0x17: {  	[sflag:s11] =	ssyncadd.s32 $0xFFFFB100  }
0x18: {  	[tilespmem:s12], [sflag:$0x3] =	stream.linear.gather [hbm4b:s6+s4], $0x4F00, $0x38;
	[tilespmem:$0x1FA00] =	vst v63  }
0x19: {  	_ =	swait.ge [sflag:s11], $0x4F00  }
0x1a: {  	[sflag:s11] =	ssyncset.done $0x0  }
0x1b: {  	[sflag:s11] =	ssyncadd.s32 $0xFFFFB100  }
0x1c: {  	[spmem:s14@s16], [sflag:s13] =	dma.strided [hbm:s7@s17], $0x13C0, s15, $0x8   }
0x1d: {  	_ =	swait.ge [sflag:s11], $0x13C0  }
0x1e: {  	[sflag:s11] =	ssyncset.done $0x0  }
0x1f: {  	[sflag:s11] =	ssyncadd.s32 $0xFFFFEC40  }
0x20: {  	[spmem:s18], [sflag:s13] =	dma.local [hbm:s8], $0x13C0  }
0x21: {  	_ =	swait.ge [sflag:s11], $0x13C0  }
0x22: {  	[sflag:s11] =	ssyncset.done $0x0  }
0x23: {  	[sflag:s11] =	ssyncadd.s32 $0xFFFFEC40  }
0x24: {  	[bflag:$0x0] =	sbarrier.arrive $0xFFFF  }
0x25: {  	[tilespmem:s20], [sflag:$0x1] =	stream.indirect.gather [spmem:s2], $0x40, s4, s19, $0xb8;
	[tilespmem:$0x1FA00] =	vst v63  }
0x26: {  	_ = 	snop  }
0x27: {  	[tilespmem:s21], [sflag:$0x2] =	stream.indirect.gather [spmem:s2], $0x40, s19, s19, $0xb8;
	[tilespmem:$0x1FA00] =	vst v63  }
0x28: {  	_ =	swait.ge [sflag:s15], $0x1000  }
0x29: {  	[sflag:s15] =	ssyncset.done $0x0  }
0x2a: {  	s26 =	simm.s32 $0x4F00;
	[sflag:s15] =	ssyncadd.s32 $0xFFFFF000  }
0x2b: {  	[spmem:s3] =	stream.indirect.scatter.add.f32 [tilespmem:s20], [sflag:$0x3], $0x40, s26, s19, $0xb8;
	[tilespmem:$0x1FA00] =	vst v63  }
0x2c: {  	_ =	swait.ge [sflag:s11], $0x1000  }
0x2d: {  	[sflag:s11] =	ssyncset.done $0x0  }
0x2e: {  	s30 =	simm.s32 $0x80;
	[sflag:s11] =	ssyncadd.s32 $0xFFFFF000  }
0x2f: {  	[tilespmem:s20], [sflag:$0x1] =	stream.indirect.gather [spmem:s2], $0x40, s30, s19, $0xb8;
	[tilespmem:$0x1FA00] =	vst v63  }
0x30: {  	_ =	swait.ge [sflag:s22], $0x1000  }
0x31: {  	[sflag:s22] =	ssyncset.done $0x0  }
0x32: {  	s31 =	simm.s32 $0x4F40;
	[sflag:s22] =	ssyncadd.s32 $0xFFFFF000  }
0x33: {  	[spmem:s3] =	stream.indirect.scatter.add.f32 [tilespmem:s21], [sflag:$0x3], $0x40, s31, s19, $0xb8;
	[tilespmem:$0x1FA00] =	vst v63  }
0x34: {  	_ =	swait.ge [sflag:s11], $0x1000  }
0x35: {  	[sflag:s11] =	ssyncset.done $0x0  }
0x36: {  	s28 =	simm.s32 $0xC0;
	s26 =	simm.s32 $0x200;
	[sflag:s11] =	ssyncadd.s32 $0xFFFFF000  }
.LBB2_2:
0x37: {  	[tilespmem:s21], [sflag:$0x2] =	stream.indirect.gather [spmem:s2], $0x40, s28, s19, $0xb8;
	[tilespmem:$0x1FA00] =	vst v63  }
0x38: {  	s28 =	smov.u32 s26  }
0x39: {  	p0 =	sne.s32 s26, $0x13800;
	s26 =	sadd.s32 $0x200, s26;
	_ =	swait.ge [sflag:s15], $0x1000  }
0x3a: {  	s28 =	sshra.s32 s28, $0x2;
	[sflag:s15] =	ssyncset.done $0x0  }
0x3b: {  	s29 =	sadd.s32 $0x4F00, s28;
	[sflag:s15] =	ssyncadd.s32 $0xFFFFF000  }
0x3c: {  	[spmem:s3] =	stream.indirect.scatter.add.f32 [tilespmem:s20], [sflag:$0x3], $0x40, s29, s19, $0xb8;
	[tilespmem:$0x1FA00] =	vst v63  }
0x3d: {  	_ =	swait.ge [sflag:s11], $0x1000  }
0x3e: {  	[sflag:s11] =	ssyncset.done $0x0  }
0x3f: {  	s29 =	sadd.s32 $0x80, s28;
	[sflag:s11] =	ssyncadd.s32 $0xFFFFF000  }
0x40: {  	[tilespmem:s20], [sflag:$0x1] =	stream.indirect.gather [spmem:s2], $0x40, s29, s19, $0xb8;
	[tilespmem:$0x1FA00] =	vst v63  }
0x41: {  	_ =	swait.ge [sflag:s22], $0x1000  }
0x42: {  	[sflag:s22] =	ssyncset.done $0x0  }
.Ltmp0:
0x43: {  	s29 =	sadd.s32 $0x4F40, s28;
	[sflag:s22] =	ssyncadd.s32 $0xFFFFF000;
	(pc) =	sbr.rel @p0 .LBB2_2-.Ltmp0, $4  }
0x44: {  	[spmem:s3] =	stream.indirect.scatter.add.f32 [tilespmem:s21], [sflag:$0x3], $0x40, s29, s19, $0xb8;
	[tilespmem:$0x1FA00] =	vst v63  }
0x45: {  	_ =	swait.ge [sflag:s11], $0x1000  }
0x46: {  	[sflag:s11] =	ssyncset.done $0x0  }
0x47: {  	s28 =	sadd.s32 $0xC0, s28;
	[sflag:s11] =	ssyncadd.s32 $0xFFFFF000  }
0x48: {  	[tilespmem:s21], [sflag:$0x2] =	stream.indirect.gather [spmem:s2], $0x40, s28, s19, $0xb8;
	[tilespmem:$0x1FA00] =	vst v63  }
0x49: {  	_ =	swait.ge [sflag:s15], $0x1000  }
0x4a: {  	[sflag:s15] =	ssyncset.done $0x0  }
0x4b: {  	[sflag:s15] =	ssyncadd.s32 $0xFFFFF000  }
0x4c: {  	[spmem:s3] =	stream.indirect.scatter.add.f32 [tilespmem:s20], [sflag:$0x3], $0x40, s23, s19, $0xb8;
	[tilespmem:$0x1FA00] =	vst v63  }
0x4d: {  	_ =	swait.ge [sflag:s11], $0x1000  }
0x4e: {  	[sflag:s11] =	ssyncset.done $0x0  }
0x4f: {  	[sflag:s11] =	ssyncadd.s32 $0xFFFFF000  }
0x50: {  	_ =	swait.ge [sflag:s22], $0x1000  }
0x51: {  	[sflag:s22] =	ssyncset.done $0x0  }
0x52: {  	[sflag:s22] =	ssyncadd.s32 $0xFFFFF000  }
0x53: {  	[spmem:s3] =	stream.indirect.scatter.add.f32 [tilespmem:s21], [sflag:$0x3], $0x40, s24, s19, $0xb8;
	[tilespmem:$0x1FA00] =	vst v63  }
0x54: {  	_ =	swait.ge [sflag:s11], $0x1000  }
0x55: {  	s25 =	sadd.s32 $0x1, s25;
	[sflag:s11] =	ssyncset.done $0x0  }
0x56: {  	p0 =	sne.s32 s25, s10;
	[sflag:s11] =	ssyncadd.s32 $0xFFFFF000  }
.Ltmp1:
0x57: {  	[bflag:$0x0] =	sbarrier.arrive $0xFFFF;
	(pc) =	sbr.rel @p0 .LBB2_1-.Ltmp1, $4  }
0x58: {  	[hbm:s9@s17], [sflag:s13] =	dma.strided [spmem:s18@s16], $0x13C0, s15, $0x8   }
0x59: {  	_ =	swait.ge [sflag:s11], $0x13C0  }
0x5a: {  	[sflag:s11] =	ssyncset.done $0x0  }
0x5b: {  	[sflag:s11] =	ssyncadd.s32 $0xFFFFEC40  }
0x5c: {  	_ =	sfence.sel $0x180000  }
0x5d: {  	[bflag:$0x0] =	sbarrier.arrive $0xFFFF  }
0x5e: {  	p0 =	sne.s32 s1, $0x0;
	_ =	strace $0x9000004A  }
0x5f: {  	s0 =	sadd.s32 @!p0 $0x100000, s0;
	[bflag:$0x2] =	sbarrier.arrive $0xFFFF  }
0x60: {  	[sflag:s0] =	ssyncadd.tile.s32 @!p0 $0x1;
	_ =	shalt  }
.Lfunc_end2:
_tile_overlayer_lowered:
.L_overlay_start_2:
0x61: {  	(tag) =	ssettag $0x2  }
0x62: {  	s0 =	rddreg [dreg:$0x0];
	s2 =	stileid.u32  }
0x63: {  	s1 =	rddreg [dreg:$0x1];
	p0 =	sne.s32 s2, $0x0  }
0x64: {  	s3 =	rddreg [dreg:$0x2];
	[bflag:$0x3] =	sbarrier.arrive $0xFFFF;
	s2 =	simm.s32 @!p0 $0x1C03  }
0x65: {  	[timem:s3], [sflag:s2] =	dma.local @!p0 [hbm:s0], s1  }
0x66: {  	s0 =	simm.s32 @!p0 $0x3  }
0x67: {  	_ =	swait.ge @!p0 [sflag:s0], s1  }
0x68: {  	s1 =	ssub.s32 @!p0 $0x0, s1;
	[sflag:s0] =	ssyncset.done @!p0 $0x0  }
0x69: {  	[sflag:s0] =	ssyncadd.s32 @!p0 s1  }
0x6a: {  	[bflag:$0x3] =	sbarrier.arrive $0xFFFF  }
0x6b: {  	_ =	shalt  }

// kernel: kernel.17.cloned.1.call-start
scs
__scs_entry_jumppad:
0x0: {  	(pc) =	sbr.rel $0x88, $3  }
0x1: {  	(tag) =	ssettag $0x0;
	lr =	simm.s32 $0x1  }
0x2: {  	[smem:$0x3F99] =	sst lr;
	_ =	strace $0xD0000000  }
0x3: {  	_ = 	snop  }
0x4: {  	_ = 	snop  }
0x5: {  	_ = 	snop  }
0x6: {  	_ = 	snop  }
0x7: {  	_ = 	snop  }
__scs_overlays_trampoline_lowered:
0x8: {  	[smem:$0x3FA8] =	sst s0  }
0x9: {  	[smem:$0x3FA9] =	sst s1  }
0xa: {  	[smem:$0x3FAA] =	sst s2  }
0xb: {  	[smem:$0x3FAB] =	sst s3  }
0xc: {  	[smem:$0x3FAC] =	sst s4  }
0xd: {  	[smem:$0x3FAD] =	sst s5  }
0xe: {  	[smem:$0x3FAE] =	sst s6  }
0xf: {  	[smem:$0x3FAF] =	sst s7  }
0x10: {  	[smem:$0x3FB0] =	sst s8  }
0x11: {  	[smem:$0x3FB1] =	sst s9;
	s0 =	simm.s32 @!p0 $0x0  }
0x12: {  	s1 =	sld [smem:$0x3F97];
	s0 =	simm.s32 @p0 $0x1  }
0x13: {  	[smem:$0x3FB2] =	sst s0;
	s0 =	simm.s32 @!p1 $0x0  }
0x14: {  	s2 =	sld [smem:$0x3F96];
	s0 =	simm.s32 @p1 $0x1  }
0x15: {  	[smem:$0x3FB3] =	sst s0;
	s0 =	simm.s32 @!p2 $0x0  }
0x16: {  	s3 =	sld [smem:$0x3FDB];
	s0 =	simm.s32 @p2 $0x1  }
0x17: {  	s4 =	simm.s32 $0x1BF5;
	[smem:$0x3FB5] =	sst s0  }
0x18: {  	s0 =	sld [smem:$0x3F98];
	_ =	swait.ge [sflag:s4], $0x0  }
0x19: {  	s7 =	sld [smem:$0x3F99]  }
0x1a: {  	s8 =	sadd.s32 $0xFFFFE003, lr  }
0x1b: {  	s9 =	sadd.s32 $0xFFFFFEF7, lr;
	s5 =	simm.s32 $0xFFFFFFFF;
	p2 =	slt.u32 s8, $0xFFFFF086  }
0x1c: {  	p1 =	slt.u32 s9, $0xF7A;
	s5 =	simm.s32 @!p2 $0x0  }
0x1d: {  	s5 =	simm.s32 @p1 $0x1;
	p0 =	seq.s32 s7, s2  }
0x1e: {  	s7 =	smul.u32 @!p0 $0xF7A, s2;
	p2 =	seq.s32 @!p0 s5, $0x0  }
0x1f: {  	s9 =	smul.u32 $0xF7A, s1;
	s8 =	simm.s32 @!p0 $0x1BF5;
	p2 =	por !p2, p0  }
0x20: {  	[sflag:s8] =	ssyncset.s32 @!p0 $0xFFFFF086;
	s6 =	sadd.s32 @!p0 s3, s7;
	s7 =	simm.s32 @!p0 $0x108  }
0x21: {  	s3 =	sadd.s32 s3, s9;
	s6 =	sadd.s32 @!p0 $0x88, s6;
	s7 =	simm.s32 @p2 $0x1082  }
0x22: {  	[simem:s7], [sflag:s8] =	dma.local @!p0 [hbm:s6], $0xF7A  }
0x23: {  	s9 =	sor.u32 $0xD0000000, s2;
	s6 =	simm.s32 $0x108;
	_ =	swait.ge @!p0 [sflag:s8], $0x0  }
0x24: {  	s3 =	sadd.s32 $0x88, s3;
	s6 =	simm.s32 @!p1 $0x1082;
	[sflag:s4] =	ssyncset.s32 $0xFFFFF086  }
0x25: {  	[simem:s6], [sflag:s4] =	dma.local [hbm:s3], $0xF7A  }
0x26: {  	[smem:$0x3F99] =	sst s1;
	(tag) =	ssettag s2;
	_ =	strace s9  }
0x27: {  	s1 =	sld [smem:$0x3FA9]  }
0x28: {  	s2 =	sld [smem:$0x3FAA]  }
0x29: {  	s4 =	sld [smem:$0x3FAC]  }
0x2a: {  	p0 =	seq.s32 s5, $0x0;
	s5 =	sld [smem:$0x3FAD]  }
0x2b: {  	s6 =	sld [smem:$0x3FAE]  }
0x2c: {  	s7 =	sld [smem:$0x3FAF]  }
0x2d: {  	s3 =	simm.s32 $0x108;
	s8 =	sld [smem:$0x3FB0]  }
0x2e: {  	s3 =	simm.s32 @!p0 $0x1082;
	s9 =	sld [smem:$0x3FB1]  }
0x2f: {  	lr =	sadd.s32 s0, s3;
	s0 =	sld [smem:$0x3FA8]  }
0x30: {  	s3 =	sld [smem:$0x3FAB]  }
0x31: {  	[smem:$0x3FB4] =	sst s10  }
0x32: {  	s10 =	sld [smem:$0x3FB2];
	_ =	sdelay $0x3  }
0x33: {  	p0 =	seq.s32 s10, $0x1;
	s10 =	sld [smem:$0x3FB4];
	_ =	sdelay $0x3  }
0x34: {  	[smem:$0x3FB4] =	sst s10  }
0x35: {  	s10 =	sld [smem:$0x3FB3];
	_ =	sdelay $0x3  }
0x36: {  	p1 =	seq.s32 s10, $0x1;
	s10 =	sld [smem:$0x3FB4];
	_ =	sdelay $0x3  }
0x37: {  	[smem:$0x3FB4] =	sst s10  }
0x38: {  	s10 =	sld [smem:$0x3FB5]  }
0x39: {  	_ = 	snop;
	(pc) =	sbr.ind lr, $3  }
0x3a: {  	_ = 	snop  }
0x3b: {  	_ = 	snop  }
0x3c: {  	p2 =	seq.s32 s10, $0x1;
	s10 =	sld [smem:$0x3FB4]  }
0x3d: {  	_ =	shalt  }
0x3e: {  	_ =	shalt  }
0x3f: {  	_ =	shalt  }
0x40: {  	_ =	shalt  }
0x41: {  	_ =	shalt  }
0x42: {  	_ =	shalt  }
0x43: {  	_ =	shalt  }
0x44: {  	_ =	shalt  }
0x45: {  	_ =	shalt  }
0x46: {  	_ =	shalt  }
0x47: {  	_ =	shalt  }
0x48: {  	_ =	shalt  }
0x49: {  	_ =	shalt  }
0x4a: {  	_ =	shalt  }
0x4b: {  	_ =	shalt  }
0x4c: {  	_ =	shalt  }
0x4d: {  	_ =	shalt  }
0x4e: {  	_ =	shalt  }
0x4f: {  	_ =	shalt  }
0x50: {  	_ =	shalt  }
0x51: {  	_ =	shalt  }
0x52: {  	_ =	shalt  }
0x53: {  	_ =	shalt  }
0x54: {  	_ =	shalt  }
0x55: {  	_ =	shalt  }
0x56: {  	_ =	shalt  }
0x57: {  	_ =	shalt  }
0x58: {  	_ =	shalt  }
0x59: {  	_ =	shalt  }
0x5a: {  	_ =	shalt  }
0x5b: {  	_ =	shalt  }
0x5c: {  	_ =	shalt  }
0x5d: {  	_ =	shalt  }
0x5e: {  	_ =	shalt  }
0x5f: {  	_ =	shalt  }
0x60: {  	_ =	shalt  }
0x61: {  	_ =	shalt  }
0x62: {  	_ =	shalt  }
0x63: {  	_ =	shalt  }
0x64: {  	_ =	shalt  }
0x65: {  	_ =	shalt  }
0x66: {  	_ =	shalt  }
0x67: {  	_ =	shalt  }
0x68: {  	_ =	shalt  }
0x69: {  	_ =	shalt  }
0x6a: {  	_ =	shalt  }
0x6b: {  	_ =	shalt  }
0x6c: {  	_ =	shalt  }
0x6d: {  	_ =	shalt  }
0x6e: {  	_ =	shalt  }
0x6f: {  	_ =	shalt  }
0x70: {  	_ =	shalt  }
0x71: {  	_ =	shalt  }
0x72: {  	_ =	shalt  }
0x73: {  	_ =	shalt  }
0x74: {  	_ =	shalt  }
0x75: {  	_ =	shalt  }
0x76: {  	_ =	shalt  }
0x77: {  	_ =	shalt  }
0x78: {  	_ =	shalt  }
0x79: {  	_ =	shalt  }
0x7a: {  	_ =	shalt  }
0x7b: {  	_ =	shalt  }
0x7c: {  	_ =	shalt  }
0x7d: {  	_ =	shalt  }
0x7e: {  	_ =	shalt  }
0x7f: {  	_ =	shalt  }
0x80: {  	_ =	shalt  }
0x81: {  	_ =	shalt  }
0x82: {  	_ =	shalt  }
0x83: {  	_ =	shalt  }
0x84: {  	_ =	shalt  }
0x85: {  	_ =	shalt  }
0x86: {  	_ =	shalt  }
0x87: {  	_ =	shalt  }
.Lfunc_end0:
.L_simem_size_0:
called_computation.2_lowered:
.L_overlay_start_0:
0x88: {  	s2 =	sld [smem:$0x3FD9]  }
0x89: {  	s3 =	sld [smem:$0x3FFE];
	_ =	sdelay $0x1  }
0x8a: {  	s1 =	srdreg.scid  }
0x8b: {  	s0 =	sand.u32 $0x1, s1  }
0x8c: {  	s17 =	sshll.u32 s0, $0xA;
	s2 =	sadd.s32 s3, s2  }
0x8d: {  	s2 =	sadd.s32 s2, s17  }
0x8e: {  	[smem:$0x3FC0] =	sst s2  }
0x8f: {  	_ = 	snop  }
0x90: {  	s2 =	sld [smem:$0x3FD0];
	(tm) =	ssettm $0x1  }
0x91: {  	s18 =	sld [smem:$0x3FFB];
	_ =	sdelay $0x3  }
0x92: {  	_ =	strace s18  }
0x93: {  	s3 =	sld [smem:$0x3FFC];
	_ =	sdelay $0x3  }
0x94: {  	_ =	strace s3  }
0x95: {  	s3 =	sld [smem:$0x3FFD];
	_ =	sdelay $0x3  }
0x96: {  	_ =	strace s3  }
0x97: {  	_ =	strace $0x8FFFFFFF  }
0x98: {  	s19 =	sld [smem:$0x3FDB];
	_ =	sdelay $0x1  }
0x99: {  	s4 =	simm.s32 $_scs_section_size  }
0x9a: {  	s5 =	simm.s32 $_size__tile_overlayer_lowered;
	s6 =	simm.s32 $_tile_overlayer_lowered  }
0x9b: {  	s22 =	simm.s32 $0x1BFF;
	s21 =	sshll.u32 s6, $0x1;
	s3 =	sadd.s32 s4, s19  }
0x9c: {  	s7 =	simm.s32 $0x0;
	s20 =	sshll.u32 s5, $0x1;
	s5 =	sadd.s32 s21, s3  }
0x9d: {  	[timem:s7], [sflag:s22] =	dma.local [hbm:s5], s20  }
0x9e: {  	_ =	swait.ge [sflag:s22], s20  }
0x9f: {  	s4 =	ssub.s32 $0x0, s20;
	[sflag:s22] =	ssyncset.done $0x0  }
0xa0: {  	[sflag:s22] =	ssyncadd.s32 s4;
	_ =	sdelay $0x1  }
0xa1: {  	s23 =	simm.s32 $0x1B8B  }
0xa2: {  	_ =	swait.ge [sflag:s23], $0x1  }
0xa3: {  	[sflag:s23] =	ssyncset.done $0x0  }
0xa4: {  	s25 =	simm.s32 $0x1B8E;
	s24 =	sld [smem:$0x3FFE];
	[sflag:s23] =	ssyncadd.s32 $0xFFFFFFFF  }
0xa5: {  	s26 =	simm.s32 $execute0_lowered;
	[smem:$0x3FD2] =	sst s25  }
0xa6: {  	s5 =	sshll.u32 s26, $0x1;
	_ =	strace $0x8000004C;
	[dreg:$0x1] =	wrdreg $0xFFFFFFFF  }
0xa7: {  	s28 =	simm.s32 $_size_execute0_lowered;
	s3 =	sadd.s32 s3, s5;
	[dreg:$0x0] =	wrdreg $0x0  }
0xa8: {  	s5 =	sshll.u32 s28, $0x1;
	[dreg:$0x2] =	wrdreg s3  }
0xa9: {  	[dreg:$0x3] =	wrdreg s5  }
0xaa: {  	[dreg:$0x4] =	wrdreg $0xC0  }
0xab: {  	_ =	task [dreg:s7], $0x5FFFF  }
0xac: {  	[dreg:$0x1] =	wrdreg $0xFFFFFFFF  }
0xad: {  	[dreg:$0x0] =	wrdreg $0x60  }
0xae: {  	[dreg:$0x2] =	wrdreg s24  }
0xaf: {  	[dreg:$0x3] =	wrdreg s2  }
0xb0: {  	[dreg:$0x4] =	wrdreg $0xBE000  }
0xb1: {  	[dreg:$0x5] =	wrdreg $0x15C000  }
0xb2: {  	[dreg:$0x6] =	wrdreg $0x9  }
0xb3: {  	_ =	task.clear_ibuf [dreg:s7], $0x7FFFF;
	_ =	strace $0x9000004C  }
0xb4: {  	s29 =	simm.s32 $0x9;
	_ =	strace $0x8000004E  }
0xb5: {  	_ =	swait.ge [sflag:s29], $0x1  }
0xb6: {  	[sflag:s29] =	ssyncadd.s32 $0xFFFFFFFF  }
0xb7: {  	_ =	strace $0x9000004E  }
0xb8: {  	_ =	sfence  }
0xb9: {  	s30 =	sld [smem:$0x0];
	_ =	sdelay $0x2  }
0xba: {  	s31 =	sshll.u32 s1, $0xD;
	s1 =	sshrl.u32 s1, $0x2  }
0xbb: {  	s3 =	sand.u32 $0x4000, s31;
	s1 =	sadd.s32 s1, s30  }
0xbc: {  	s0 =	sor.u32 s3, s0;
	s1 =	sshll.u32 s1, $0x11  }
0xbd: {  	s0 =	sor.u32 s1, s0  }
0xbe: {  	s0 =	sadd.s32 $0x8F2B, s0  }
0xbf: {  	[sflag:s0] =	ssyncadd.remote.s32 $0x1  }
0xc0: {  	_ =	sfence.sel $0xFFFF  }
0xc1: {  	[dreg:$0x0] =	wrdreg $0xFFFFFFFF;
	(pc) =	sbr.abs _section_cstart, $3  }
0xc2: {  	[dreg:$0x1] =	wrdreg $0xFFFFFFFF  }
0xc3: {  	_ =	task.clear_ibuf [dreg:s7], $0x2FFFF;
	_ =	strace $0x9FFFFFFF  }
0xc4: {  	(tm) =	ssettm $0x7FFFFFFF  }
0xc5: {  	_ =	shalt  }
tec
execute0_lowered:
.L_overlay_start_1:
0x0: {  	(tag) =	ssettag $0x1  }
0x1: {  	s5 =	rddreg [dreg:$0x0]  }
0x2: {  	s8 =	rddreg [dreg:$0x1]  }
0x3: {  	s2 =	rddreg [dreg:$0x2]  }
0x4: {  	s3 =	rddreg [dreg:$0x3]  }
0x5: {  	s0 =	rddreg [dreg:$0x4]  }
0x6: {  	s1 =	stileid.u32;
	s4 =	simm.s32 $0x0;
	s7 =	srdreg.scid  }
0x7: {  	s15 =	simm.s32 $0x1;
	s16 =	simm.s32 $0x8;
	s17 =	simm.s32 $0x10  }
0x8: {  	s19 =	simm.s32 $0x40;
	s20 =	simm.s32 $0x9E00;
	s21 =	simm.s32 $0xAE00  }
0x9: {  	s22 =	simm.s32 $0x2;
	s23 =	simm.s32 $0x9D80;
	s6 =	smul.u32 $0x9E0, s1  }
0xa: {  	s24 =	simm.s32 $0x9DC0;
	s25 =	simm.s32 $0x0;
	s9 =	smul.u32 $0x13C00, s1  }
0xb: {  	[smem:$0x7FF] =	sst s4;
	s7 =	sand.u32 $0x1, s7;
	s11 =	smul.u32 $0x9E00, s1  }
0xc: {  	s13 =	sshll.u32 s1, $0x6;
	_ =	strace $0x8000004D;
	s10 =	sshll.u32 s7, $0x6  }
0xd: {  	s7 =	ssub.s32 $0x2, s7;
	s13 =	sor.u32 $0x1C03, s13;
	s6 =	sadd.s32 s6, s5  }
0xe: {  	s9 =	sor.u32 s10, s9;
	s31 =	sshrl.u32 s7, $0x1;
	s14 =	sadd.s32 s11, s2  }
0xf: {  	s12 =	sshrl.u32 s11, $0x3;
	s18 =	sadd.s32 s11, s3;
	s11 =	simm.s32 $0x3  }
0x10: {  	s9 =	sshrl.u32 s9, $0x3;
	s10 =	ssub.s32 s7, s31;
	s8 =	sadd.s32 s8, s12  }
0x11: {  	s12 =	simm.s32 $0x4F00;
	s14 =	sshrl.u32 s14, $0x3;
	s18 =	sshrl.u32 s18, $0x3  }
0x12: {  	s9 =	sadd.s32 s9, s5;
	s5 =	sadd.s32 $0x3A00, s6;
	s6 =	sadd.s32 $0x1C600, s6  }
0x13: {  	s10 =	smax.u32 s10, $0x1;
	s7 =	sadd.s32 $0x4DC00, s9;
	s9 =	sadd.s32 $0x75400, s9  }
.LBB2_1:
0x14: {  	[tilespmem:s4], [sflag:$0x3] =	stream.linear.gather [hbm4b:s5+s4], $0x4F00, $0x38;
	[tilespmem:$0x1FA00] =	vst v63  }
0x15: {  	_ =	swait.ge [sflag:s11], $0x4F00  }
0x16: {  	[sflag:s11] =	ssyncset.done $0x0  }
0x17: {  	[sflag:s11] =	ssyncadd.s32 $0xFFFFB100  }
0x18: {  	[tilespmem:s12], [sflag:$0x3] =	stream.linear.gather [hbm4b:s6+s4], $0x4F00, $0x38;
	[tilespmem:$0x1FA00] =	vst v63  }
0x19: {  	_ =	swait.ge [sflag:s11], $0x4F00  }
0x1a: {  	[sflag:s11] =	ssyncset.done $0x0  }
0x1b: {  	[sflag:s11] =	ssyncadd.s32 $0xFFFFB100  }
0x1c: {  	[spmem:s14@s16], [sflag:s13] =	dma.strided [hbm:s7@s17], $0x13C0, s15, $0x8   }
0x1d: {  	_ =	swait.ge [sflag:s11], $0x13C0  }
0x1e: {  	[sflag:s11] =	ssyncset.done $0x0  }
0x1f: {  	[sflag:s11] =	ssyncadd.s32 $0xFFFFEC40  }
0x20: {  	[spmem:s18], [sflag:s13] =	dma.local [hbm:s8], $0x13C0  }
0x21: {  	_ =	swait.ge [sflag:s11], $0x13C0  }
0x22: {  	[sflag:s11] =	ssyncset.done $0x0  }
0x23: {  	[sflag:s11] =	ssyncadd.s32 $0xFFFFEC40  }
0x24: {  	[bflag:$0x0] =	sbarrier.arrive $0xFFFF  }
0x25: {  	[tilespmem:s20], [sflag:$0x1] =	stream.indirect.gather [spmem:s2], $0x40, s4, s19, $0xb8;
	[tilespmem:$0x1FA00] =	vst v63  }
0x26: {  	_ = 	snop  }
0x27: {  	[tilespmem:s21], [sflag:$0x2] =	stream.indirect.gather [spmem:s2], $0x40, s19, s19, $0xb8;
	[tilespmem:$0x1FA00] =	vst v63  }
0x28: {  	_ =	swait.ge [sflag:s15], $0x1000  }
0x29: {  	[sflag:s15] =	ssyncset.done $0x0  }
0x2a: {  	s26 =	simm.s32 $0x4F00;
	[sflag:s15] =	ssyncadd.s32 $0xFFFFF000  }
0x2b: {  	[spmem:s3] =	stream.indirect.scatter.add.f32 [tilespmem:s20], [sflag:$0x3], $0x40, s26, s19, $0xb8;
	[tilespmem:$0x1FA00] =	vst v63  }
0x2c: {  	_ =	swait.ge [sflag:s11], $0x1000  }
0x2d: {  	[sflag:s11] =	ssyncset.done $0x0  }
0x2e: {  	s30 =	simm.s32 $0x80;
	[sflag:s11] =	ssyncadd.s32 $0xFFFFF000  }
0x2f: {  	[tilespmem:s20], [sflag:$0x1] =	stream.indirect.gather [spmem:s2], $0x40, s30, s19, $0xb8;
	[tilespmem:$0x1FA00] =	vst v63  }
0x30: {  	_ =	swait.ge [sflag:s22], $0x1000  }
0x31: {  	[sflag:s22] =	ssyncset.done $0x0  }
0x32: {  	s31 =	simm.s32 $0x4F40;
	[sflag:s22] =	ssyncadd.s32 $0xFFFFF000  }
0x33: {  	[spmem:s3] =	stream.indirect.scatter.add.f32 [tilespmem:s21], [sflag:$0x3], $0x40, s31, s19, $0xb8;
	[tilespmem:$0x1FA00] =	vst v63  }
0x34: {  	_ =	swait.ge [sflag:s11], $0x1000  }
0x35: {  	[sflag:s11] =	ssyncset.done $0x0  }
0x36: {  	s28 =	simm.s32 $0xC0;
	s26 =	simm.s32 $0x200;
	[sflag:s11] =	ssyncadd.s32 $0xFFFFF000  }
.LBB2_2:
0x37: {  	[tilespmem:s21], [sflag:$0x2] =	stream.indirect.gather [spmem:s2], $0x40, s28, s19, $0xb8;
	[tilespmem:$0x1FA00] =	vst v63  }
0x38: {  	s28 =	smov.u32 s26  }
0x39: {  	p0 =	sne.s32 s26, $0x13800;
	s26 =	sadd.s32 $0x200, s26;
	_ =	swait.ge [sflag:s15], $0x1000  }
0x3a: {  	s28 =	sshra.s32 s28, $0x2;
	[sflag:s15] =	ssyncset.done $0x0  }
0x3b: {  	s29 =	sadd.s32 $0x4F00, s28;
	[sflag:s15] =	ssyncadd.s32 $0xFFFFF000  }
0x3c: {  	[spmem:s3] =	stream.indirect.scatter.add.f32 [tilespmem:s20], [sflag:$0x3], $0x40, s29, s19, $0xb8;
	[tilespmem:$0x1FA00] =	vst v63  }
0x3d: {  	_ =	swait.ge [sflag:s11], $0x1000  }
0x3e: {  	[sflag:s11] =	ssyncset.done $0x0  }
0x3f: {  	s29 =	sadd.s32 $0x80, s28;
	[sflag:s11] =	ssyncadd.s32 $0xFFFFF000  }
0x40: {  	[tilespmem:s20], [sflag:$0x1] =	stream.indirect.gather [spmem:s2], $0x40, s29, s19, $0xb8;
	[tilespmem:$0x1FA00] =	vst v63  }
0x41: {  	_ =	swait.ge [sflag:s22], $0x1000  }
0x42: {  	[sflag:s22] =	ssyncset.done $0x0  }
.Ltmp0:
0x43: {  	s29 =	sadd.s32 $0x4F40, s28;
	[sflag:s22] =	ssyncadd.s32 $0xFFFFF000;
	(pc) =	sbr.rel @p0 .LBB2_2-.Ltmp0, $4  }
0x44: {  	[spmem:s3] =	stream.indirect.scatter.add.f32 [tilespmem:s21], [sflag:$0x3], $0x40, s29, s19, $0xb8;
	[tilespmem:$0x1FA00] =	vst v63  }
0x45: {  	_ =	swait.ge [sflag:s11], $0x1000  }
0x46: {  	[sflag:s11] =	ssyncset.done $0x0  }
0x47: {  	s28 =	sadd.s32 $0xC0, s28;
	[sflag:s11] =	ssyncadd.s32 $0xFFFFF000  }
0x48: {  	[tilespmem:s21], [sflag:$0x2] =	stream.indirect.gather [spmem:s2], $0x40, s28, s19, $0xb8;
	[tilespmem:$0x1FA00] =	vst v63  }
0x49: {  	_ =	swait.ge [sflag:s15], $0x1000  }
0x4a: {  	[sflag:s15] =	ssyncset.done $0x0  }
0x4b: {  	[sflag:s15] =	ssyncadd.s32 $0xFFFFF000  }
0x4c: {  	[spmem:s3] =	stream.indirect.scatter.add.f32 [tilespmem:s20], [sflag:$0x3], $0x40, s23, s19, $0xb8;
	[tilespmem:$0x1FA00] =	vst v63  }
0x4d: {  	_ =	swait.ge [sflag:s11], $0x1000  }
0x4e: {  	[sflag:s11] =	ssyncset.done $0x0  }
0x4f: {  	[sflag:s11] =	ssyncadd.s32 $0xFFFFF000  }
0x50: {  	_ =	swait.ge [sflag:s22], $0x1000  }
0x51: {  	[sflag:s22] =	ssyncset.done $0x0  }
0x52: {  	[sflag:s22] =	ssyncadd.s32 $0xFFFFF000  }
0x53: {  	[spmem:s3] =	stream.indirect.scatter.add.f32 [tilespmem:s21], [sflag:$0x3], $0x40, s24, s19, $0xb8;
	[tilespmem:$0x1FA00] =	vst v63  }
0x54: {  	_ =	swait.ge [sflag:s11], $0x1000  }
0x55: {  	s25 =	sadd.s32 $0x1, s25;
	[sflag:s11] =	ssyncset.done $0x0  }
0x56: {  	p0 =	sne.s32 s25, s10;
	[sflag:s11] =	ssyncadd.s32 $0xFFFFF000  }
.Ltmp1:
0x57: {  	[bflag:$0x0] =	sbarrier.arrive $0xFFFF;
	(pc) =	sbr.rel @p0 .LBB2_1-.Ltmp1, $4  }
0x58: {  	[hbm:s9@s17], [sflag:s13] =	dma.strided [spmem:s18@s16], $0x13C0, s15, $0x8   }
0x59: {  	_ =	swait.ge [sflag:s11], $0x13C0  }
0x5a: {  	[sflag:s11] =	ssyncset.done $0x0  }
0x5b: {  	[sflag:s11] =	ssyncadd.s32 $0xFFFFEC40  }
0x5c: {  	_ =	sfence.sel $0x180000  }
0x5d: {  	[bflag:$0x0] =	sbarrier.arrive $0xFFFF  }
0x5e: {  	p0 =	sne.s32 s1, $0x0;
	_ =	strace $0x9000004D  }
0x5f: {  	s0 =	sadd.s32 @!p0 $0x100000, s0;
	[bflag:$0x2] =	sbarrier.arrive $0xFFFF  }
0x60: {  	[sflag:s0] =	ssyncadd.tile.s32 @!p0 $0x1;
	_ =	shalt  }
.Lfunc_end2:
_tile_overlayer_lowered:
.L_overlay_start_2:
0x61: {  	(tag) =	ssettag $0x2  }
0x62: {  	s0 =	rddreg [dreg:$0x0];
	s2 =	stileid.u32  }
0x63: {  	s1 =	rddreg [dreg:$0x1];
	p0 =	sne.s32 s2, $0x0  }
0x64: {  	s3 =	rddreg [dreg:$0x2];
	[bflag:$0x3] =	sbarrier.arrive $0xFFFF;
	s2 =	simm.s32 @!p0 $0x1C03  }
0x65: {  	[timem:s3], [sflag:s2] =	dma.local @!p0 [hbm:s0], s1  }
0x66: {  	s0 =	simm.s32 @!p0 $0x3  }
0x67: {  	_ =	swait.ge @!p0 [sflag:s0], s1  }
0x68: {  	s1 =	ssub.s32 @!p0 $0x0, s1;
	[sflag:s0] =	ssyncset.done @!p0 $0x0  }
0x69: {  	[sflag:s0] =	ssyncadd.s32 @!p0 s1  }
0x6a: {  	[bflag:$0x3] =	sbarrier.arrive $0xFFFF  }
0x6b: {  	_ =	shalt  }

// kernel: kernel.20.cloned.1.call-start
scs
__scs_entry_jumppad:
0x0: {  	(pc) =	sbr.rel $0x88, $3  }
0x1: {  	(tag) =	ssettag $0x0;
	lr =	simm.s32 $0x1  }
0x2: {  	[smem:$0x3F99] =	sst lr;
	_ =	strace $0xD0000000  }
0x3: {  	_ = 	snop  }
0x4: {  	_ = 	snop  }
0x5: {  	_ = 	snop  }
0x6: {  	_ = 	snop  }
0x7: {  	_ = 	snop  }
__scs_overlays_trampoline_lowered:
0x8: {  	[smem:$0x3FA8] =	sst s0  }
0x9: {  	[smem:$0x3FA9] =	sst s1  }
0xa: {  	[smem:$0x3FAA] =	sst s2  }
0xb: {  	[smem:$0x3FAB] =	sst s3  }
0xc: {  	[smem:$0x3FAC] =	sst s4  }
0xd: {  	[smem:$0x3FAD] =	sst s5  }
0xe: {  	[smem:$0x3FAE] =	sst s6  }
0xf: {  	[smem:$0x3FAF] =	sst s7  }
0x10: {  	[smem:$0x3FB0] =	sst s8  }
0x11: {  	[smem:$0x3FB1] =	sst s9;
	s0 =	simm.s32 @!p0 $0x0  }
0x12: {  	s1 =	sld [smem:$0x3F97];
	s0 =	simm.s32 @p0 $0x1  }
0x13: {  	[smem:$0x3FB2] =	sst s0;
	s0 =	simm.s32 @!p1 $0x0  }
0x14: {  	s2 =	sld [smem:$0x3F96];
	s0 =	simm.s32 @p1 $0x1  }
0x15: {  	[smem:$0x3FB3] =	sst s0;
	s0 =	simm.s32 @!p2 $0x0  }
0x16: {  	s3 =	sld [smem:$0x3FDB];
	s0 =	simm.s32 @p2 $0x1  }
0x17: {  	s4 =	simm.s32 $0x1BF5;
	[smem:$0x3FB5] =	sst s0  }
0x18: {  	s0 =	sld [smem:$0x3F98];
	_ =	swait.ge [sflag:s4], $0x0  }
0x19: {  	s7 =	sld [smem:$0x3F99]  }
0x1a: {  	s8 =	sadd.s32 $0xFFFFE003, lr  }
0x1b: {  	s9 =	sadd.s32 $0xFFFFFEF7, lr;
	s5 =	simm.s32 $0xFFFFFFFF;
	p2 =	slt.u32 s8, $0xFFFFF086  }
0x1c: {  	p1 =	slt.u32 s9, $0xF7A;
	s5 =	simm.s32 @!p2 $0x0  }
0x1d: {  	s5 =	simm.s32 @p1 $0x1;
	p0 =	seq.s32 s7, s2  }
0x1e: {  	s7 =	smul.u32 @!p0 $0xF7A, s2;
	p2 =	seq.s32 @!p0 s5, $0x0  }
0x1f: {  	s9 =	smul.u32 $0xF7A, s1;
	s8 =	simm.s32 @!p0 $0x1BF5;
	p2 =	por !p2, p0  }
0x20: {  	[sflag:s8] =	ssyncset.s32 @!p0 $0xFFFFF086;
	s6 =	sadd.s32 @!p0 s3, s7;
	s7 =	simm.s32 @!p0 $0x108  }
0x21: {  	s3 =	sadd.s32 s3, s9;
	s6 =	sadd.s32 @!p0 $0x88, s6;
	s7 =	simm.s32 @p2 $0x1082  }
0x22: {  	[simem:s7], [sflag:s8] =	dma.local @!p0 [hbm:s6], $0xF7A  }
0x23: {  	s9 =	sor.u32 $0xD0000000, s2;
	s6 =	simm.s32 $0x108;
	_ =	swait.ge @!p0 [sflag:s8], $0x0  }
0x24: {  	s3 =	sadd.s32 $0x88, s3;
	s6 =	simm.s32 @!p1 $0x1082;
	[sflag:s4] =	ssyncset.s32 $0xFFFFF086  }
0x25: {  	[simem:s6], [sflag:s4] =	dma.local [hbm:s3], $0xF7A  }
0x26: {  	[smem:$0x3F99] =	sst s1;
	(tag) =	ssettag s2;
	_ =	strace s9  }
0x27: {  	s1 =	sld [smem:$0x3FA9]  }
0x28: {  	s2 =	sld [smem:$0x3FAA]  }
0x29: {  	s4 =	sld [smem:$0x3FAC]  }
0x2a: {  	p0 =	seq.s32 s5, $0x0;
	s5 =	sld [smem:$0x3FAD]  }
0x2b: {  	s6 =	sld [smem:$0x3FAE]  }
0x2c: {  	s7 =	sld [smem:$0x3FAF]  }
0x2d: {  	s3 =	simm.s32 $0x108;
	s8 =	sld [smem:$0x3FB0]  }
0x2e: {  	s3 =	simm.s32 @!p0 $0x1082;
	s9 =	sld [smem:$0x3FB1]  }
0x2f: {  	lr =	sadd.s32 s0, s3;
	s0 =	sld [smem:$0x3FA8]  }
0x30: {  	s3 =	sld [smem:$0x3FAB]  }
0x31: {  	[smem:$0x3FB4] =	sst s10  }
0x32: {  	s10 =	sld [smem:$0x3FB2];
	_ =	sdelay $0x3  }
0x33: {  	p0 =	seq.s32 s10, $0x1;
	s10 =	sld [smem:$0x3FB4];
	_ =	sdelay $0x3  }
0x34: {  	[smem:$0x3FB4] =	sst s10  }
0x35: {  	s10 =	sld [smem:$0x3FB3];
	_ =	sdelay $0x3  }
0x36: {  	p1 =	seq.s32 s10, $0x1;
	s10 =	sld [smem:$0x3FB4];
	_ =	sdelay $0x3  }
0x37: {  	[smem:$0x3FB4] =	sst s10  }
0x38: {  	s10 =	sld [smem:$0x3FB5]  }
0x39: {  	_ = 	snop;
	(pc) =	sbr.ind lr, $3  }
0x3a: {  	_ = 	snop  }
0x3b: {  	_ = 	snop  }
0x3c: {  	p2 =	seq.s32 s10, $0x1;
	s10 =	sld [smem:$0x3FB4]  }
0x3d: {  	_ =	shalt  }
0x3e: {  	_ =	shalt  }
0x3f: {  	_ =	shalt  }
0x40: {  	_ =	shalt  }
0x41: {  	_ =	shalt  }
0x42: {  	_ =	shalt  }
0x43: {  	_ =	shalt  }
0x44: {  	_ =	shalt  }
0x45: {  	_ =	shalt  }
0x46: {  	_ =	shalt  }
0x47: {  	_ =	shalt  }
0x48: {  	_ =	shalt  }
0x49: {  	_ =	shalt  }
0x4a: {  	_ =	shalt  }
0x4b: {  	_ =	shalt  }
0x4c: {  	_ =	shalt  }
0x4d: {  	_ =	shalt  }
0x4e: {  	_ =	shalt  }
0x4f: {  	_ =	shalt  }
0x50: {  	_ =	shalt  }
0x51: {  	_ =	shalt  }
0x52: {  	_ =	shalt  }
0x53: {  	_ =	shalt  }
0x54: {  	_ =	shalt  }
0x55: {  	_ =	shalt  }
0x56: {  	_ =	shalt  }
0x57: {  	_ =	shalt  }
0x58: {  	_ =	shalt  }
0x59: {  	_ =	shalt  }
0x5a: {  	_ =	shalt  }
0x5b: {  	_ =	shalt  }
0x5c: {  	_ =	shalt  }
0x5d: {  	_ =	shalt  }
0x5e: {  	_ =	shalt  }
0x5f: {  	_ =	shalt  }
0x60: {  	_ =	shalt  }
0x61: {  	_ =	shalt  }
0x62: {  	_ =	shalt  }
0x63: {  	_ =	shalt  }
0x64: {  	_ =	shalt  }
0x65: {  	_ =	shalt  }
0x66: {  	_ =	shalt  }
0x67: {  	_ =	shalt  }
0x68: {  	_ =	shalt  }
0x69: {  	_ =	shalt  }
0x6a: {  	_ =	shalt  }
0x6b: {  	_ =	shalt  }
0x6c: {  	_ =	shalt  }
0x6d: {  	_ =	shalt  }
0x6e: {  	_ =	shalt  }
0x6f: {  	_ =	shalt  }
0x70: {  	_ =	shalt  }
0x71: {  	_ =	shalt  }
0x72: {  	_ =	shalt  }
0x73: {  	_ =	shalt  }
0x74: {  	_ =	shalt  }
0x75: {  	_ =	shalt  }
0x76: {  	_ =	shalt  }
0x77: {  	_ =	shalt  }
0x78: {  	_ =	shalt  }
0x79: {  	_ =	shalt  }
0x7a: {  	_ =	shalt  }
0x7b: {  	_ =	shalt  }
0x7c: {  	_ =	shalt  }
0x7d: {  	_ =	shalt  }
0x7e: {  	_ =	shalt  }
0x7f: {  	_ =	shalt  }
0x80: {  	_ =	shalt  }
0x81: {  	_ =	shalt  }
0x82: {  	_ =	shalt  }
0x83: {  	_ =	shalt  }
0x84: {  	_ =	shalt  }
0x85: {  	_ =	shalt  }
0x86: {  	_ =	shalt  }
0x87: {  	_ =	shalt  }
.Lfunc_end0:
.L_simem_size_0:
called_computation.3_lowered:
.L_overlay_start_0:
0x88: {  	s2 =	sld [smem:$0x3FD9]  }
0x89: {  	s3 =	sld [smem:$0x3FFE];
	_ =	sdelay $0x1  }
0x8a: {  	s1 =	srdreg.scid  }
0x8b: {  	s0 =	sand.u32 $0x1, s1  }
0x8c: {  	s17 =	sshll.u32 s0, $0xA;
	s2 =	sadd.s32 s3, s2  }
0x8d: {  	s2 =	sadd.s32 s2, s17  }
0x8e: {  	[smem:$0x3FC0] =	sst s2  }
0x8f: {  	_ = 	snop  }
0x90: {  	s2 =	sld [smem:$0x3FD0];
	(tm) =	ssettm $0x1  }
0x91: {  	s18 =	sld [smem:$0x3FFB];
	_ =	sdelay $0x3  }
0x92: {  	_ =	strace s18  }
0x93: {  	s3 =	sld [smem:$0x3FFC];
	_ =	sdelay $0x3  }
0x94: {  	_ =	strace s3  }
0x95: {  	s3 =	sld [smem:$0x3FFD];
	_ =	sdelay $0x3  }
0x96: {  	_ =	strace s3  }
0x97: {  	_ =	strace $0x8FFFFFFF  }
0x98: {  	s19 =	sld [smem:$0x3FDB];
	_ =	sdelay $0x1  }
0x99: {  	s4 =	simm.s32 $_scs_section_size  }
0x9a: {  	s5 =	simm.s32 $_size__tile_overlayer_lowered;
	s6 =	simm.s32 $_tile_overlayer_lowered  }
0x9b: {  	s22 =	simm.s32 $0x1BFF;
	s21 =	sshll.u32 s6, $0x1;
	s3 =	sadd.s32 s4, s19  }
0x9c: {  	s7 =	simm.s32 $0x0;
	s20 =	sshll.u32 s5, $0x1;
	s5 =	sadd.s32 s21, s3  }
0x9d: {  	[timem:s7], [sflag:s22] =	dma.local [hbm:s5], s20  }
0x9e: {  	_ =	swait.ge [sflag:s22], s20  }
0x9f: {  	s4 =	ssub.s32 $0x0, s20;
	[sflag:s22] =	ssyncset.done $0x0  }
0xa0: {  	[sflag:s22] =	ssyncadd.s32 s4;
	_ =	sdelay $0x1  }
0xa1: {  	s23 =	simm.s32 $0x1B8B  }
0xa2: {  	_ =	swait.ge [sflag:s23], $0x1  }
0xa3: {  	[sflag:s23] =	ssyncset.done $0x0  }
0xa4: {  	s25 =	simm.s32 $0x1B8E;
	s24 =	sld [smem:$0x3FFE];
	[sflag:s23] =	ssyncadd.s32 $0xFFFFFFFF  }
0xa5: {  	s26 =	simm.s32 $execute0_lowered;
	[smem:$0x3FD2] =	sst s25  }
0xa6: {  	s5 =	sshll.u32 s26, $0x1;
	_ =	strace $0x8000004F;
	[dreg:$0x1] =	wrdreg $0xFFFFFFFF  }
0xa7: {  	s28 =	simm.s32 $_size_execute0_lowered;
	s3 =	sadd.s32 s3, s5;
	[dreg:$0x0] =	wrdreg $0x0  }
0xa8: {  	s5 =	sshll.u32 s28, $0x1;
	[dreg:$0x2] =	wrdreg s3  }
0xa9: {  	[dreg:$0x3] =	wrdreg s5  }
0xaa: {  	[dreg:$0x4] =	wrdreg $0xC0  }
0xab: {  	_ =	task [dreg:s7], $0x5FFFF  }
0xac: {  	[dreg:$0x1] =	wrdreg $0xFFFFFFFF  }
0xad: {  	[dreg:$0x0] =	wrdreg $0x60  }
0xae: {  	[dreg:$0x2] =	wrdreg s24  }
0xaf: {  	[dreg:$0x3] =	wrdreg s2  }
0xb0: {  	[dreg:$0x4] =	wrdreg $0xBE000  }
0xb1: {  	[dreg:$0x5] =	wrdreg $0x15C000  }
0xb2: {  	[dreg:$0x6] =	wrdreg $0x9  }
0xb3: {  	_ =	task.clear_ibuf [dreg:s7], $0x7FFFF;
	_ =	strace $0x9000004F  }
0xb4: {  	s29 =	simm.s32 $0x9;
	_ =	strace $0x80000051  }
0xb5: {  	_ =	swait.ge [sflag:s29], $0x1  }
0xb6: {  	[sflag:s29] =	ssyncadd.s32 $0xFFFFFFFF  }
0xb7: {  	_ =	strace $0x90000051  }
0xb8: {  	_ =	sfence  }
0xb9: {  	s30 =	sld [smem:$0x0];
	_ =	sdelay $0x2  }
0xba: {  	s31 =	sshll.u32 s1, $0xD;
	s1 =	sshrl.u32 s1, $0x2  }
0xbb: {  	s3 =	sand.u32 $0x4000, s31;
	s1 =	sadd.s32 s1, s30  }
0xbc: {  	s0 =	sor.u32 s3, s0;
	s1 =	sshll.u32 s1, $0x11  }
0xbd: {  	s0 =	sor.u32 s1, s0  }
0xbe: {  	s0 =	sadd.s32 $0x8F2B, s0  }
0xbf: {  	[sflag:s0] =	ssyncadd.remote.s32 $0x1  }
0xc0: {  	_ =	sfence.sel $0xFFFF  }
0xc1: {  	[dreg:$0x0] =	wrdreg $0xFFFFFFFF;
	(pc) =	sbr.abs _section_cstart, $3  }
0xc2: {  	[dreg:$0x1] =	wrdreg $0xFFFFFFFF  }
0xc3: {  	_ =	task.clear_ibuf [dreg:s7], $0x2FFFF;
	_ =	strace $0x9FFFFFFF  }
0xc4: {  	(tm) =	ssettm $0x7FFFFFFF  }
0xc5: {  	_ =	shalt  }
tec
execute0_lowered:
.L_overlay_start_1:
0x0: {  	(tag) =	ssettag $0x1  }
0x1: {  	s5 =	rddreg [dreg:$0x0]  }
0x2: {  	s8 =	rddreg [dreg:$0x1]  }
0x3: {  	s2 =	rddreg [dreg:$0x2]  }
0x4: {  	s3 =	rddreg [dreg:$0x3]  }
0x5: {  	s0 =	rddreg [dreg:$0x4]  }
0x6: {  	s1 =	stileid.u32;
	s4 =	simm.s32 $0x0;
	s7 =	srdreg.scid  }
0x7: {  	s15 =	simm.s32 $0x1;
	s16 =	simm.s32 $0x8;
	s17 =	simm.s32 $0x10  }
0x8: {  	s19 =	simm.s32 $0x40;
	s20 =	simm.s32 $0x9E00;
	s21 =	simm.s32 $0xAE00  }
0x9: {  	s22 =	simm.s32 $0x2;
	s23 =	simm.s32 $0x9D80;
	s6 =	smul.u32 $0x9E0, s1  }
0xa: {  	s24 =	simm.s32 $0x9DC0;
	s25 =	simm.s32 $0x0;
	s9 =	smul.u32 $0x13C00, s1  }
0xb: {  	[smem:$0x7FF] =	sst s4;
	s7 =	sand.u32 $0x1, s7;
	s11 =	smul.u32 $0x9E00, s1  }
0xc: {  	s13 =	sshll.u32 s1, $0x6;
	_ =	strace $0x80000050;
	s10 =	sshll.u32 s7, $0x6  }
0xd: {  	s7 =	ssub.s32 $0x2, s7;
	s13 =	sor.u32 $0x1C03, s13;
	s6 =	sadd.s32 s6, s5  }
0xe: {  	s9 =	sor.u32 s10, s9;
	s31 =	sshrl.u32 s7, $0x1;
	s14 =	sadd.s32 s11, s2  }
0xf: {  	s12 =	sshrl.u32 s11, $0x3;
	s18 =	sadd.s32 s11, s3;
	s11 =	simm.s32 $0x3  }
0x10: {  	s9 =	sshrl.u32 s9, $0x3;
	s10 =	ssub.s32 s7, s31;
	s8 =	sadd.s32 s8, s12  }
0x11: {  	s12 =	simm.s32 $0x4F00;
	s14 =	sshrl.u32 s14, $0x3;
	s18 =	sshrl.u32 s18, $0x3  }
0x12: {  	s9 =	sadd.s32 s9, s5;
	s5 =	sadd.s32 $0x3A00, s6;
	s6 =	sadd.s32 $0x1C600, s6  }
0x13: {  	s10 =	smax.u32 s10, $0x1;
	s7 =	sadd.s32 $0x4DC00, s9;
	s9 =	sadd.s32 $0x75400, s9  }
.LBB2_1:
0x14: {  	[tilespmem:s4], [sflag:$0x3] =	stream.linear.gather [hbm4b:s5+s4], $0x4F00, $0x38;
	[tilespmem:$0x1FA00] =	vst v63  }
0x15: {  	_ =	swait.ge [sflag:s11], $0x4F00  }
0x16: {  	[sflag:s11] =	ssyncset.done $0x0  }
0x17: {  	[sflag:s11] =	ssyncadd.s32 $0xFFFFB100  }
0x18: {  	[tilespmem:s12], [sflag:$0x3] =	stream.linear.gather [hbm4b:s6+s4], $0x4F00, $0x38;
	[tilespmem:$0x1FA00] =	vst v63  }
0x19: {  	_ =	swait.ge [sflag:s11], $0x4F00  }
0x1a: {  	[sflag:s11] =	ssyncset.done $0x0  }
0x1b: {  	[sflag:s11] =	ssyncadd.s32 $0xFFFFB100  }
0x1c: {  	[spmem:s14@s16], [sflag:s13] =	dma.strided [hbm:s7@s17], $0x13C0, s15, $0x8   }
0x1d: {  	_ =	swait.ge [sflag:s11], $0x13C0  }
0x1e: {  	[sflag:s11] =	ssyncset.done $0x0  }
0x1f: {  	[sflag:s11] =	ssyncadd.s32 $0xFFFFEC40  }
0x20: {  	[spmem:s18], [sflag:s13] =	dma.local [hbm:s8], $0x13C0  }
0x21: {  	_ =	swait.ge [sflag:s11], $0x13C0  }
0x22: {  	[sflag:s11] =	ssyncset.done $0x0  }
0x23: {  	[sflag:s11] =	ssyncadd.s32 $0xFFFFEC40  }
0x24: {  	[bflag:$0x0] =	sbarrier.arrive $0xFFFF  }
0x25: {  	[tilespmem:s20], [sflag:$0x1] =	stream.indirect.gather [spmem:s2], $0x40, s4, s19, $0xb8;
	[tilespmem:$0x1FA00] =	vst v63  }
0x26: {  	_ = 	snop  }
0x27: {  	[tilespmem:s21], [sflag:$0x2] =	stream.indirect.gather [spmem:s2], $0x40, s19, s19, $0xb8;
	[tilespmem:$0x1FA00] =	vst v63  }
0x28: {  	_ =	swait.ge [sflag:s15], $0x1000  }
0x29: {  	[sflag:s15] =	ssyncset.done $0x0  }
0x2a: {  	s26 =	simm.s32 $0x4F00;
	[sflag:s15] =	ssyncadd.s32 $0xFFFFF000  }
0x2b: {  	[spmem:s3] =	stream.indirect.scatter.add.f32 [tilespmem:s20], [sflag:$0x3], $0x40, s26, s19, $0xb8;
	[tilespmem:$0x1FA00] =	vst v63  }
0x2c: {  	_ =	swait.ge [sflag:s11], $0x1000  }
0x2d: {  	[sflag:s11] =	ssyncset.done $0x0  }
0x2e: {  	s30 =	simm.s32 $0x80;
	[sflag:s11] =	ssyncadd.s32 $0xFFFFF000  }
0x2f: {  	[tilespmem:s20], [sflag:$0x1] =	stream.indirect.gather [spmem:s2], $0x40, s30, s19, $0xb8;
	[tilespmem:$0x1FA00] =	vst v63  }
0x30: {  	_ =	swait.ge [sflag:s22], $0x1000  }
0x31: {  	[sflag:s22] =	ssyncset.done $0x0  }
0x32: {  	s31 =	simm.s32 $0x4F40;
	[sflag:s22] =	ssyncadd.s32 $0xFFFFF000  }
0x33: {  	[spmem:s3] =	stream.indirect.scatter.add.f32 [tilespmem:s21], [sflag:$0x3], $0x40, s31, s19, $0xb8;
	[tilespmem:$0x1FA00] =	vst v63  }
0x34: {  	_ =	swait.ge [sflag:s11], $0x1000  }
0x35: {  	[sflag:s11] =	ssyncset.done $0x0  }
0x36: {  	s28 =	simm.s32 $0xC0;
	s26 =	simm.s32 $0x200;
	[sflag:s11] =	ssyncadd.s32 $0xFFFFF000  }
.LBB2_2:
0x37: {  	[tilespmem:s21], [sflag:$0x2] =	stream.indirect.gather [spmem:s2], $0x40, s28, s19, $0xb8;
	[tilespmem:$0x1FA00] =	vst v63  }
0x38: {  	s28 =	smov.u32 s26  }
0x39: {  	p0 =	sne.s32 s26, $0x13800;
	s26 =	sadd.s32 $0x200, s26;
	_ =	swait.ge [sflag:s15], $0x1000  }
0x3a: {  	s28 =	sshra.s32 s28, $0x2;
	[sflag:s15] =	ssyncset.done $0x0  }
0x3b: {  	s29 =	sadd.s32 $0x4F00, s28;
	[sflag:s15] =	ssyncadd.s32 $0xFFFFF000  }
0x3c: {  	[spmem:s3] =	stream.indirect.scatter.add.f32 [tilespmem:s20], [sflag:$0x3], $0x40, s29, s19, $0xb8;
	[tilespmem:$0x1FA00] =	vst v63  }
0x3d: {  	_ =	swait.ge [sflag:s11], $0x1000  }
0x3e: {  	[sflag:s11] =	ssyncset.done $0x0  }
0x3f: {  	s29 =	sadd.s32 $0x80, s28;
	[sflag:s11] =	ssyncadd.s32 $0xFFFFF000  }
0x40: {  	[tilespmem:s20], [sflag:$0x1] =	stream.indirect.gather [spmem:s2], $0x40, s29, s19, $0xb8;
	[tilespmem:$0x1FA00] =	vst v63  }
0x41: {  	_ =	swait.ge [sflag:s22], $0x1000  }
0x42: {  	[sflag:s22] =	ssyncset.done $0x0  }
.Ltmp0:
0x43: {  	s29 =	sadd.s32 $0x4F40, s28;
	[sflag:s22] =	ssyncadd.s32 $0xFFFFF000;
	(pc) =	sbr.rel @p0 .LBB2_2-.Ltmp0, $4  }
0x44: {  	[spmem:s3] =	stream.indirect.scatter.add.f32 [tilespmem:s21], [sflag:$0x3], $0x40, s29, s19, $0xb8;
	[tilespmem:$0x1FA00] =	vst v63  }
0x45: {  	_ =	swait.ge [sflag:s11], $0x1000  }
0x46: {  	[sflag:s11] =	ssyncset.done $0x0  }
0x47: {  	s28 =	sadd.s32 $0xC0, s28;
	[sflag:s11] =	ssyncadd.s32 $0xFFFFF000  }
0x48: {  	[tilespmem:s21], [sflag:$0x2] =	stream.indirect.gather [spmem:s2], $0x40, s28, s19, $0xb8;
	[tilespmem:$0x1FA00] =	vst v63  }
0x49: {  	_ =	swait.ge [sflag:s15], $0x1000  }
0x4a: {  	[sflag:s15] =	ssyncset.done $0x0  }
0x4b: {  	[sflag:s15] =	ssyncadd.s32 $0xFFFFF000  }
0x4c: {  	[spmem:s3] =	stream.indirect.scatter.add.f32 [tilespmem:s20], [sflag:$0x3], $0x40, s23, s19, $0xb8;
	[tilespmem:$0x1FA00] =	vst v63  }
0x4d: {  	_ =	swait.ge [sflag:s11], $0x1000  }
0x4e: {  	[sflag:s11] =	ssyncset.done $0x0  }
0x4f: {  	[sflag:s11] =	ssyncadd.s32 $0xFFFFF000  }
0x50: {  	_ =	swait.ge [sflag:s22], $0x1000  }
0x51: {  	[sflag:s22] =	ssyncset.done $0x0  }
0x52: {  	[sflag:s22] =	ssyncadd.s32 $0xFFFFF000  }
0x53: {  	[spmem:s3] =	stream.indirect.scatter.add.f32 [tilespmem:s21], [sflag:$0x3], $0x40, s24, s19, $0xb8;
	[tilespmem:$0x1FA00] =	vst v63  }
0x54: {  	_ =	swait.ge [sflag:s11], $0x1000  }
0x55: {  	s25 =	sadd.s32 $0x1, s25;
	[sflag:s11] =	ssyncset.done $0x0  }
0x56: {  	p0 =	sne.s32 s25, s10;
	[sflag:s11] =	ssyncadd.s32 $0xFFFFF000  }
.Ltmp1:
0x57: {  	[bflag:$0x0] =	sbarrier.arrive $0xFFFF;
	(pc) =	sbr.rel @p0 .LBB2_1-.Ltmp1, $4  }
0x58: {  	[hbm:s9@s17], [sflag:s13] =	dma.strided [spmem:s18@s16], $0x13C0, s15, $0x8   }
0x59: {  	_ =	swait.ge [sflag:s11], $0x13C0  }
0x5a: {  	[sflag:s11] =	ssyncset.done $0x0  }
0x5b: {  	[sflag:s11] =	ssyncadd.s32 $0xFFFFEC40  }
0x5c: {  	_ =	sfence.sel $0x180000  }
0x5d: {  	[bflag:$0x0] =	sbarrier.arrive $0xFFFF  }
0x5e: {  	p0 =	sne.s32 s1, $0x0;
	_ =	strace $0x90000050  }
0x5f: {  	s0 =	sadd.s32 @!p0 $0x100000, s0;
	[bflag:$0x2] =	sbarrier.arrive $0xFFFF  }
0x60: {  	[sflag:s0] =	ssyncadd.tile.s32 @!p0 $0x1;
	_ =	shalt  }
.Lfunc_end2:
_tile_overlayer_lowered:
.L_overlay_start_2:
0x61: {  	(tag) =	ssettag $0x2  }
0x62: {  	s0 =	rddreg [dreg:$0x0];
	s2 =	stileid.u32  }
0x63: {  	s1 =	rddreg [dreg:$0x1];
	p0 =	sne.s32 s2, $0x0  }
0x64: {  	s3 =	rddreg [dreg:$0x2];
	[bflag:$0x3] =	sbarrier.arrive $0xFFFF;
	s2 =	simm.s32 @!p0 $0x1C03  }
0x65: {  	[timem:s3], [sflag:s2] =	dma.local @!p0 [hbm:s0], s1  }
0x66: {  	s0 =	simm.s32 @!p0 $0x3  }
0x67: {  	_ =	swait.ge @!p0 [sflag:s0], s1  }
0x68: {  	s1 =	ssub.s32 @!p0 $0x0, s1;
	[sflag:s0] =	ssyncset.done @!p0 $0x0  }
0x69: {  	[sflag:s0] =	ssyncadd.s32 @!p0 s1  }
0x6a: {  	[bflag:$0x3] =	sbarrier.arrive $0xFFFF  }
0x6b: {  	_ =	shalt  }

</sc_bundles>
